<compile_context>
chip_gen: v7x
topology: tpu7x:2x2x1
jax: 0.10.2.dev20260603
libtpu: 0.0.44.dev20260713+nightly
codegen_flags: <defaults>
</compile_context>

<pallas_src>
import jax
import jax.numpy as jnp
from jax import lax
from jax.experimental import pallas as pl
from jax.experimental.pallas import tpu as pltpu
from jax.experimental.pallas import tpu_sc as plsc

N = 10000
E = 320000
D = 128

NC = 2
NS = 16
NW = NC * NS
EPW = E // NW
C = 40
NCHUNK = EPW // C
UNROLL = 6
NLD = 10
RPS = N // NLD
MASK_HI = jnp.int32(-65536)


def _sc_kernel_body(r16_hbm, e_hbm, src_hbm, dst_hbm, z_hbm, out_hbm,
                    acc_sh, gidx, sidx, e_v, g_v, m_v, *sems):
    c = lax.axis_index("c")
    s = lax.axis_index("s")
    wid = c * NS + s
    sem_gi = sems[0:3]
    sem_si = sems[3:6]
    sem_ld = sems[6:8]
    sem_sc = sems[8:10]

    def gidx_descs(k, sl):
        base = wid * EPW + k * C
        return (
            pltpu.make_async_copy(src_hbm.at[pl.ds(base, C)],
                                  gidx.at[sl, pl.ds(0, C)], sem_gi[sl]),
            pltpu.make_async_copy(dst_hbm.at[pl.ds(base, C)],
                                  gidx.at[sl, pl.ds(C, C)], sem_gi[sl]),
        )

    def sidx_descs(k, sl):
        base = wid * EPW + k * C
        return (
            pltpu.make_async_copy(dst_hbm.at[pl.ds(base, C)],
                                  sidx.at[sl, pl.ds(0, C)], sem_si[sl]),
            pltpu.make_async_copy(src_hbm.at[pl.ds(base, C)],
                                  sidx.at[sl, pl.ds(C, C)], sem_si[sl]),
        )

    def load_descs(k, b, sl):
        base = wid * EPW + k * C
        return (
            pltpu.make_async_copy(e_hbm.at[pl.ds(base, C)], e_v.at[b],
                                  sem_ld[b]),
            pltpu.make_async_copy(r16_hbm.at[gidx.at[sl]], g_v.at[b],
                                  sem_ld[b]),
        )

    def scat_desc(b, sl):
        return pltpu.make_async_copy(m_v.at[b], acc_sh.at[sidx.at[sl]],
                                     sem_sc[b])

    for d in gidx_descs(0, 0):
        d.start()
    for d in gidx_descs(1, 1):
        d.start()
    for d in sidx_descs(0, 0):
        d.start()
    for d in gidx_descs(0, 0):
        d.wait()
    for d in load_descs(0, 0, 0):
        d.start()

    @pl.when(s < NLD)
    def _zero():
        pltpu.sync_copy(z_hbm.at[pl.ds(s * RPS, RPS)],
                        acc_sh.at[pl.ds(s * RPS, RPS)])

    plsc.subcore_barrier()

    def do_chunk(k, j, in_loop):
        b2 = j % 2
        b3 = j % 3

        def _drain():
            scat_desc(b2, b3).wait()

        if in_loop:
            pl.when(k >= 2)(_drain)
        else:
            _drain()

        if in_loop or k + 2 < NCHUNK:
            for d in gidx_descs(k + 2, (b3 + 2) % 3):
                d.start()

        if in_loop or k + 1 < NCHUNK:
            for d in gidx_descs(k + 1, (b3 + 1) % 3):
                d.wait()
            for d in load_descs(k + 1, (b2 + 1) % 2, (b3 + 1) % 3):
                d.start()

        for d in load_descs(k, b2, b3):
            d.wait()

        ev_r = e_v.at[b2]
        g_r = g_v.at[b2]
        m_r = m_v.at[b2]

        def mul_body(i, carry):
            for jj in range(D // 32):
                lo = pl.ds(jj * 32, 16)
                hi = pl.ds(jj * 32 + 16, 16)
                e_lo = ev_r[i, lo]
                e_hi = ev_r[i, hi]
                s_w = g_r[i, pl.ds(jj * 16, 16)]
                d_w = g_r[C + i, pl.ds(jj * 16, 16)]
                s_lo = lax.bitcast_convert_type(s_w << 16, jnp.float32)
                s_hi = lax.bitcast_convert_type(s_w & MASK_HI, jnp.float32)
                d_lo = lax.bitcast_convert_type(d_w << 16, jnp.float32)
                d_hi = lax.bitcast_convert_type(d_w & MASK_HI, jnp.float32)
                m_r[i, lo] = s_lo * e_lo
                m_r[i, hi] = s_hi * e_hi
                m_r[C + i, lo] = d_lo * e_lo
                m_r[C + i, hi] = d_hi * e_hi
            return carry

        del mul_body

        for d in sidx_descs(k, b3):
            d.wait()
        pltpu.async_copy(m_v.at[b2], acc_sh.at[sidx.at[b3]], sem_sc[b2],
                         add=True)

        if in_loop or k + 1 < NCHUNK:
            for d in sidx_descs(k + 1, (b3 + 1) % 3):
                d.start()

    NTAIL = NCHUNK % UNROLL
    NMAIN = NCHUNK - NTAIL

    @pl.loop(0, NMAIN, step=UNROLL)
    def _trips(k0):
        for j in range(UNROLL):
            do_chunk(k0 + j, j, True)

    for k in range(NMAIN, NCHUNK):
        do_chunk(k, k % UNROLL, False)

    k1, k2 = NCHUNK - 2, NCHUNK - 1
    scat_desc(k1 % 2, k1 % 3).wait()
    scat_desc(k2 % 2, k2 % 3).wait()

    plsc.subcore_barrier()

    @pl.when(s < NLD)
    def _dump():
        pltpu.sync_copy(acc_sh.at[pl.ds(s * RPS, RPS)],
                        out_hbm.at[c, pl.ds(s * RPS, RPS)])


@jax.jit
def _message_passing_sc(r16, e, src, dst, z):
    mesh = plsc.VectorSubcoreMesh(core_axis_name="c", subcore_axis_name="s")
    partials = pl.kernel(
        _sc_kernel_body,
        out_type=jax.ShapeDtypeStruct((NC, N, D), jnp.float32),
        mesh=mesh,
        compiler_params=pltpu.CompilerParams(use_tc_tiling_on_sc=False),
        scratch_types=[
            pltpu.VMEM_SHARED((N, D), jnp.float32),
            pltpu.VMEM((3, 2 * C), jnp.int32),
            pltpu.VMEM((3, 2 * C), jnp.int32),
            pltpu.VMEM((2, C, D), jnp.float32),
            pltpu.VMEM((2, 2 * C, D // 2), jnp.int32),
            pltpu.VMEM((2, 2 * C, D), jnp.float32),
        ] + [pltpu.SemaphoreType.DMA] * 10,
    )(r16, e, src, dst, z)
    return partials


def _add_body(a_ref, b_ref, o_ref):
    o_ref[...] = a_ref[...] + b_ref[...]


def _combine_tc(partials):
    return pl.pallas_call(
        _add_body,
        out_shape=jax.ShapeDtypeStruct((N, D), jnp.float32),
        grid=(10,),
        in_specs=[
            pl.BlockSpec((N // 10, D), lambda i: (i, 0)),
            pl.BlockSpec((N // 10, D), lambda i: (i, 0)),
        ],
        out_specs=pl.BlockSpec((N // 10, D), lambda i: (i, 0)),
    )(partials[0], partials[1])


def kernel(r, e, a):
    a = a.astype(jnp.int32)
    src = a[:, 0]
    dst = a[:, 1]
    r16 = (r.reshape(N, D // 32, 2, 16)
             .transpose(0, 1, 3, 2)
             .reshape(N, D // 2, 2)
             .astype(jnp.bfloat16))
    r16 = lax.bitcast_convert_type(r16, jnp.int32)
    z = jnp.zeros((N, D), jnp.float32)
    partials = _message_passing_sc(r16, e, src, dst, z)
    return _combine_tc(partials)

# --- scband reference (transcript-rebuilt; emitter-appended) ---
"""Pipeline reference for scband-message-passing-module-6305011990992 (READ-ONLY COPY).

The authoritative reference and input builder live on the scoring server;
editing this copy changes nothing except your own understanding.
"""

import jax, jax.numpy as jnp
import numpy as np

N = 10000
E = 320000
D = 128

def setup_inputs(seed: int = 0) -> dict:
    key = jax.random.key(seed)
    k_r, k_e, k_a = jax.random.split(key, 3)
    r = jax.random.normal(k_r, (N, D), dtype=jnp.float32)
    e = jax.random.normal(k_e, (E, D), dtype=jnp.float32)
    a = jax.random.randint(k_a, (E, 2), 0, N, dtype=jnp.int64)
    return {"r": r, "e": e, "a": a}

def reference(r, e, a):
    # message: gather source/dest node features, modulate by edge features
    rij = r[a[:, 0]] * e
    rji = r[a[:, 1]] * e
    graph_size = r.shape[0]
    # aggregate: scatter-add messages to nodes
    out = jax.ops.segment_sum(rij, a[:, 1], num_segments=graph_size)
    out = out + jax.ops.segment_sum(rji, a[:, 0], num_segments=graph_size)
    # update: identity
    return out

if __name__ == "__main__":
    import jax
    _d = setup_inputs()
    print(jax.jit(kernel)(*tuple(_d.values())))

</pallas_src>

<mosaic_0001>
#map = affine_map<(d0, d1) -> (0, 0)>
#map1 = affine_map<(d0, d1) -> (0)>
#map2 = affine_map<(d0, d1) -> (0, 0, 0)>
module attributes {stable_mosaic.version = 14 : i64} {
  func.func @_sc_kernel_body(%arg0: i32, %arg1: i32, %arg2: memref<10000x64xi32, #tpu.memory_space<hbm>>, %arg3: memref<320000x128xf32, #tpu.memory_space<hbm>>, %arg4: memref<320000xi32, #tpu.memory_space<hbm>>, %arg5: memref<320000xi32, #tpu.memory_space<hbm>>, %arg6: memref<10000x128xf32, #tpu.memory_space<hbm>>, %arg7: memref<2x10000x128xf32, #tpu.memory_space<hbm>>, %arg8: memref<10000x128xf32, #tpu.memory_space<vmem_shared>>, %arg9: memref<3x80xi32, #tpu.memory_space<vmem>>, %arg10: memref<3x80xi32, #tpu.memory_space<vmem>>, %arg11: memref<2x40x128xf32, #tpu.memory_space<vmem>>, %arg12: memref<2x80x64xi32, #tpu.memory_space<vmem>>, %arg13: memref<2x80x128xf32, #tpu.memory_space<vmem>>, %arg14: memref<!tpu.dma_semaphore, #tpu.memory_space<semaphore_mem>>, %arg15: memref<!tpu.dma_semaphore, #tpu.memory_space<semaphore_mem>>, %arg16: memref<!tpu.dma_semaphore, #tpu.memory_space<semaphore_mem>>, %arg17: memref<!tpu.dma_semaphore, #tpu.memory_space<semaphore_mem>>, %arg18: memref<!tpu.dma_semaphore, #tpu.memory_space<semaphore_mem>>, %arg19: memref<!tpu.dma_semaphore, #tpu.memory_space<semaphore_mem>>, %arg20: memref<!tpu.dma_semaphore, #tpu.memory_space<semaphore_mem>>, %arg21: memref<!tpu.dma_semaphore, #tpu.memory_space<semaphore_mem>>, %arg22: memref<!tpu.dma_semaphore, #tpu.memory_space<semaphore_mem>>, %arg23: memref<!tpu.dma_semaphore, #tpu.memory_space<semaphore_mem>>) attributes {dimension_semantics = [#tpu.dimension_semantics<core_parallel>, #tpu.dimension_semantics<subcore_parallel>], iteration_bounds = array<i64: 2, 16>, scalar_prefetch = 0 : i64, scratch_operands = 16 : i64, tpu.core_type = #tpu.core_type<sc_vector_subcore>, window_params = [{transform_indices = #map}, {transform_indices = #map}, {transform_indices = #map1}, {transform_indices = #map1}, {transform_indices = #map}, {transform_indices = #map2}]} {
    %mul3A = arith.constant 16 : i32
    %mul3A_0 = arith.muli %arg0, %mul3A : i32
    %add3A = arith.addi %mul3A_0, %arg1 : i32
    %mul3A_1 = arith.constant 10000 : i32
    %mul3A_2 = arith.muli %add3A, %mul3A_1 : i32
    %add3A_3 = arith.constant 0 : i32
    %add3A_4 = arith.addi %mul3A_2, %add3A_3 : i32
    %dma_start3A = arith.constant 0 : i32
    %dma_start3A_5 = arith.constant 0 : i32
    %dma_start3A_6 = tpu.memref_slice %arg9[%dma_start3A, %dma_start3A_5] : memref<3x80xi32, #tpu.memory_space<vmem>> -> memref<1x40xi32, #tpu.memory_space<vmem>>
    %dma_start3A_7 = tpu.memref_squeeze %dma_start3A_6 : memref<1x40xi32, #tpu.memory_space<vmem>> -> memref<40xi32, #tpu.memory_space<vmem>>
    %dma_start3A_8 = tpu.memref_slice %arg4[%add3A_4] : memref<320000xi32, #tpu.memory_space<hbm>> -> memref<40xi32, #tpu.memory_space<hbm>>
    %dma_start3A_9 = arith.constant 0 : i32
    %dma_start3A_10 = tpu.memref_slice %arg9[%dma_start3A, %dma_start3A_9] : memref<3x80xi32, #tpu.memory_space<vmem>> -> memref<1x40xi32, #tpu.memory_space<vmem>>
    %dma_start3A_11 = tpu.memref_squeeze %dma_start3A_10 : memref<1x40xi32, #tpu.memory_space<vmem>> -> memref<40xi32, #tpu.memory_space<vmem>>
    %dma_start3A_12 = tpu.memref_slice %arg4[%add3A_4] : memref<320000xi32, #tpu.memory_space<hbm>> -> memref<40xi32, #tpu.memory_space<hbm>>
    tpu.enqueue_dma source(%dma_start3A_12 : memref<40xi32, #tpu.memory_space<hbm>>) target(%dma_start3A_11 : memref<40xi32, #tpu.memory_space<vmem>>) target_semaphore(%arg14 : memref<!tpu.dma_semaphore, #tpu.memory_space<semaphore_mem>>)
    %dma_start3A_13 = arith.constant 0 : i32
    %dma_start3A_14 = arith.constant 40 : i32
    %dma_start3A_15 = tpu.memref_slice %arg9[%dma_start3A_13, %dma_start3A_14] : memref<3x80xi32, #tpu.memory_space<vmem>> -> memref<1x40xi32, #tpu.memory_space<vmem>>
    %dma_start3A_16 = tpu.memref_squeeze %dma_start3A_15 : memref<1x40xi32, #tpu.memory_space<vmem>> -> memref<40xi32, #tpu.memory_space<vmem>>
    %dma_start3A_17 = tpu.memref_slice %arg5[%add3A_4] : memref<320000xi32, #tpu.memory_space<hbm>> -> memref<40xi32, #tpu.memory_space<hbm>>
    %dma_start3A_18 = arith.constant 40 : i32
    %dma_start3A_19 = tpu.memref_slice %arg9[%dma_start3A_13, %dma_start3A_18] : memref<3x80xi32, #tpu.memory_space<vmem>> -> memref<1x40xi32, #tpu.memory_space<vmem>>
    %dma_start3A_20 = tpu.memref_squeeze %dma_start3A_19 : memref<1x40xi32, #tpu.memory_space<vmem>> -> memref<40xi32, #tpu.memory_space<vmem>>
    %dma_start3A_21 = tpu.memref_slice %arg5[%add3A_4] : memref<320000xi32, #tpu.memory_space<hbm>> -> memref<40xi32, #tpu.memory_space<hbm>>
    tpu.enqueue_dma source(%dma_start3A_21 : memref<40xi32, #tpu.memory_space<hbm>>) target(%dma_start3A_20 : memref<40xi32, #tpu.memory_space<vmem>>) target_semaphore(%arg14 : memref<!tpu.dma_semaphore, #tpu.memory_space<semaphore_mem>>)
    %mul3A_22 = arith.constant 10000 : i32
    %mul3A_23 = arith.muli %add3A, %mul3A_22 : i32
    %add3A_24 = arith.constant 40 : i32
    %add3A_25 = arith.addi %mul3A_23, %add3A_24 : i32
    %dma_start3A_26 = arith.constant 1 : i32
    %dma_start3A_27 = arith.constant 0 : i32
    %dma_start3A_28 = tpu.memref_slice %arg9[%dma_start3A_26, %dma_start3A_27] : memref<3x80xi32, #tpu.memory_space<vmem>> -> memref<1x40xi32, #tpu.memory_space<vmem>>
    %dma_start3A_29 = tpu.memref_squeeze %dma_start3A_28 : memref<1x40xi32, #tpu.memory_space<vmem>> -> memref<40xi32, #tpu.memory_space<vmem>>
    %dma_start3A_30 = tpu.memref_slice %arg4[%add3A_25] : memref<320000xi32, #tpu.memory_space<hbm>> -> memref<40xi32, #tpu.memory_space<hbm>>
    %dma_start3A_31 = arith.constant 0 : i32
    %dma_start3A_32 = tpu.memref_slice %arg9[%dma_start3A_26, %dma_start3A_31] : memref<3x80xi32, #tpu.memory_space<vmem>> -> memref<1x40xi32, #tpu.memory_space<vmem>>
    %dma_start3A_33 = tpu.memref_squeeze %dma_start3A_32 : memref<1x40xi32, #tpu.memory_space<vmem>> -> memref<40xi32, #tpu.memory_space<vmem>>
    %dma_start3A_34 = tpu.memref_slice %arg4[%add3A_25] : memref<320000xi32, #tpu.memory_space<hbm>> -> memref<40xi32, #tpu.memory_space<hbm>>
    tpu.enqueue_dma source(%dma_start3A_34 : memref<40xi32, #tpu.memory_space<hbm>>) target(%dma_start3A_33 : memref<40xi32, #tpu.memory_space<vmem>>) target_semaphore(%arg15 : memref<!tpu.dma_semaphore, #tpu.memory_space<semaphore_mem>>)
    %dma_start3A_35 = arith.constant 1 : i32
    %dma_start3A_36 = arith.constant 40 : i32
    %dma_start3A_37 = tpu.memref_slice %arg9[%dma_start3A_35, %dma_start3A_36] : memref<3x80xi32, #tpu.memory_space<vmem>> -> memref<1x40xi32, #tpu.memory_space<vmem>>
    %dma_start3A_38 = tpu.memref_squeeze %dma_start3A_37 : memref<1x40xi32, #tpu.memory_space<vmem>> -> memref<40xi32, #tpu.memory_space<vmem>>
    %dma_start3A_39 = tpu.memref_slice %arg5[%add3A_25] : memref<320000xi32, #tpu.memory_space<hbm>> -> memref<40xi32, #tpu.memory_space<hbm>>
    %dma_start3A_40 = arith.constant 40 : i32
    %dma_start3A_41 = tpu.memref_slice %arg9[%dma_start3A_35, %dma_start3A_40] : memref<3x80xi32, #tpu.memory_space<vmem>> -> memref<1x40xi32, #tpu.memory_space<vmem>>
    %dma_start3A_42 = tpu.memref_squeeze %dma_start3A_41 : memref<1x40xi32, #tpu.memory_space<vmem>> -> memref<40xi32, #tpu.memory_space<vmem>>
    %dma_start3A_43 = tpu.memref_slice %arg5[%add3A_25] : memref<320000xi32, #tpu.memory_space<hbm>> -> memref<40xi32, #tpu.memory_space<hbm>>
    tpu.enqueue_dma source(%dma_start3A_43 : memref<40xi32, #tpu.memory_space<hbm>>) target(%dma_start3A_42 : memref<40xi32, #tpu.memory_space<vmem>>) target_semaphore(%arg15 : memref<!tpu.dma_semaphore, #tpu.memory_space<semaphore_mem>>)
    %mul3A_44 = arith.constant 10000 : i32
    %mul3A_45 = arith.muli %add3A, %mul3A_44 : i32
    %add3A_46 = arith.constant 0 : i32
    %add3A_47 = arith.addi %mul3A_45, %add3A_46 : i32
    %dma_start3A_48 = arith.constant 0 : i32
    %dma_start3A_49 = arith.constant 0 : i32
    %dma_start3A_50 = tpu.memref_slice %arg10[%dma_start3A_48, %dma_start3A_49] : memref<3x80xi32, #tpu.memory_space<vmem>> -> memref<1x40xi32, #tpu.memory_space<vmem>>
    %dma_start3A_51 = tpu.memref_squeeze %dma_start3A_50 : memref<1x40xi32, #tpu.memory_space<vmem>> -> memref<40xi32, #tpu.memory_space<vmem>>
    %dma_start3A_52 = tpu.memref_slice %arg5[%add3A_47] : memref<320000xi32, #tpu.memory_space<hbm>> -> memref<40xi32, #tpu.memory_space<hbm>>
    %dma_start3A_53 = arith.constant 0 : i32
    %dma_start3A_54 = tpu.memref_slice %arg10[%dma_start3A_48, %dma_start3A_53] : memref<3x80xi32, #tpu.memory_space<vmem>> -> memref<1x40xi32, #tpu.memory_space<vmem>>
    %dma_start3A_55 = tpu.memref_squeeze %dma_start3A_54 : memref<1x40xi32, #tpu.memory_space<vmem>> -> memref<40xi32, #tpu.memory_space<vmem>>
    %dma_start3A_56 = tpu.memref_slice %arg5[%add3A_47] : memref<320000xi32, #tpu.memory_space<hbm>> -> memref<40xi32, #tpu.memory_space<hbm>>
    tpu.enqueue_dma source(%dma_start3A_56 : memref<40xi32, #tpu.memory_space<hbm>>) target(%dma_start3A_55 : memref<40xi32, #tpu.memory_space<vmem>>) target_semaphore(%arg17 : memref<!tpu.dma_semaphore, #tpu.memory_space<semaphore_mem>>)
    %dma_start3A_57 = arith.constant 0 : i32
    %dma_start3A_58 = arith.constant 40 : i32
    %dma_start3A_59 = tpu.memref_slice %arg10[%dma_start3A_57, %dma_start3A_58] : memref<3x80xi32, #tpu.memory_space<vmem>> -> memref<1x40xi32, #tpu.memory_space<vmem>>
    %dma_start3A_60 = tpu.memref_squeeze %dma_start3A_59 : memref<1x40xi32, #tpu.memory_space<vmem>> -> memref<40xi32, #tpu.memory_space<vmem>>
    %dma_start3A_61 = tpu.memref_slice %arg4[%add3A_47] : memref<320000xi32, #tpu.memory_space<hbm>> -> memref<40xi32, #tpu.memory_space<hbm>>
    %dma_start3A_62 = arith.constant 40 : i32
    %dma_start3A_63 = tpu.memref_slice %arg10[%dma_start3A_57, %dma_start3A_62] : memref<3x80xi32, #tpu.memory_space<vmem>> -> memref<1x40xi32, #tpu.memory_space<vmem>>
    %dma_start3A_64 = tpu.memref_squeeze %dma_start3A_63 : memref<1x40xi32, #tpu.memory_space<vmem>> -> memref<40xi32, #tpu.memory_space<vmem>>
    %dma_start3A_65 = tpu.memref_slice %arg4[%add3A_47] : memref<320000xi32, #tpu.memory_space<hbm>> -> memref<40xi32, #tpu.memory_space<hbm>>
    tpu.enqueue_dma source(%dma_start3A_65 : memref<40xi32, #tpu.memory_space<hbm>>) target(%dma_start3A_64 : memref<40xi32, #tpu.memory_space<vmem>>) target_semaphore(%arg17 : memref<!tpu.dma_semaphore, #tpu.memory_space<semaphore_mem>>)
    %mul3A_66 = arith.constant 10000 : i32
    %mul3A_67 = arith.muli %add3A, %mul3A_66 : i32
    %add3A_68 = arith.constant 0 : i32
    %add3A_69 = arith.addi %mul3A_67, %add3A_68 : i32
    %dma_wait3A = arith.constant 0 : i32
    %dma_wait3A_70 = arith.constant 0 : i32
    %dma_wait3A_71 = tpu.memref_slice %arg9[%dma_wait3A, %dma_wait3A_70] : memref<3x80xi32, #tpu.memory_space<vmem>> -> memref<1x40xi32, #tpu.memory_space<vmem>>
    %dma_wait3A_72 = tpu.memref_squeeze %dma_wait3A_71 : memref<1x40xi32, #tpu.memory_space<vmem>> -> memref<40xi32, #tpu.memory_space<vmem>>
    %dma_wait3A_73 = tpu.memref_slice %arg4[%add3A_69] : memref<320000xi32, #tpu.memory_space<hbm>> -> memref<40xi32, #tpu.memory_space<hbm>>
    %dma_wait3A_74 = arith.constant 0 : i32
    %dma_wait3A_75 = tpu.memref_slice %arg9[%dma_wait3A, %dma_wait3A_74] : memref<3x80xi32, #tpu.memory_space<vmem>> -> memref<1x40xi32, #tpu.memory_space<vmem>>
    %dma_wait3A_76 = tpu.memref_squeeze %dma_wait3A_75 : memref<1x40xi32, #tpu.memory_space<vmem>> -> memref<40xi32, #tpu.memory_space<vmem>>
    %dma_wait3A_77 = tpu.memref_slice %arg4[%add3A_69] : memref<320000xi32, #tpu.memory_space<hbm>> -> memref<40xi32, #tpu.memory_space<hbm>>
    tpu.wait_dma2 semaphore(%arg14 : memref<!tpu.dma_semaphore, #tpu.memory_space<semaphore_mem>>) src(%dma_wait3A_77 : memref<40xi32, #tpu.memory_space<hbm>>) dst(%dma_wait3A_76 : memref<40xi32, #tpu.memory_space<vmem>>)
    %dma_wait3A_78 = arith.constant 0 : i32
    %dma_wait3A_79 = arith.constant 40 : i32
    %dma_wait3A_80 = tpu.memref_slice %arg9[%dma_wait3A_78, %dma_wait3A_79] : memref<3x80xi32, #tpu.memory_space<vmem>> -> memref<1x40xi32, #tpu.memory_space<vmem>>
    %dma_wait3A_81 = tpu.memref_squeeze %dma_wait3A_80 : memref<1x40xi32, #tpu.memory_space<vmem>> -> memref<40xi32, #tpu.memory_space<vmem>>
    %dma_wait3A_82 = tpu.memref_slice %arg5[%add3A_69] : memref<320000xi32, #tpu.memory_space<hbm>> -> memref<40xi32, #tpu.memory_space<hbm>>
    %dma_wait3A_83 = arith.constant 40 : i32
    %dma_wait3A_84 = tpu.memref_slice %arg9[%dma_wait3A_78, %dma_wait3A_83] : memref<3x80xi32, #tpu.memory_space<vmem>> -> memref<1x40xi32, #tpu.memory_space<vmem>>
    %dma_wait3A_85 = tpu.memref_squeeze %dma_wait3A_84 : memref<1x40xi32, #tpu.memory_space<vmem>> -> memref<40xi32, #tpu.memory_space<vmem>>
    %dma_wait3A_86 = tpu.memref_slice %arg5[%add3A_69] : memref<320000xi32, #tpu.memory_space<hbm>> -> memref<40xi32, #tpu.memory_space<hbm>>
    tpu.wait_dma2 semaphore(%arg14 : memref<!tpu.dma_semaphore, #tpu.memory_space<semaphore_mem>>) src(%dma_wait3A_86 : memref<40xi32, #tpu.memory_space<hbm>>) dst(%dma_wait3A_85 : memref<40xi32, #tpu.memory_space<vmem>>)
    %mul3A_87 = arith.constant 10000 : i32
    %mul3A_88 = arith.muli %add3A, %mul3A_87 : i32
    %add3A_89 = arith.constant 0 : i32
    %add3A_90 = arith.addi %mul3A_88, %add3A_89 : i32
    %dma_start3A_91 = arith.constant 0 : i32
    %dma_start3A_92 = arith.constant 0 : i32
    %dma_start3A_93 = arith.constant 0 : i32
    %dma_start3A_94 = tpu.memref_slice %arg11[%dma_start3A_91, %dma_start3A_92, %dma_start3A_93] : memref<2x40x128xf32, #tpu.memory_space<vmem>> -> memref<1x40x128xf32, #tpu.memory_space<vmem>>
    %dma_start3A_95 = tpu.memref_squeeze %dma_start3A_94 : memref<1x40x128xf32, #tpu.memory_space<vmem>> -> memref<40x128xf32, #tpu.memory_space<vmem>>
    %dma_start3A_96 = arith.constant 0 : i32
    %dma_start3A_97 = tpu.memref_slice %arg3[%add3A_90, %dma_start3A_96] : memref<320000x128xf32, #tpu.memory_space<hbm>> -> memref<40x128xf32, #tpu.memory_space<hbm>>
    %dma_start3A_98 = arith.constant 0 : i32
    %dma_start3A_99 = arith.constant 0 : i32
    %dma_start3A_100 = tpu.memref_slice %arg11[%dma_start3A_91, %dma_start3A_98, %dma_start3A_99] : memref<2x40x128xf32, #tpu.memory_space<vmem>> -> memref<1x40x128xf32, #tpu.memory_space<vmem>>
    %dma_start3A_101 = tpu.memref_squeeze %dma_start3A_100 : memref<1x40x128xf32, #tpu.memory_space<vmem>> -> memref<40x128xf32, #tpu.memory_space<vmem>>
    %dma_start3A_102 = arith.constant 0 : i32
    %dma_start3A_103 = tpu.memref_slice %arg3[%add3A_90, %dma_start3A_102] : memref<320000x128xf32, #tpu.memory_space<hbm>> -> memref<40x128xf32, #tpu.memory_space<hbm>>
    tpu.enqueue_dma source(%dma_start3A_103 : memref<40x128xf32, #tpu.memory_space<hbm>>) target(%dma_start3A_101 : memref<40x128xf32, #tpu.memory_space<vmem>>) target_semaphore(%arg20 : memref<!tpu.dma_semaphore, #tpu.memory_space<semaphore_mem>>)
    %dma_start3A_104 = arith.constant 0 : i32
    %dma_start3A_105 = arith.constant 0 : i32
    %dma_start3A_106 = arith.constant 0 : i32
    %dma_start3A_107 = arith.constant 0 : i32
    %dma_start3A_108 = tpu.memref_slice %arg12[%dma_start3A_105, %dma_start3A_106, %dma_start3A_107] : memref<2x80x64xi32, #tpu.memory_space<vmem>> -> memref<1x80x64xi32, #tpu.memory_space<vmem>>
    %dma_start3A_109 = tpu.memref_squeeze %dma_start3A_108 : memref<1x80x64xi32, #tpu.memory_space<vmem>> -> memref<80x64xi32, #tpu.memory_space<vmem>>
    %dma_start3A_110 = arith.constant 0 : i32
    %dma_start3A_111 = tpu.memref_slice %arg9[%dma_start3A_104, %dma_start3A_110] : memref<3x80xi32, #tpu.memory_space<vmem>> -> memref<1x80xi32, #tpu.memory_space<vmem>>
    %dma_start3A_112 = tpu.memref_squeeze %dma_start3A_111 : memref<1x80xi32, #tpu.memory_space<vmem>> -> memref<80xi32, #tpu.memory_space<vmem>>
    %dma_start3A_113 = arith.constant 0 : i32
    %dma_start3A_114 = arith.constant 0 : i32
    %dma_start3A_115 = tpu.memref_slice %arg2[%dma_start3A_113, %dma_start3A_114] : memref<10000x64xi32, #tpu.memory_space<hbm>> -> memref<10000x64xi32, #tpu.memory_space<hbm>>
    tpu.enqueue_indirect_dma source(%dma_start3A_115 : memref<10000x64xi32, #tpu.memory_space<hbm>>) target(%dma_start3A_109 : memref<80x64xi32, #tpu.memory_space<vmem>>) offsets(%dma_start3A_112 : memref<80xi32, #tpu.memory_space<vmem>>) semaphore(%arg20 : memref<!tpu.dma_semaphore, #tpu.memory_space<semaphore_mem>>)
    %lt3A = arith.constant 10 : i32
    %lt3A_116 = arith.cmpi slt, %arg1, %lt3A : i32
    %convert_element_type3A = arith.extui %lt3A_116 : i1 to i32
    %cond3A = arith.constant 0 : i32
    %cond3A_117 = arith.cmpi ne, %convert_element_type3A, %cond3A : i32
    scf.if %cond3A_117 {
      %mul3A_715 = arith.constant 1000 : i32
      %mul3A_716 = arith.muli %arg1, %mul3A_715 : i32
      %mul3A_717 = arith.constant 1000 : i32
      %mul3A_718 = arith.muli %arg1, %mul3A_717 : i32
      "tpu.region"() ({
        %run_scoped3A = tpu.sem_alloc : memref<!tpu.dma_semaphore, #tpu.memory_space<semaphore_mem>>
        %dma_start3A_719 = arith.constant 0 : i32
        %dma_start3A_720 = tpu.memref_slice %arg8[%mul3A_718, %dma_start3A_719] : memref<10000x128xf32, #tpu.memory_space<vmem_shared>> -> memref<1000x128xf32, #tpu.memory_space<vmem_shared>>
        %dma_start3A_721 = arith.constant 0 : i32
        %dma_start3A_722 = tpu.memref_slice %arg6[%mul3A_716, %dma_start3A_721] : memref<10000x128xf32, #tpu.memory_space<hbm>> -> memref<1000x128xf32, #tpu.memory_space<hbm>>
        tpu.enqueue_dma source(%dma_start3A_722 : memref<1000x128xf32, #tpu.memory_space<hbm>>) target(%dma_start3A_720 : memref<1000x128xf32, #tpu.memory_space<vmem_shared>>) target_semaphore(%run_scoped3A : memref<!tpu.dma_semaphore, #tpu.memory_space<semaphore_mem>>)
        %dma_wait3A_723 = arith.constant 0 : i32
        %dma_wait3A_724 = tpu.memref_slice %arg8[%mul3A_718, %dma_wait3A_723] : memref<10000x128xf32, #tpu.memory_space<vmem_shared>> -> memref<1000x128xf32, #tpu.memory_space<vmem_shared>>
        %dma_wait3A_725 = arith.constant 0 : i32
        %dma_wait3A_726 = tpu.memref_slice %arg6[%mul3A_716, %dma_wait3A_725] : memref<10000x128xf32, #tpu.memory_space<hbm>> -> memref<1000x128xf32, #tpu.memory_space<hbm>>
        tpu.wait_dma2 semaphore(%run_scoped3A : memref<!tpu.dma_semaphore, #tpu.memory_space<semaphore_mem>>) src(%dma_wait3A_726 : memref<1000x128xf32, #tpu.memory_space<hbm>>) dst(%dma_wait3A_724 : memref<1000x128xf32, #tpu.memory_space<vmem_shared>>)
        tpu.yield
      }) : () -> ()
    } else {
    }
    %barrier3A = arith.constant 0 : index
    tpu.barrier barrier_id(%barrier3A)
    %scan3A = arith.constant 0 : i32
    %scan3A_118 = arith.constant 41 : i32
    %scan3A_119 = arith.addi %scan3A, %scan3A_118 : i32
    %scan3A_120 = arith.constant 1 : i32
    scf.for %scan3A_715 = %scan3A to %scan3A_119 step %scan3A_120  : i32 {
      %mul3A_716 = arith.constant 6 : i32
      %mul3A_717 = arith.muli %scan3A_715, %mul3A_716 : i32
      %add3A_718 = arith.constant 0 : i32
      %add3A_719 = arith.addi %add3A_718, %mul3A_717 : i32
      %add3A_720 = arith.constant 0 : i32
      %add3A_721 = arith.addi %add3A_719, %add3A_720 : i32
      %ge3A = arith.constant 2 : i32
      %ge3A_722 = arith.cmpi sge, %add3A_721, %ge3A : i32
      %convert_element_type3A_723 = arith.extui %ge3A_722 : i1 to i32
      %cond3A_724 = arith.constant 0 : i32
      %cond3A_725 = arith.cmpi ne, %convert_element_type3A_723, %cond3A_724 : i32
      scf.if %cond3A_725 {
        %dma_wait3A_1793 = arith.constant 0 : i32
        %dma_wait3A_1794 = arith.constant 0 : i32
        %dma_wait3A_1795 = arith.constant 0 : i32
        %dma_wait3A_1796 = arith.constant 0 : i32
        %dma_wait3A_1797 = tpu.memref_slice %arg13[%dma_wait3A_1793, %dma_wait3A_1795, %dma_wait3A_1796] : memref<2x80x128xf32, #tpu.memory_space<vmem>> -> memref<1x80x128xf32, #tpu.memory_space<vmem>>
        %dma_wait3A_1798 = tpu.memref_squeeze %dma_wait3A_1797 : memref<1x80x128xf32, #tpu.memory_space<vmem>> -> memref<80x128xf32, #tpu.memory_space<vmem>>
        %dma_wait3A_1799 = arith.constant 0 : i32
        %dma_wait3A_1800 = tpu.memref_slice %arg10[%dma_wait3A_1794, %dma_wait3A_1799] : memref<3x80xi32, #tpu.memory_space<vmem>> -> memref<1x80xi32, #tpu.memory_space<vmem>>
        %dma_wait3A_1801 = tpu.memref_squeeze %dma_wait3A_1800 : memref<1x80xi32, #tpu.memory_space<vmem>> -> memref<80xi32, #tpu.memory_space<vmem>>
        %dma_wait3A_1802 = arith.constant 0 : i32
        %dma_wait3A_1803 = arith.constant 0 : i32
        %dma_wait3A_1804 = tpu.memref_slice %arg8[%dma_wait3A_1802, %dma_wait3A_1803] : memref<10000x128xf32, #tpu.memory_space<vmem_shared>> -> memref<10000x128xf32, #tpu.memory_space<vmem_shared>>
        tpu.wait_indirect_dma semaphore(%arg22 : memref<!tpu.dma_semaphore, #tpu.memory_space<semaphore_mem>>) src(%dma_wait3A_1798 : memref<80x128xf32, #tpu.memory_space<vmem>>) dst(%dma_wait3A_1804 : memref<10000x128xf32, #tpu.memory_space<vmem_shared>>)
      } else {
      }
      %add3A_726 = arith.constant 2 : i32
      %add3A_727 = arith.addi %add3A_721, %add3A_726 : i32
      %mul3A_728 = arith.constant 10000 : i32
      %mul3A_729 = arith.muli %add3A, %mul3A_728 : i32
      %mul3A_730 = arith.constant 40 : i32
      %mul3A_731 = arith.muli %add3A_727, %mul3A_730 : i32
      %add3A_732 = arith.addi %mul3A_729, %mul3A_731 : i32
      %dma_start3A_733 = arith.constant 2 : i32
      %dma_start3A_734 = arith.constant 0 : i32
      %dma_start3A_735 = tpu.memref_slice %arg9[%dma_start3A_733, %dma_start3A_734] : memref<3x80xi32, #tpu.memory_space<vmem>> -> memref<1x40xi32, #tpu.memory_space<vmem>>
      %dma_start3A_736 = tpu.memref_squeeze %dma_start3A_735 : memref<1x40xi32, #tpu.memory_space<vmem>> -> memref<40xi32, #tpu.memory_space<vmem>>
      %dma_start3A_737 = tpu.memref_slice %arg4[%add3A_732] : memref<320000xi32, #tpu.memory_space<hbm>> -> memref<40xi32, #tpu.memory_space<hbm>>
      %dma_start3A_738 = arith.constant 0 : i32
      %dma_start3A_739 = tpu.memref_slice %arg9[%dma_start3A_733, %dma_start3A_738] : memref<3x80xi32, #tpu.memory_space<vmem>> -> memref<1x40xi32, #tpu.memory_space<vmem>>
      %dma_start3A_740 = tpu.memref_squeeze %dma_start3A_739 : memref<1x40xi32, #tpu.memory_space<vmem>> -> memref<40xi32, #tpu.memory_space<vmem>>
      %dma_start3A_741 = tpu.memref_slice %arg4[%add3A_732] : memref<320000xi32, #tpu.memory_space<hbm>> -> memref<40xi32, #tpu.memory_space<hbm>>
      tpu.enqueue_dma source(%dma_start3A_741 : memref<40xi32, #tpu.memory_space<hbm>>) target(%dma_start3A_740 : memref<40xi32, #tpu.memory_space<vmem>>) target_semaphore(%arg16 : memref<!tpu.dma_semaphore, #tpu.memory_space<semaphore_mem>>)
      %dma_start3A_742 = arith.constant 2 : i32
      %dma_start3A_743 = arith.constant 40 : i32
      %dma_start3A_744 = tpu.memref_slice %arg9[%dma_start3A_742, %dma_start3A_743] : memref<3x80xi32, #tpu.memory_space<vmem>> -> memref<1x40xi32, #tpu.memory_space<vmem>>
      %dma_start3A_745 = tpu.memref_squeeze %dma_start3A_744 : memref<1x40xi32, #tpu.memory_space<vmem>> -> memref<40xi32, #tpu.memory_space<vmem>>
      %dma_start3A_746 = tpu.memref_slice %arg5[%add3A_732] : memref<320000xi32, #tpu.memory_space<hbm>> -> memref<40xi32, #tpu.memory_space<hbm>>
      %dma_start3A_747 = arith.constant 40 : i32
      %dma_start3A_748 = tpu.memref_slice %arg9[%dma_start3A_742, %dma_start3A_747] : memref<3x80xi32, #tpu.memory_space<vmem>> -> memref<1x40xi32, #tpu.memory_space<vmem>>
      %dma_start3A_749 = tpu.memref_squeeze %dma_start3A_748 : memref<1x40xi32, #tpu.memory_space<vmem>> -> memref<40xi32, #tpu.memory_space<vmem>>
      %dma_start3A_750 = tpu.memref_slice %arg5[%add3A_732] : memref<320000xi32, #tpu.memory_space<hbm>> -> memref<40xi32, #tpu.memory_space<hbm>>
      tpu.enqueue_dma source(%dma_start3A_750 : memref<40xi32, #tpu.memory_space<hbm>>) target(%dma_start3A_749 : memref<40xi32, #tpu.memory_space<vmem>>) target_semaphore(%arg16 : memref<!tpu.dma_semaphore, #tpu.memory_space<semaphore_mem>>)
      %add3A_751 = arith.constant 1 : i32
      %add3A_752 = arith.addi %add3A_721, %add3A_751 : i32
      %mul3A_753 = arith.constant 10000 : i32
      %mul3A_754 = arith.muli %add3A, %mul3A_753 : i32
      %mul3A_755 = arith.constant 40 : i32
      %mul3A_756 = arith.muli %add3A_752, %mul3A_755 : i32
      %add3A_757 = arith.addi %mul3A_754, %mul3A_756 : i32
      %dma_wait3A_758 = arith.constant 1 : i32
      %dma_wait3A_759 = arith.constant 0 : i32
      %dma_wait3A_760 = tpu.memref_slice %arg9[%dma_wait3A_758, %dma_wait3A_759] : memref<3x80xi32, #tpu.memory_space<vmem>> -> memref<1x40xi32, #tpu.memory_space<vmem>>
      %dma_wait3A_761 = tpu.memref_squeeze %dma_wait3A_760 : memref<1x40xi32, #tpu.memory_space<vmem>> -> memref<40xi32, #tpu.memory_space<vmem>>
      %dma_wait3A_762 = tpu.memref_slice %arg4[%add3A_757] : memref<320000xi32, #tpu.memory_space<hbm>> -> memref<40xi32, #tpu.memory_space<hbm>>
      %dma_wait3A_763 = arith.constant 0 : i32
      %dma_wait3A_764 = tpu.memref_slice %arg9[%dma_wait3A_758, %dma_wait3A_763] : memref<3x80xi32, #tpu.memory_space<vmem>> -> memref<1x40xi32, #tpu.memory_space<vmem>>
      %dma_wait3A_765 = tpu.memref_squeeze %dma_wait3A_764 : memref<1x40xi32, #tpu.memory_space<vmem>> -> memref<40xi32, #tpu.memory_space<vmem>>
      %dma_wait3A_766 = tpu.memref_slice %arg4[%add3A_757] : memref<320000xi32, #tpu.memory_space<hbm>> -> memref<40xi32, #tpu.memory_space<hbm>>
      tpu.wait_dma2 semaphore(%arg15 : memref<!tpu.dma_semaphore, #tpu.memory_space<semaphore_mem>>) src(%dma_wait3A_766 : memref<40xi32, #tpu.memory_space<hbm>>) dst(%dma_wait3A_765 : memref<40xi32, #tpu.memory_space<vmem>>)
      %dma_wait3A_767 = arith.constant 1 : i32
      %dma_wait3A_768 = arith.constant 40 : i32
      %dma_wait3A_769 = tpu.memref_slice %arg9[%dma_wait3A_767, %dma_wait3A_768] : memref<3x80xi32, #tpu.memory_space<vmem>> -> memref<1x40xi32, #tpu.memory_space<vmem>>
      %dma_wait3A_770 = tpu.memref_squeeze %dma_wait3A_769 : memref<1x40xi32, #tpu.memory_space<vmem>> -> memref<40xi32, #tpu.memory_space<vmem>>
      %dma_wait3A_771 = tpu.memref_slice %arg5[%add3A_757] : memref<320000xi32, #tpu.memory_space<hbm>> -> memref<40xi32, #tpu.memory_space<hbm>>
      %dma_wait3A_772 = arith.constant 40 : i32
      %dma_wait3A_773 = tpu.memref_slice %arg9[%dma_wait3A_767, %dma_wait3A_772] : memref<3x80xi32, #tpu.memory_space<vmem>> -> memref<1x40xi32, #tpu.memory_space<vmem>>
      %dma_wait3A_774 = tpu.memref_squeeze %dma_wait3A_773 : memref<1x40xi32, #tpu.memory_space<vmem>> -> memref<40xi32, #tpu.memory_space<vmem>>
      %dma_wait3A_775 = tpu.memref_slice %arg5[%add3A_757] : memref<320000xi32, #tpu.memory_space<hbm>> -> memref<40xi32, #tpu.memory_space<hbm>>
      tpu.wait_dma2 semaphore(%arg15 : memref<!tpu.dma_semaphore, #tpu.memory_space<semaphore_mem>>) src(%dma_wait3A_775 : memref<40xi32, #tpu.memory_space<hbm>>) dst(%dma_wait3A_774 : memref<40xi32, #tpu.memory_space<vmem>>)
      %add3A_776 = arith.constant 1 : i32
      %add3A_777 = arith.addi %add3A_721, %add3A_776 : i32
      %mul3A_778 = arith.constant 10000 : i32
      %mul3A_779 = arith.muli %add3A, %mul3A_778 : i32
      %mul3A_780 = arith.constant 40 : i32
      %mul3A_781 = arith.muli %add3A_777, %mul3A_780 : i32
      %add3A_782 = arith.addi %mul3A_779, %mul3A_781 : i32
      %dma_start3A_783 = arith.constant 1 : i32
      %dma_start3A_784 = arith.constant 0 : i32
      %dma_start3A_785 = arith.constant 0 : i32
      %dma_start3A_786 = tpu.memref_slice %arg11[%dma_start3A_783, %dma_start3A_784, %dma_start3A_785] : memref<2x40x128xf32, #tpu.memory_space<vmem>> -> memref<1x40x128xf32, #tpu.memory_space<vmem>>
      %dma_start3A_787 = tpu.memref_squeeze %dma_start3A_786 : memref<1x40x128xf32, #tpu.memory_space<vmem>> -> memref<40x128xf32, #tpu.memory_space<vmem>>
      %dma_start3A_788 = arith.constant 0 : i32
      %dma_start3A_789 = tpu.memref_slice %arg3[%add3A_782, %dma_start3A_788] : memref<320000x128xf32, #tpu.memory_space<hbm>> -> memref<40x128xf32, #tpu.memory_space<hbm>>
      %dma_start3A_790 = arith.constant 0 : i32
      %dma_start3A_791 = arith.constant 0 : i32
      %dma_start3A_792 = tpu.memref_slice %arg11[%dma_start3A_783, %dma_start3A_790, %dma_start3A_791] : memref<2x40x128xf32, #tpu.memory_space<vmem>> -> memref<1x40x128xf32, #tpu.memory_space<vmem>>
      %dma_start3A_793 = tpu.memref_squeeze %dma_start3A_792 : memref<1x40x128xf32, #tpu.memory_space<vmem>> -> memref<40x128xf32, #tpu.memory_space<vmem>>
      %dma_start3A_794 = arith.constant 0 : i32
      %dma_start3A_795 = tpu.memref_slice %arg3[%add3A_782, %dma_start3A_794] : memref<320000x128xf32, #tpu.memory_space<hbm>> -> memref<40x128xf32, #tpu.memory_space<hbm>>
      tpu.enqueue_dma source(%dma_start3A_795 : memref<40x128xf32, #tpu.memory_space<hbm>>) target(%dma_start3A_793 : memref<40x128xf32, #tpu.memory_space<vmem>>) target_semaphore(%arg21 : memref<!tpu.dma_semaphore, #tpu.memory_space<semaphore_mem>>)
      %dma_start3A_796 = arith.constant 1 : i32
      %dma_start3A_797 = arith.constant 1 : i32
      %dma_start3A_798 = arith.constant 0 : i32
      %dma_start3A_799 = arith.constant 0 : i32
      %dma_start3A_800 = tpu.memref_slice %arg12[%dma_start3A_797, %dma_start3A_798, %dma_start3A_799] : memref<2x80x64xi32, #tpu.memory_space<vmem>> -> memref<1x80x64xi32, #tpu.memory_space<vmem>>
      %dma_start3A_801 = tpu.memref_squeeze %dma_start3A_800 : memref<1x80x64xi32, #tpu.memory_space<vmem>> -> memref<80x64xi32, #tpu.memory_space<vmem>>
      %dma_start3A_802 = arith.constant 0 : i32
      %dma_start3A_803 = tpu.memref_slice %arg9[%dma_start3A_796, %dma_start3A_802] : memref<3x80xi32, #tpu.memory_space<vmem>> -> memref<1x80xi32, #tpu.memory_space<vmem>>
      %dma_start3A_804 = tpu.memref_squeeze %dma_start3A_803 : memref<1x80xi32, #tpu.memory_space<vmem>> -> memref<80xi32, #tpu.memory_space<vmem>>
      %dma_start3A_805 = arith.constant 0 : i32
      %dma_start3A_806 = arith.constant 0 : i32
      %dma_start3A_807 = tpu.memref_slice %arg2[%dma_start3A_805, %dma_start3A_806] : memref<10000x64xi32, #tpu.memory_space<hbm>> -> memref<10000x64xi32, #tpu.memory_space<hbm>>
      tpu.enqueue_indirect_dma source(%dma_start3A_807 : memref<10000x64xi32, #tpu.memory_space<hbm>>) target(%dma_start3A_801 : memref<80x64xi32, #tpu.memory_space<vmem>>) offsets(%dma_start3A_804 : memref<80xi32, #tpu.memory_space<vmem>>) semaphore(%arg21 : memref<!tpu.dma_semaphore, #tpu.memory_space<semaphore_mem>>)
      %mul3A_808 = arith.constant 10000 : i32
      %mul3A_809 = arith.muli %add3A, %mul3A_808 : i32
      %mul3A_810 = arith.constant 40 : i32
      %mul3A_811 = arith.muli %add3A_721, %mul3A_810 : i32
      %add3A_812 = arith.addi %mul3A_809, %mul3A_811 : i32
      %dma_wait3A_813 = arith.constant 0 : i32
      %dma_wait3A_814 = arith.constant 0 : i32
      %dma_wait3A_815 = arith.constant 0 : i32
      %dma_wait3A_816 = tpu.memref_slice %arg11[%dma_wait3A_813, %dma_wait3A_814, %dma_wait3A_815] : memref<2x40x128xf32, #tpu.memory_space<vmem>> -> memref<1x40x128xf32, #tpu.memory_space<vmem>>
      %dma_wait3A_817 = tpu.memref_squeeze %dma_wait3A_816 : memref<1x40x128xf32, #tpu.memory_space<vmem>> -> memref<40x128xf32, #tpu.memory_space<vmem>>
      %dma_wait3A_818 = arith.constant 0 : i32
      %dma_wait3A_819 = tpu.memref_slice %arg3[%add3A_812, %dma_wait3A_818] : memref<320000x128xf32, #tpu.memory_space<hbm>> -> memref<40x128xf32, #tpu.memory_space<hbm>>
      %dma_wait3A_820 = arith.constant 0 : i32
      %dma_wait3A_821 = arith.constant 0 : i32
      %dma_wait3A_822 = tpu.memref_slice %arg11[%dma_wait3A_813, %dma_wait3A_820, %dma_wait3A_821] : memref<2x40x128xf32, #tpu.memory_space<vmem>> -> memref<1x40x128xf32, #tpu.memory_space<vmem>>
      %dma_wait3A_823 = tpu.memref_squeeze %dma_wait3A_822 : memref<1x40x128xf32, #tpu.memory_space<vmem>> -> memref<40x128xf32, #tpu.memory_space<vmem>>
      %dma_wait3A_824 = arith.constant 0 : i32
      %dma_wait3A_825 = tpu.memref_slice %arg3[%add3A_812, %dma_wait3A_824] : memref<320000x128xf32, #tpu.memory_space<hbm>> -> memref<40x128xf32, #tpu.memory_space<hbm>>
      tpu.wait_dma2 semaphore(%arg20 : memref<!tpu.dma_semaphore, #tpu.memory_space<semaphore_mem>>) src(%dma_wait3A_825 : memref<40x128xf32, #tpu.memory_space<hbm>>) dst(%dma_wait3A_823 : memref<40x128xf32, #tpu.memory_space<vmem>>)
      %dma_wait3A_826 = arith.constant 0 : i32
      %dma_wait3A_827 = arith.constant 0 : i32
      %dma_wait3A_828 = arith.constant 0 : i32
      %dma_wait3A_829 = arith.constant 0 : i32
      %dma_wait3A_830 = tpu.memref_slice %arg12[%dma_wait3A_827, %dma_wait3A_828, %dma_wait3A_829] : memref<2x80x64xi32, #tpu.memory_space<vmem>> -> memref<1x80x64xi32, #tpu.memory_space<vmem>>
      %dma_wait3A_831 = tpu.memref_squeeze %dma_wait3A_830 : memref<1x80x64xi32, #tpu.memory_space<vmem>> -> memref<80x64xi32, #tpu.memory_space<vmem>>
      %dma_wait3A_832 = arith.constant 0 : i32
      %dma_wait3A_833 = tpu.memref_slice %arg9[%dma_wait3A_826, %dma_wait3A_832] : memref<3x80xi32, #tpu.memory_space<vmem>> -> memref<1x80xi32, #tpu.memory_space<vmem>>
      %dma_wait3A_834 = tpu.memref_squeeze %dma_wait3A_833 : memref<1x80xi32, #tpu.memory_space<vmem>> -> memref<80xi32, #tpu.memory_space<vmem>>
      %dma_wait3A_835 = arith.constant 0 : i32
      %dma_wait3A_836 = arith.constant 0 : i32
      %dma_wait3A_837 = tpu.memref_slice %arg2[%dma_wait3A_835, %dma_wait3A_836] : memref<10000x64xi32, #tpu.memory_space<hbm>> -> memref<10000x64xi32, #tpu.memory_space<hbm>>
      tpu.wait_indirect_dma semaphore(%arg20 : memref<!tpu.dma_semaphore, #tpu.memory_space<semaphore_mem>>) src(%dma_wait3A_837 : memref<10000x64xi32, #tpu.memory_space<hbm>>) dst(%dma_wait3A_831 : memref<80x64xi32, #tpu.memory_space<vmem>>)
      %mul3A_838 = arith.constant 10000 : i32
      %mul3A_839 = arith.muli %add3A, %mul3A_838 : i32
      %mul3A_840 = arith.constant 40 : i32
      %mul3A_841 = arith.muli %add3A_721, %mul3A_840 : i32
      %add3A_842 = arith.addi %mul3A_839, %mul3A_841 : i32
      %dma_wait3A_843 = arith.constant 0 : i32
      %dma_wait3A_844 = arith.constant 0 : i32
      %dma_wait3A_845 = tpu.memref_slice %arg10[%dma_wait3A_843, %dma_wait3A_844] : memref<3x80xi32, #tpu.memory_space<vmem>> -> memref<1x40xi32, #tpu.memory_space<vmem>>
      %dma_wait3A_846 = tpu.memref_squeeze %dma_wait3A_845 : memref<1x40xi32, #tpu.memory_space<vmem>> -> memref<40xi32, #tpu.memory_space<vmem>>
      %dma_wait3A_847 = tpu.memref_slice %arg5[%add3A_842] : memref<320000xi32, #tpu.memory_space<hbm>> -> memref<40xi32, #tpu.memory_space<hbm>>
      %dma_wait3A_848 = arith.constant 0 : i32
      %dma_wait3A_849 = tpu.memref_slice %arg10[%dma_wait3A_843, %dma_wait3A_848] : memref<3x80xi32, #tpu.memory_space<vmem>> -> memref<1x40xi32, #tpu.memory_space<vmem>>
      %dma_wait3A_850 = tpu.memref_squeeze %dma_wait3A_849 : memref<1x40xi32, #tpu.memory_space<vmem>> -> memref<40xi32, #tpu.memory_space<vmem>>
      %dma_wait3A_851 = tpu.memref_slice %arg5[%add3A_842] : memref<320000xi32, #tpu.memory_space<hbm>> -> memref<40xi32, #tpu.memory_space<hbm>>
      tpu.wait_dma2 semaphore(%arg17 : memref<!tpu.dma_semaphore, #tpu.memory_space<semaphore_mem>>) src(%dma_wait3A_851 : memref<40xi32, #tpu.memory_space<hbm>>) dst(%dma_wait3A_850 : memref<40xi32, #tpu.memory_space<vmem>>)
      %dma_wait3A_852 = arith.constant 0 : i32
      %dma_wait3A_853 = arith.constant 40 : i32
      %dma_wait3A_854 = tpu.memref_slice %arg10[%dma_wait3A_852, %dma_wait3A_853] : memref<3x80xi32, #tpu.memory_space<vmem>> -> memref<1x40xi32, #tpu.memory_space<vmem>>
      %dma_wait3A_855 = tpu.memref_squeeze %dma_wait3A_854 : memref<1x40xi32, #tpu.memory_space<vmem>> -> memref<40xi32, #tpu.memory_space<vmem>>
      %dma_wait3A_856 = tpu.memref_slice %arg4[%add3A_842] : memref<320000xi32, #tpu.memory_space<hbm>> -> memref<40xi32, #tpu.memory_space<hbm>>
      %dma_wait3A_857 = arith.constant 40 : i32
      %dma_wait3A_858 = tpu.memref_slice %arg10[%dma_wait3A_852, %dma_wait3A_857] : memref<3x80xi32, #tpu.memory_space<vmem>> -> memref<1x40xi32, #tpu.memory_space<vmem>>
      %dma_wait3A_859 = tpu.memref_squeeze %dma_wait3A_858 : memref<1x40xi32, #tpu.memory_space<vmem>> -> memref<40xi32, #tpu.memory_space<vmem>>
      %dma_wait3A_860 = tpu.memref_slice %arg4[%add3A_842] : memref<320000xi32, #tpu.memory_space<hbm>> -> memref<40xi32, #tpu.memory_space<hbm>>
      tpu.wait_dma2 semaphore(%arg17 : memref<!tpu.dma_semaphore, #tpu.memory_space<semaphore_mem>>) src(%dma_wait3A_860 : memref<40xi32, #tpu.memory_space<hbm>>) dst(%dma_wait3A_859 : memref<40xi32, #tpu.memory_space<vmem>>)
      %dma_start3A_861 = arith.constant 0 : i32
      %dma_start3A_862 = arith.constant 0 : i32
      %dma_start3A_863 = arith.constant 0 : i32
      %dma_start3A_864 = arith.constant 0 : i32
      %dma_start3A_865 = tpu.memref_slice %arg13[%dma_start3A_861, %dma_start3A_863, %dma_start3A_864] : memref<2x80x128xf32, #tpu.memory_space<vmem>> -> memref<1x80x128xf32, #tpu.memory_space<vmem>>
      %dma_start3A_866 = tpu.memref_squeeze %dma_start3A_865 : memref<1x80x128xf32, #tpu.memory_space<vmem>> -> memref<80x128xf32, #tpu.memory_space<vmem>>
      %dma_start3A_867 = arith.constant 0 : i32
      %dma_start3A_868 = tpu.memref_slice %arg10[%dma_start3A_862, %dma_start3A_867] : memref<3x80xi32, #tpu.memory_space<vmem>> -> memref<1x80xi32, #tpu.memory_space<vmem>>
      %dma_start3A_869 = tpu.memref_squeeze %dma_start3A_868 : memref<1x80xi32, #tpu.memory_space<vmem>> -> memref<80xi32, #tpu.memory_space<vmem>>
      %dma_start3A_870 = arith.constant 0 : i32
      %dma_start3A_871 = arith.constant 0 : i32
      %dma_start3A_872 = tpu.memref_slice %arg8[%dma_start3A_870, %dma_start3A_871] : memref<10000x128xf32, #tpu.memory_space<vmem_shared>> -> memref<10000x128xf32, #tpu.memory_space<vmem_shared>>
      tpu.enqueue_indirect_dma source(%dma_start3A_866 : memref<80x128xf32, #tpu.memory_space<vmem>>) target(%dma_start3A_872 : memref<10000x128xf32, #tpu.memory_space<vmem_shared>>) offsets(%dma_start3A_869 : memref<80xi32, #tpu.memory_space<vmem>>) semaphore(%arg22 : memref<!tpu.dma_semaphore, #tpu.memory_space<semaphore_mem>>) {add = true}
      %add3A_873 = arith.constant 1 : i32
      %add3A_874 = arith.addi %add3A_721, %add3A_873 : i32
      %mul3A_875 = arith.constant 10000 : i32
      %mul3A_876 = arith.muli %add3A, %mul3A_875 : i32
      %mul3A_877 = arith.constant 40 : i32
      %mul3A_878 = arith.muli %add3A_874, %mul3A_877 : i32
      %add3A_879 = arith.addi %mul3A_876, %mul3A_878 : i32
      %dma_start3A_880 = arith.constant 1 : i32
      %dma_start3A_881 = arith.constant 0 : i32
      %dma_start3A_882 = tpu.memref_slice %arg10[%dma_start3A_880, %dma_start3A_881] : memref<3x80xi32, #tpu.memory_space<vmem>> -> memref<1x40xi32, #tpu.memory_space<vmem>>
      %dma_start3A_883 = tpu.memref_squeeze %dma_start3A_882 : memref<1x40xi32, #tpu.memory_space<vmem>> -> memref<40xi32, #tpu.memory_space<vmem>>
      %dma_start3A_884 = tpu.memref_slice %arg5[%add3A_879] : memref<320000xi32, #tpu.memory_space<hbm>> -> memref<40xi32, #tpu.memory_space<hbm>>
      %dma_start3A_885 = arith.constant 0 : i32
      %dma_start3A_886 = tpu.memref_slice %arg10[%dma_start3A_880, %dma_start3A_885] : memref<3x80xi32, #tpu.memory_space<vmem>> -> memref<1x40xi32, #tpu.memory_space<vmem>>
      %dma_start3A_887 = tpu.memref_squeeze %dma_start3A_886 : memref<1x40xi32, #tpu.memory_space<vmem>> -> memref<40xi32, #tpu.memory_space<vmem>>
      %dma_start3A_888 = tpu.memref_slice %arg5[%add3A_879] : memref<320000xi32, #tpu.memory_space<hbm>> -> memref<40xi32, #tpu.memory_space<hbm>>
      tpu.enqueue_dma source(%dma_start3A_888 : memref<40xi32, #tpu.memory_space<hbm>>) target(%dma_start3A_887 : memref<40xi32, #tpu.memory_space<vmem>>) target_semaphore(%arg18 : memref<!tpu.dma_semaphore, #tpu.memory_space<semaphore_mem>>)
      %dma_start3A_889 = arith.constant 1 : i32
      %dma_start3A_890 = arith.constant 40 : i32
      %dma_start3A_891 = tpu.memref_slice %arg10[%dma_start3A_889, %dma_start3A_890] : memref<3x80xi32, #tpu.memory_space<vmem>> -> memref<1x40xi32, #tpu.memory_space<vmem>>
      %dma_start3A_892 = tpu.memref_squeeze %dma_start3A_891 : memref<1x40xi32, #tpu.memory_space<vmem>> -> memref<40xi32, #tpu.memory_space<vmem>>
      %dma_start3A_893 = tpu.memref_slice %arg4[%add3A_879] : memref<320000xi32, #tpu.memory_space<hbm>> -> memref<40xi32, #tpu.memory_space<hbm>>
      %dma_start3A_894 = arith.constant 40 : i32
      %dma_start3A_895 = tpu.memref_slice %arg10[%dma_start3A_889, %dma_start3A_894] : memref<3x80xi32, #tpu.memory_space<vmem>> -> memref<1x40xi32, #tpu.memory_space<vmem>>
      %dma_start3A_896 = tpu.memref_squeeze %dma_start3A_895 : memref<1x40xi32, #tpu.memory_space<vmem>> -> memref<40xi32, #tpu.memory_space<vmem>>
      %dma_start3A_897 = tpu.memref_slice %arg4[%add3A_879] : memref<320000xi32, #tpu.memory_space<hbm>> -> memref<40xi32, #tpu.memory_space<hbm>>
      tpu.enqueue_dma source(%dma_start3A_897 : memref<40xi32, #tpu.memory_space<hbm>>) target(%dma_start3A_896 : memref<40xi32, #tpu.memory_space<vmem>>) target_semaphore(%arg18 : memref<!tpu.dma_semaphore, #tpu.memory_space<semaphore_mem>>)
      %add3A_898 = arith.constant 1 : i32
      %add3A_899 = arith.addi %add3A_719, %add3A_898 : i32
      %ge3A_900 = arith.constant 2 : i32
      %ge3A_901 = arith.cmpi sge, %add3A_899, %ge3A_900 : i32
      %convert_element_type3A_902 = arith.extui %ge3A_901 : i1 to i32
      %cond3A_903 = arith.constant 0 : i32
      %cond3A_904 = arith.cmpi ne, %convert_element_type3A_902, %cond3A_903 : i32
      scf.if %cond3A_904 {
        %dma_wait3A_1793 = arith.constant 1 : i32
        %dma_wait3A_1794 = arith.constant 1 : i32
        %dma_wait3A_1795 = arith.constant 0 : i32
        %dma_wait3A_1796 = arith.constant 0 : i32
        %dma_wait3A_1797 = tpu.memref_slice %arg13[%dma_wait3A_1793, %dma_wait3A_1795, %dma_wait3A_1796] : memref<2x80x128xf32, #tpu.memory_space<vmem>> -> memref<1x80x128xf32, #tpu.memory_space<vmem>>
        %dma_wait3A_1798 = tpu.memref_squeeze %dma_wait3A_1797 : memref<1x80x128xf32, #tpu.memory_space<vmem>> -> memref<80x128xf32, #tpu.memory_space<vmem>>
        %dma_wait3A_1799 = arith.constant 0 : i32
        %dma_wait3A_1800 = tpu.memref_slice %arg10[%dma_wait3A_1794, %dma_wait3A_1799] : memref<3x80xi32, #tpu.memory_space<vmem>> -> memref<1x80xi32, #tpu.memory_space<vmem>>
        %dma_wait3A_1801 = tpu.memref_squeeze %dma_wait3A_1800 : memref<1x80xi32, #tpu.memory_space<vmem>> -> memref<80xi32, #tpu.memory_space<vmem>>
        %dma_wait3A_1802 = arith.constant 0 : i32
        %dma_wait3A_1803 = arith.constant 0 : i32
        %dma_wait3A_1804 = tpu.memref_slice %arg8[%dma_wait3A_1802, %dma_wait3A_1803] : memref<10000x128xf32, #tpu.memory_space<vmem_shared>> -> memref<10000x128xf32, #tpu.memory_space<vmem_shared>>
        tpu.wait_indirect_dma semaphore(%arg23 : memref<!tpu.dma_semaphore, #tpu.memory_space<semaphore_mem>>) src(%dma_wait3A_1798 : memref<80x128xf32, #tpu.memory_space<vmem>>) dst(%dma_wait3A_1804 : memref<10000x128xf32, #tpu.memory_space<vmem_shared>>)
      } else {
      }
      %add3A_905 = arith.constant 2 : i32
      %add3A_906 = arith.addi %add3A_899, %add3A_905 : i32
      %mul3A_907 = arith.constant 10000 : i32
      %mul3A_908 = arith.muli %add3A, %mul3A_907 : i32
      %mul3A_909 = arith.constant 40 : i32
      %mul3A_910 = arith.muli %add3A_906, %mul3A_909 : i32
      %add3A_911 = arith.addi %mul3A_908, %mul3A_910 : i32
      %dma_start3A_912 = arith.constant 0 : i32
      %dma_start3A_913 = arith.constant 0 : i32
      %dma_start3A_914 = tpu.memref_slice %arg9[%dma_start3A_912, %dma_start3A_913] : memref<3x80xi32, #tpu.memory_space<vmem>> -> memref<1x40xi32, #tpu.memory_space<vmem>>
      %dma_start3A_915 = tpu.memref_squeeze %dma_start3A_914 : memref<1x40xi32, #tpu.memory_space<vmem>> -> memref<40xi32, #tpu.memory_space<vmem>>
      %dma_start3A_916 = tpu.memref_slice %arg4[%add3A_911] : memref<320000xi32, #tpu.memory_space<hbm>> -> memref<40xi32, #tpu.memory_space<hbm>>
      %dma_start3A_917 = arith.constant 0 : i32
      %dma_start3A_918 = tpu.memref_slice %arg9[%dma_start3A_912, %dma_start3A_917] : memref<3x80xi32, #tpu.memory_space<vmem>> -> memref<1x40xi32, #tpu.memory_space<vmem>>
      %dma_start3A_919 = tpu.memref_squeeze %dma_start3A_918 : memref<1x40xi32, #tpu.memory_space<vmem>> -> memref<40xi32, #tpu.memory_space<vmem>>
      %dma_start3A_920 = tpu.memref_slice %arg4[%add3A_911] : memref<320000xi32, #tpu.memory_space<hbm>> -> memref<40xi32, #tpu.memory_space<hbm>>
      tpu.enqueue_dma source(%dma_start3A_920 : memref<40xi32, #tpu.memory_space<hbm>>) target(%dma_start3A_919 : memref<40xi32, #tpu.memory_space<vmem>>) target_semaphore(%arg14 : memref<!tpu.dma_semaphore, #tpu.memory_space<semaphore_mem>>)
      %dma_start3A_921 = arith.constant 0 : i32
      %dma_start3A_922 = arith.constant 40 : i32
      %dma_start3A_923 = tpu.memref_slice %arg9[%dma_start3A_921, %dma_start3A_922] : memref<3x80xi32, #tpu.memory_space<vmem>> -> memref<1x40xi32, #tpu.memory_space<vmem>>
      %dma_start3A_924 = tpu.memref_squeeze %dma_start3A_923 : memref<1x40xi32, #tpu.memory_space<vmem>> -> memref<40xi32, #tpu.memory_space<vmem>>
      %dma_start3A_925 = tpu.memref_slice %arg5[%add3A_911] : memref<320000xi32, #tpu.memory_space<hbm>> -> memref<40xi32, #tpu.memory_space<hbm>>
      %dma_start3A_926 = arith.constant 40 : i32
      %dma_start3A_927 = tpu.memref_slice %arg9[%dma_start3A_921, %dma_start3A_926] : memref<3x80xi32, #tpu.memory_space<vmem>> -> memref<1x40xi32, #tpu.memory_space<vmem>>
      %dma_start3A_928 = tpu.memref_squeeze %dma_start3A_927 : memref<1x40xi32, #tpu.memory_space<vmem>> -> memref<40xi32, #tpu.memory_space<vmem>>
      %dma_start3A_929 = tpu.memref_slice %arg5[%add3A_911] : memref<320000xi32, #tpu.memory_space<hbm>> -> memref<40xi32, #tpu.memory_space<hbm>>
      tpu.enqueue_dma source(%dma_start3A_929 : memref<40xi32, #tpu.memory_space<hbm>>) target(%dma_start3A_928 : memref<40xi32, #tpu.memory_space<vmem>>) target_semaphore(%arg14 : memref<!tpu.dma_semaphore, #tpu.memory_space<semaphore_mem>>)
      %add3A_930 = arith.constant 1 : i32
      %add3A_931 = arith.addi %add3A_899, %add3A_930 : i32
      %mul3A_932 = arith.constant 10000 : i32
      %mul3A_933 = arith.muli %add3A, %mul3A_932 : i32
      %mul3A_934 = arith.constant 40 : i32
      %mul3A_935 = arith.muli %add3A_931, %mul3A_934 : i32
      %add3A_936 = arith.addi %mul3A_933, %mul3A_935 : i32
      %dma_wait3A_937 = arith.constant 2 : i32
      %dma_wait3A_938 = arith.constant 0 : i32
      %dma_wait3A_939 = tpu.memref_slice %arg9[%dma_wait3A_937, %dma_wait3A_938] : memref<3x80xi32, #tpu.memory_space<vmem>> -> memref<1x40xi32, #tpu.memory_space<vmem>>
      %dma_wait3A_940 = tpu.memref_squeeze %dma_wait3A_939 : memref<1x40xi32, #tpu.memory_space<vmem>> -> memref<40xi32, #tpu.memory_space<vmem>>
      %dma_wait3A_941 = tpu.memref_slice %arg4[%add3A_936] : memref<320000xi32, #tpu.memory_space<hbm>> -> memref<40xi32, #tpu.memory_space<hbm>>
      %dma_wait3A_942 = arith.constant 0 : i32
      %dma_wait3A_943 = tpu.memref_slice %arg9[%dma_wait3A_937, %dma_wait3A_942] : memref<3x80xi32, #tpu.memory_space<vmem>> -> memref<1x40xi32, #tpu.memory_space<vmem>>
      %dma_wait3A_944 = tpu.memref_squeeze %dma_wait3A_943 : memref<1x40xi32, #tpu.memory_space<vmem>> -> memref<40xi32, #tpu.memory_space<vmem>>
      %dma_wait3A_945 = tpu.memref_slice %arg4[%add3A_936] : memref<320000xi32, #tpu.memory_space<hbm>> -> memref<40xi32, #tpu.memory_space<hbm>>
      tpu.wait_dma2 semaphore(%arg16 : memref<!tpu.dma_semaphore, #tpu.memory_space<semaphore_mem>>) src(%dma_wait3A_945 : memref<40xi32, #tpu.memory_space<hbm>>) dst(%dma_wait3A_944 : memref<40xi32, #tpu.memory_space<vmem>>)
      %dma_wait3A_946 = arith.constant 2 : i32
      %dma_wait3A_947 = arith.constant 40 : i32
      %dma_wait3A_948 = tpu.memref_slice %arg9[%dma_wait3A_946, %dma_wait3A_947] : memref<3x80xi32, #tpu.memory_space<vmem>> -> memref<1x40xi32, #tpu.memory_space<vmem>>
      %dma_wait3A_949 = tpu.memref_squeeze %dma_wait3A_948 : memref<1x40xi32, #tpu.memory_space<vmem>> -> memref<40xi32, #tpu.memory_space<vmem>>
      %dma_wait3A_950 = tpu.memref_slice %arg5[%add3A_936] : memref<320000xi32, #tpu.memory_space<hbm>> -> memref<40xi32, #tpu.memory_space<hbm>>
      %dma_wait3A_951 = arith.constant 40 : i32
      %dma_wait3A_952 = tpu.memref_slice %arg9[%dma_wait3A_946, %dma_wait3A_951] : memref<3x80xi32, #tpu.memory_space<vmem>> -> memref<1x40xi32, #tpu.memory_space<vmem>>
      %dma_wait3A_953 = tpu.memref_squeeze %dma_wait3A_952 : memref<1x40xi32, #tpu.memory_space<vmem>> -> memref<40xi32, #tpu.memory_space<vmem>>
      %dma_wait3A_954 = tpu.memref_slice %arg5[%add3A_936] : memref<320000xi32, #tpu.memory_space<hbm>> -> memref<40xi32, #tpu.memory_space<hbm>>
      tpu.wait_dma2 semaphore(%arg16 : memref<!tpu.dma_semaphore, #tpu.memory_space<semaphore_mem>>) src(%dma_wait3A_954 : memref<40xi32, #tpu.memory_space<hbm>>) dst(%dma_wait3A_953 : memref<40xi32, #tpu.memory_space<vmem>>)
      %add3A_955 = arith.constant 1 : i32
      %add3A_956 = arith.addi %add3A_899, %add3A_955 : i32
      %mul3A_957 = arith.constant 10000 : i32
      %mul3A_958 = arith.muli %add3A, %mul3A_957 : i32
      %mul3A_959 = arith.constant 40 : i32
      %mul3A_960 = arith.muli %add3A_956, %mul3A_959 : i32
      %add3A_961 = arith.addi %mul3A_958, %mul3A_960 : i32
      %dma_start3A_962 = arith.constant 0 : i32
      %dma_start3A_963 = arith.constant 0 : i32
      %dma_start3A_964 = arith.constant 0 : i32
      %dma_start3A_965 = tpu.memref_slice %arg11[%dma_start3A_962, %dma_start3A_963, %dma_start3A_964] : memref<2x40x128xf32, #tpu.memory_space<vmem>> -> memref<1x40x128xf32, #tpu.memory_space<vmem>>
      %dma_start3A_966 = tpu.memref_squeeze %dma_start3A_965 : memref<1x40x128xf32, #tpu.memory_space<vmem>> -> memref<40x128xf32, #tpu.memory_space<vmem>>
      %dma_start3A_967 = arith.constant 0 : i32
      %dma_start3A_968 = tpu.memref_slice %arg3[%add3A_961, %dma_start3A_967] : memref<320000x128xf32, #tpu.memory_space<hbm>> -> memref<40x128xf32, #tpu.memory_space<hbm>>
      %dma_start3A_969 = arith.constant 0 : i32
      %dma_start3A_970 = arith.constant 0 : i32
      %dma_start3A_971 = tpu.memref_slice %arg11[%dma_start3A_962, %dma_start3A_969, %dma_start3A_970] : memref<2x40x128xf32, #tpu.memory_space<vmem>> -> memref<1x40x128xf32, #tpu.memory_space<vmem>>
      %dma_start3A_972 = tpu.memref_squeeze %dma_start3A_971 : memref<1x40x128xf32, #tpu.memory_space<vmem>> -> memref<40x128xf32, #tpu.memory_space<vmem>>
      %dma_start3A_973 = arith.constant 0 : i32
      %dma_start3A_974 = tpu.memref_slice %arg3[%add3A_961, %dma_start3A_973] : memref<320000x128xf32, #tpu.memory_space<hbm>> -> memref<40x128xf32, #tpu.memory_space<hbm>>
      tpu.enqueue_dma source(%dma_start3A_974 : memref<40x128xf32, #tpu.memory_space<hbm>>) target(%dma_start3A_972 : memref<40x128xf32, #tpu.memory_space<vmem>>) target_semaphore(%arg20 : memref<!tpu.dma_semaphore, #tpu.memory_space<semaphore_mem>>)
      %dma_start3A_975 = arith.constant 2 : i32
      %dma_start3A_976 = arith.constant 0 : i32
      %dma_start3A_977 = arith.constant 0 : i32
      %dma_start3A_978 = arith.constant 0 : i32
      %dma_start3A_979 = tpu.memref_slice %arg12[%dma_start3A_976, %dma_start3A_977, %dma_start3A_978] : memref<2x80x64xi32, #tpu.memory_space<vmem>> -> memref<1x80x64xi32, #tpu.memory_space<vmem>>
      %dma_start3A_980 = tpu.memref_squeeze %dma_start3A_979 : memref<1x80x64xi32, #tpu.memory_space<vmem>> -> memref<80x64xi32, #tpu.memory_space<vmem>>
      %dma_start3A_981 = arith.constant 0 : i32
      %dma_start3A_982 = tpu.memref_slice %arg9[%dma_start3A_975, %dma_start3A_981] : memref<3x80xi32, #tpu.memory_space<vmem>> -> memref<1x80xi32, #tpu.memory_space<vmem>>
      %dma_start3A_983 = tpu.memref_squeeze %dma_start3A_982 : memref<1x80xi32, #tpu.memory_space<vmem>> -> memref<80xi32, #tpu.memory_space<vmem>>
      %dma_start3A_984 = arith.constant 0 : i32
      %dma_start3A_985 = arith.constant 0 : i32
      %dma_start3A_986 = tpu.memref_slice %arg2[%dma_start3A_984, %dma_start3A_985] : memref<10000x64xi32, #tpu.memory_space<hbm>> -> memref<10000x64xi32, #tpu.memory_space<hbm>>
      tpu.enqueue_indirect_dma source(%dma_start3A_986 : memref<10000x64xi32, #tpu.memory_space<hbm>>) target(%dma_start3A_980 : memref<80x64xi32, #tpu.memory_space<vmem>>) offsets(%dma_start3A_983 : memref<80xi32, #tpu.memory_space<vmem>>) semaphore(%arg20 : memref<!tpu.dma_semaphore, #tpu.memory_space<semaphore_mem>>)
      %mul3A_987 = arith.constant 10000 : i32
      %mul3A_988 = arith.muli %add3A, %mul3A_987 : i32
      %mul3A_989 = arith.constant 40 : i32
      %mul3A_990 = arith.muli %add3A_899, %mul3A_989 : i32
      %add3A_991 = arith.addi %mul3A_988, %mul3A_990 : i32
      %dma_wait3A_992 = arith.constant 1 : i32
      %dma_wait3A_993 = arith.constant 0 : i32
      %dma_wait3A_994 = arith.constant 0 : i32
      %dma_wait3A_995 = tpu.memref_slice %arg11[%dma_wait3A_992, %dma_wait3A_993, %dma_wait3A_994] : memref<2x40x128xf32, #tpu.memory_space<vmem>> -> memref<1x40x128xf32, #tpu.memory_space<vmem>>
      %dma_wait3A_996 = tpu.memref_squeeze %dma_wait3A_995 : memref<1x40x128xf32, #tpu.memory_space<vmem>> -> memref<40x128xf32, #tpu.memory_space<vmem>>
      %dma_wait3A_997 = arith.constant 0 : i32
      %dma_wait3A_998 = tpu.memref_slice %arg3[%add3A_991, %dma_wait3A_997] : memref<320000x128xf32, #tpu.memory_space<hbm>> -> memref<40x128xf32, #tpu.memory_space<hbm>>
      %dma_wait3A_999 = arith.constant 0 : i32
      %dma_wait3A_1000 = arith.constant 0 : i32
      %dma_wait3A_1001 = tpu.memref_slice %arg11[%dma_wait3A_992, %dma_wait3A_999, %dma_wait3A_1000] : memref<2x40x128xf32, #tpu.memory_space<vmem>> -> memref<1x40x128xf32, #tpu.memory_space<vmem>>
      %dma_wait3A_1002 = tpu.memref_squeeze %dma_wait3A_1001 : memref<1x40x128xf32, #tpu.memory_space<vmem>> -> memref<40x128xf32, #tpu.memory_space<vmem>>
      %dma_wait3A_1003 = arith.constant 0 : i32
      %dma_wait3A_1004 = tpu.memref_slice %arg3[%add3A_991, %dma_wait3A_1003] : memref<320000x128xf32, #tpu.memory_space<hbm>> -> memref<40x128xf32, #tpu.memory_space<hbm>>
      tpu.wait_dma2 semaphore(%arg21 : memref<!tpu.dma_semaphore, #tpu.memory_space<semaphore_mem>>) src(%dma_wait3A_1004 : memref<40x128xf32, #tpu.memory_space<hbm>>) dst(%dma_wait3A_1002 : memref<40x128xf32, #tpu.memory_space<vmem>>)
      %dma_wait3A_1005 = arith.constant 1 : i32
      %dma_wait3A_1006 = arith.constant 1 : i32
      %dma_wait3A_1007 = arith.constant 0 : i32
      %dma_wait3A_1008 = arith.constant 0 : i32
      %dma_wait3A_1009 = tpu.memref_slice %arg12[%dma_wait3A_1006, %dma_wait3A_1007, %dma_wait3A_1008] : memref<2x80x64xi32, #tpu.memory_space<vmem>> -> memref<1x80x64xi32, #tpu.memory_space<vmem>>
      %dma_wait3A_1010 = tpu.memref_squeeze %dma_wait3A_1009 : memref<1x80x64xi32, #tpu.memory_space<vmem>> -> memref<80x64xi32, #tpu.memory_space<vmem>>
      %dma_wait3A_1011 = arith.constant 0 : i32
      %dma_wait3A_1012 = tpu.memref_slice %arg9[%dma_wait3A_1005, %dma_wait3A_1011] : memref<3x80xi32, #tpu.memory_space<vmem>> -> memref<1x80xi32, #tpu.memory_space<vmem>>
      %dma_wait3A_1013 = tpu.memref_squeeze %dma_wait3A_1012 : memref<1x80xi32, #tpu.memory_space<vmem>> -> memref<80xi32, #tpu.memory_space<vmem>>
      %dma_wait3A_1014 = arith.constant 0 : i32
      %dma_wait3A_1015 = arith.constant 0 : i32
      %dma_wait3A_1016 = tpu.memref_slice %arg2[%dma_wait3A_1014, %dma_wait3A_1015] : memref<10000x64xi32, #tpu.memory_space<hbm>> -> memref<10000x64xi32, #tpu.memory_space<hbm>>
      tpu.wait_indirect_dma semaphore(%arg21 : memref<!tpu.dma_semaphore, #tpu.memory_space<semaphore_mem>>) src(%dma_wait3A_1016 : memref<10000x64xi32, #tpu.memory_space<hbm>>) dst(%dma_wait3A_1010 : memref<80x64xi32, #tpu.memory_space<vmem>>)
      %mul3A_1017 = arith.constant 10000 : i32
      %mul3A_1018 = arith.muli %add3A, %mul3A_1017 : i32
      %mul3A_1019 = arith.constant 40 : i32
      %mul3A_1020 = arith.muli %add3A_899, %mul3A_1019 : i32
      %add3A_1021 = arith.addi %mul3A_1018, %mul3A_1020 : i32
      %dma_wait3A_1022 = arith.constant 1 : i32
      %dma_wait3A_1023 = arith.constant 0 : i32
      %dma_wait3A_1024 = tpu.memref_slice %arg10[%dma_wait3A_1022, %dma_wait3A_1023] : memref<3x80xi32, #tpu.memory_space<vmem>> -> memref<1x40xi32, #tpu.memory_space<vmem>>
      %dma_wait3A_1025 = tpu.memref_squeeze %dma_wait3A_1024 : memref<1x40xi32, #tpu.memory_space<vmem>> -> memref<40xi32, #tpu.memory_space<vmem>>
      %dma_wait3A_1026 = tpu.memref_slice %arg5[%add3A_1021] : memref<320000xi32, #tpu.memory_space<hbm>> -> memref<40xi32, #tpu.memory_space<hbm>>
      %dma_wait3A_1027 = arith.constant 0 : i32
      %dma_wait3A_1028 = tpu.memref_slice %arg10[%dma_wait3A_1022, %dma_wait3A_1027] : memref<3x80xi32, #tpu.memory_space<vmem>> -> memref<1x40xi32, #tpu.memory_space<vmem>>
      %dma_wait3A_1029 = tpu.memref_squeeze %dma_wait3A_1028 : memref<1x40xi32, #tpu.memory_space<vmem>> -> memref<40xi32, #tpu.memory_space<vmem>>
      %dma_wait3A_1030 = tpu.memref_slice %arg5[%add3A_1021] : memref<320000xi32, #tpu.memory_space<hbm>> -> memref<40xi32, #tpu.memory_space<hbm>>
      tpu.wait_dma2 semaphore(%arg18 : memref<!tpu.dma_semaphore, #tpu.memory_space<semaphore_mem>>) src(%dma_wait3A_1030 : memref<40xi32, #tpu.memory_space<hbm>>) dst(%dma_wait3A_1029 : memref<40xi32, #tpu.memory_space<vmem>>)
      %dma_wait3A_1031 = arith.constant 1 : i32
      %dma_wait3A_1032 = arith.constant 40 : i32
      %dma_wait3A_1033 = tpu.memref_slice %arg10[%dma_wait3A_1031, %dma_wait3A_1032] : memref<3x80xi32, #tpu.memory_space<vmem>> -> memref<1x40xi32, #tpu.memory_space<vmem>>
      %dma_wait3A_1034 = tpu.memref_squeeze %dma_wait3A_1033 : memref<1x40xi32, #tpu.memory_space<vmem>> -> memref<40xi32, #tpu.memory_space<vmem>>
      %dma_wait3A_1035 = tpu.memref_slice %arg4[%add3A_1021] : memref<320000xi32, #tpu.memory_space<hbm>> -> memref<40xi32, #tpu.memory_space<hbm>>
      %dma_wait3A_1036 = arith.constant 40 : i32
      %dma_wait3A_1037 = tpu.memref_slice %arg10[%dma_wait3A_1031, %dma_wait3A_1036] : memref<3x80xi32, #tpu.memory_space<vmem>> -> memref<1x40xi32, #tpu.memory_space<vmem>>
      %dma_wait3A_1038 = tpu.memref_squeeze %dma_wait3A_1037 : memref<1x40xi32, #tpu.memory_space<vmem>> -> memref<40xi32, #tpu.memory_space<vmem>>
      %dma_wait3A_1039 = tpu.memref_slice %arg4[%add3A_1021] : memref<320000xi32, #tpu.memory_space<hbm>> -> memref<40xi32, #tpu.memory_space<hbm>>
      tpu.wait_dma2 semaphore(%arg18 : memref<!tpu.dma_semaphore, #tpu.memory_space<semaphore_mem>>) src(%dma_wait3A_1039 : memref<40xi32, #tpu.memory_space<hbm>>) dst(%dma_wait3A_1038 : memref<40xi32, #tpu.memory_space<vmem>>)
      %dma_start3A_1040 = arith.constant 1 : i32
      %dma_start3A_1041 = arith.constant 1 : i32
      %dma_start3A_1042 = arith.constant 0 : i32
      %dma_start3A_1043 = arith.constant 0 : i32
      %dma_start3A_1044 = tpu.memref_slice %arg13[%dma_start3A_1040, %dma_start3A_1042, %dma_start3A_1043] : memref<2x80x128xf32, #tpu.memory_space<vmem>> -> memref<1x80x128xf32, #tpu.memory_space<vmem>>
      %dma_start3A_1045 = tpu.memref_squeeze %dma_start3A_1044 : memref<1x80x128xf32, #tpu.memory_space<vmem>> -> memref<80x128xf32, #tpu.memory_space<vmem>>
      %dma_start3A_1046 = arith.constant 0 : i32
      %dma_start3A_1047 = tpu.memref_slice %arg10[%dma_start3A_1041, %dma_start3A_1046] : memref<3x80xi32, #tpu.memory_space<vmem>> -> memref<1x80xi32, #tpu.memory_space<vmem>>
      %dma_start3A_1048 = tpu.memref_squeeze %dma_start3A_1047 : memref<1x80xi32, #tpu.memory_space<vmem>> -> memref<80xi32, #tpu.memory_space<vmem>>
      %dma_start3A_1049 = arith.constant 0 : i32
      %dma_start3A_1050 = arith.constant 0 : i32
      %dma_start3A_1051 = tpu.memref_slice %arg8[%dma_start3A_1049, %dma_start3A_1050] : memref<10000x128xf32, #tpu.memory_space<vmem_shared>> -> memref<10000x128xf32, #tpu.memory_space<vmem_shared>>
      tpu.enqueue_indirect_dma source(%dma_start3A_1045 : memref<80x128xf32, #tpu.memory_space<vmem>>) target(%dma_start3A_1051 : memref<10000x128xf32, #tpu.memory_space<vmem_shared>>) offsets(%dma_start3A_1048 : memref<80xi32, #tpu.memory_space<vmem>>) semaphore(%arg23 : memref<!tpu.dma_semaphore, #tpu.memory_space<semaphore_mem>>) {add = true}
      %add3A_1052 = arith.constant 1 : i32
      %add3A_1053 = arith.addi %add3A_899, %add3A_1052 : i32
      %mul3A_1054 = arith.constant 10000 : i32
      %mul3A_1055 = arith.muli %add3A, %mul3A_1054 : i32
      %mul3A_1056 = arith.constant 40 : i32
      %mul3A_1057 = arith.muli %add3A_1053, %mul3A_1056 : i32
      %add3A_1058 = arith.addi %mul3A_1055, %mul3A_1057 : i32
      %dma_start3A_1059 = arith.constant 2 : i32
      %dma_start3A_1060 = arith.constant 0 : i32
      %dma_start3A_1061 = tpu.memref_slice %arg10[%dma_start3A_1059, %dma_start3A_1060] : memref<3x80xi32, #tpu.memory_space<vmem>> -> memref<1x40xi32, #tpu.memory_space<vmem>>
      %dma_start3A_1062 = tpu.memref_squeeze %dma_start3A_1061 : memref<1x40xi32, #tpu.memory_space<vmem>> -> memref<40xi32, #tpu.memory_space<vmem>>
      %dma_start3A_1063 = tpu.memref_slice %arg5[%add3A_1058] : memref<320000xi32, #tpu.memory_space<hbm>> -> memref<40xi32, #tpu.memory_space<hbm>>
      %dma_start3A_1064 = arith.constant 0 : i32
      %dma_start3A_1065 = tpu.memref_slice %arg10[%dma_start3A_1059, %dma_start3A_1064] : memref<3x80xi32, #tpu.memory_space<vmem>> -> memref<1x40xi32, #tpu.memory_space<vmem>>
      %dma_start3A_1066 = tpu.memref_squeeze %dma_start3A_1065 : memref<1x40xi32, #tpu.memory_space<vmem>> -> memref<40xi32, #tpu.memory_space<vmem>>
      %dma_start3A_1067 = tpu.memref_slice %arg5[%add3A_1058] : memref<320000xi32, #tpu.memory_space<hbm>> -> memref<40xi32, #tpu.memory_space<hbm>>
      tpu.enqueue_dma source(%dma_start3A_1067 : memref<40xi32, #tpu.memory_space<hbm>>) target(%dma_start3A_1066 : memref<40xi32, #tpu.memory_space<vmem>>) target_semaphore(%arg19 : memref<!tpu.dma_semaphore, #tpu.memory_space<semaphore_mem>>)
      %dma_start3A_1068 = arith.constant 2 : i32
      %dma_start3A_1069 = arith.constant 40 : i32
      %dma_start3A_1070 = tpu.memref_slice %arg10[%dma_start3A_1068, %dma_start3A_1069] : memref<3x80xi32, #tpu.memory_space<vmem>> -> memref<1x40xi32, #tpu.memory_space<vmem>>
      %dma_start3A_1071 = tpu.memref_squeeze %dma_start3A_1070 : memref<1x40xi32, #tpu.memory_space<vmem>> -> memref<40xi32, #tpu.memory_space<vmem>>
      %dma_start3A_1072 = tpu.memref_slice %arg4[%add3A_1058] : memref<320000xi32, #tpu.memory_space<hbm>> -> memref<40xi32, #tpu.memory_space<hbm>>
      %dma_start3A_1073 = arith.constant 40 : i32
      %dma_start3A_1074 = tpu.memref_slice %arg10[%dma_start3A_1068, %dma_start3A_1073] : memref<3x80xi32, #tpu.memory_space<vmem>> -> memref<1x40xi32, #tpu.memory_space<vmem>>
      %dma_start3A_1075 = tpu.memref_squeeze %dma_start3A_1074 : memref<1x40xi32, #tpu.memory_space<vmem>> -> memref<40xi32, #tpu.memory_space<vmem>>
      %dma_start3A_1076 = tpu.memref_slice %arg4[%add3A_1058] : memref<320000xi32, #tpu.memory_space<hbm>> -> memref<40xi32, #tpu.memory_space<hbm>>
      tpu.enqueue_dma source(%dma_start3A_1076 : memref<40xi32, #tpu.memory_space<hbm>>) target(%dma_start3A_1075 : memref<40xi32, #tpu.memory_space<vmem>>) target_semaphore(%arg19 : memref<!tpu.dma_semaphore, #tpu.memory_space<semaphore_mem>>)
      %add3A_1077 = arith.constant 2 : i32
      %add3A_1078 = arith.addi %add3A_719, %add3A_1077 : i32
      %ge3A_1079 = arith.constant 2 : i32
      %ge3A_1080 = arith.cmpi sge, %add3A_1078, %ge3A_1079 : i32
      %convert_element_type3A_1081 = arith.extui %ge3A_1080 : i1 to i32
      %cond3A_1082 = arith.constant 0 : i32
      %cond3A_1083 = arith.cmpi ne, %convert_element_type3A_1081, %cond3A_1082 : i32
      scf.if %cond3A_1083 {
        %dma_wait3A_1793 = arith.constant 0 : i32
        %dma_wait3A_1794 = arith.constant 2 : i32
        %dma_wait3A_1795 = arith.constant 0 : i32
        %dma_wait3A_1796 = arith.constant 0 : i32
        %dma_wait3A_1797 = tpu.memref_slice %arg13[%dma_wait3A_1793, %dma_wait3A_1795, %dma_wait3A_1796] : memref<2x80x128xf32, #tpu.memory_space<vmem>> -> memref<1x80x128xf32, #tpu.memory_space<vmem>>
        %dma_wait3A_1798 = tpu.memref_squeeze %dma_wait3A_1797 : memref<1x80x128xf32, #tpu.memory_space<vmem>> -> memref<80x128xf32, #tpu.memory_space<vmem>>
        %dma_wait3A_1799 = arith.constant 0 : i32
        %dma_wait3A_1800 = tpu.memref_slice %arg10[%dma_wait3A_1794, %dma_wait3A_1799] : memref<3x80xi32, #tpu.memory_space<vmem>> -> memref<1x80xi32, #tpu.memory_space<vmem>>
        %dma_wait3A_1801 = tpu.memref_squeeze %dma_wait3A_1800 : memref<1x80xi32, #tpu.memory_space<vmem>> -> memref<80xi32, #tpu.memory_space<vmem>>
        %dma_wait3A_1802 = arith.constant 0 : i32
        %dma_wait3A_1803 = arith.constant 0 : i32
        %dma_wait3A_1804 = tpu.memref_slice %arg8[%dma_wait3A_1802, %dma_wait3A_1803] : memref<10000x128xf32, #tpu.memory_space<vmem_shared>> -> memref<10000x128xf32, #tpu.memory_space<vmem_shared>>
        tpu.wait_indirect_dma semaphore(%arg22 : memref<!tpu.dma_semaphore, #tpu.memory_space<semaphore_mem>>) src(%dma_wait3A_1798 : memref<80x128xf32, #tpu.memory_space<vmem>>) dst(%dma_wait3A_1804 : memref<10000x128xf32, #tpu.memory_space<vmem_shared>>)
      } else {
      }
      %add3A_1084 = arith.constant 2 : i32
      %add3A_1085 = arith.addi %add3A_1078, %add3A_1084 : i32
      %mul3A_1086 = arith.constant 10000 : i32
      %mul3A_1087 = arith.muli %add3A, %mul3A_1086 : i32
      %mul3A_1088 = arith.constant 40 : i32
      %mul3A_1089 = arith.muli %add3A_1085, %mul3A_1088 : i32
      %add3A_1090 = arith.addi %mul3A_1087, %mul3A_1089 : i32
      %dma_start3A_1091 = arith.constant 1 : i32
      %dma_start3A_1092 = arith.constant 0 : i32
      %dma_start3A_1093 = tpu.memref_slice %arg9[%dma_start3A_1091, %dma_start3A_1092] : memref<3x80xi32, #tpu.memory_space<vmem>> -> memref<1x40xi32, #tpu.memory_space<vmem>>
      %dma_start3A_1094 = tpu.memref_squeeze %dma_start3A_1093 : memref<1x40xi32, #tpu.memory_space<vmem>> -> memref<40xi32, #tpu.memory_space<vmem>>
      %dma_start3A_1095 = tpu.memref_slice %arg4[%add3A_1090] : memref<320000xi32, #tpu.memory_space<hbm>> -> memref<40xi32, #tpu.memory_space<hbm>>
      %dma_start3A_1096 = arith.constant 0 : i32
      %dma_start3A_1097 = tpu.memref_slice %arg9[%dma_start3A_1091, %dma_start3A_1096] : memref<3x80xi32, #tpu.memory_space<vmem>> -> memref<1x40xi32, #tpu.memory_space<vmem>>
      %dma_start3A_1098 = tpu.memref_squeeze %dma_start3A_1097 : memref<1x40xi32, #tpu.memory_space<vmem>> -> memref<40xi32, #tpu.memory_space<vmem>>
      %dma_start3A_1099 = tpu.memref_slice %arg4[%add3A_1090] : memref<320000xi32, #tpu.memory_space<hbm>> -> memref<40xi32, #tpu.memory_space<hbm>>
      tpu.enqueue_dma source(%dma_start3A_1099 : memref<40xi32, #tpu.memory_space<hbm>>) target(%dma_start3A_1098 : memref<40xi32, #tpu.memory_space<vmem>>) target_semaphore(%arg15 : memref<!tpu.dma_semaphore, #tpu.memory_space<semaphore_mem>>)
      %dma_start3A_1100 = arith.constant 1 : i32
      %dma_start3A_1101 = arith.constant 40 : i32
      %dma_start3A_1102 = tpu.memref_slice %arg9[%dma_start3A_1100, %dma_start3A_1101] : memref<3x80xi32, #tpu.memory_space<vmem>> -> memref<1x40xi32, #tpu.memory_space<vmem>>
      %dma_start3A_1103 = tpu.memref_squeeze %dma_start3A_1102 : memref<1x40xi32, #tpu.memory_space<vmem>> -> memref<40xi32, #tpu.memory_space<vmem>>
      %dma_start3A_1104 = tpu.memref_slice %arg5[%add3A_1090] : memref<320000xi32, #tpu.memory_space<hbm>> -> memref<40xi32, #tpu.memory_space<hbm>>
      %dma_start3A_1105 = arith.constant 40 : i32
      %dma_start3A_1106 = tpu.memref_slice %arg9[%dma_start3A_1100, %dma_start3A_1105] : memref<3x80xi32, #tpu.memory_space<vmem>> -> memref<1x40xi32, #tpu.memory_space<vmem>>
      %dma_start3A_1107 = tpu.memref_squeeze %dma_start3A_1106 : memref<1x40xi32, #tpu.memory_space<vmem>> -> memref<40xi32, #tpu.memory_space<vmem>>
      %dma_start3A_1108 = tpu.memref_slice %arg5[%add3A_1090] : memref<320000xi32, #tpu.memory_space<hbm>> -> memref<40xi32, #tpu.memory_space<hbm>>
      tpu.enqueue_dma source(%dma_start3A_1108 : memref<40xi32, #tpu.memory_space<hbm>>) target(%dma_start3A_1107 : memref<40xi32, #tpu.memory_space<vmem>>) target_semaphore(%arg15 : memref<!tpu.dma_semaphore, #tpu.memory_space<semaphore_mem>>)
      %add3A_1109 = arith.constant 1 : i32
      %add3A_1110 = arith.addi %add3A_1078, %add3A_1109 : i32
      %mul3A_1111 = arith.constant 10000 : i32
      %mul3A_1112 = arith.muli %add3A, %mul3A_1111 : i32
      %mul3A_1113 = arith.constant 40 : i32
      %mul3A_1114 = arith.muli %add3A_1110, %mul3A_1113 : i32
      %add3A_1115 = arith.addi %mul3A_1112, %mul3A_1114 : i32
      %dma_wait3A_1116 = arith.constant 0 : i32
      %dma_wait3A_1117 = arith.constant 0 : i32
      %dma_wait3A_1118 = tpu.memref_slice %arg9[%dma_wait3A_1116, %dma_wait3A_1117] : memref<3x80xi32, #tpu.memory_space<vmem>> -> memref<1x40xi32, #tpu.memory_space<vmem>>
      %dma_wait3A_1119 = tpu.memref_squeeze %dma_wait3A_1118 : memref<1x40xi32, #tpu.memory_space<vmem>> -> memref<40xi32, #tpu.memory_space<vmem>>
      %dma_wait3A_1120 = tpu.memref_slice %arg4[%add3A_1115] : memref<320000xi32, #tpu.memory_space<hbm>> -> memref<40xi32, #tpu.memory_space<hbm>>
      %dma_wait3A_1121 = arith.constant 0 : i32
      %dma_wait3A_1122 = tpu.memref_slice %arg9[%dma_wait3A_1116, %dma_wait3A_1121] : memref<3x80xi32, #tpu.memory_space<vmem>> -> memref<1x40xi32, #tpu.memory_space<vmem>>
      %dma_wait3A_1123 = tpu.memref_squeeze %dma_wait3A_1122 : memref<1x40xi32, #tpu.memory_space<vmem>> -> memref<40xi32, #tpu.memory_space<vmem>>
      %dma_wait3A_1124 = tpu.memref_slice %arg4[%add3A_1115] : memref<320000xi32, #tpu.memory_space<hbm>> -> memref<40xi32, #tpu.memory_space<hbm>>
      tpu.wait_dma2 semaphore(%arg14 : memref<!tpu.dma_semaphore, #tpu.memory_space<semaphore_mem>>) src(%dma_wait3A_1124 : memref<40xi32, #tpu.memory_space<hbm>>) dst(%dma_wait3A_1123 : memref<40xi32, #tpu.memory_space<vmem>>)
      %dma_wait3A_1125 = arith.constant 0 : i32
      %dma_wait3A_1126 = arith.constant 40 : i32
      %dma_wait3A_1127 = tpu.memref_slice %arg9[%dma_wait3A_1125, %dma_wait3A_1126] : memref<3x80xi32, #tpu.memory_space<vmem>> -> memref<1x40xi32, #tpu.memory_space<vmem>>
      %dma_wait3A_1128 = tpu.memref_squeeze %dma_wait3A_1127 : memref<1x40xi32, #tpu.memory_space<vmem>> -> memref<40xi32, #tpu.memory_space<vmem>>
      %dma_wait3A_1129 = tpu.memref_slice %arg5[%add3A_1115] : memref<320000xi32, #tpu.memory_space<hbm>> -> memref<40xi32, #tpu.memory_space<hbm>>
      %dma_wait3A_1130 = arith.constant 40 : i32
      %dma_wait3A_1131 = tpu.memref_slice %arg9[%dma_wait3A_1125, %dma_wait3A_1130] : memref<3x80xi32, #tpu.memory_space<vmem>> -> memref<1x40xi32, #tpu.memory_space<vmem>>
      %dma_wait3A_1132 = tpu.memref_squeeze %dma_wait3A_1131 : memref<1x40xi32, #tpu.memory_space<vmem>> -> memref<40xi32, #tpu.memory_space<vmem>>
      %dma_wait3A_1133 = tpu.memref_slice %arg5[%add3A_1115] : memref<320000xi32, #tpu.memory_space<hbm>> -> memref<40xi32, #tpu.memory_space<hbm>>
      tpu.wait_dma2 semaphore(%arg14 : memref<!tpu.dma_semaphore, #tpu.memory_space<semaphore_mem>>) src(%dma_wait3A_1133 : memref<40xi32, #tpu.memory_space<hbm>>) dst(%dma_wait3A_1132 : memref<40xi32, #tpu.memory_space<vmem>>)
      %add3A_1134 = arith.constant 1 : i32
      %add3A_1135 = arith.addi %add3A_1078, %add3A_1134 : i32
      %mul3A_1136 = arith.constant 10000 : i32
      %mul3A_1137 = arith.muli %add3A, %mul3A_1136 : i32
      %mul3A_1138 = arith.constant 40 : i32
      %mul3A_1139 = arith.muli %add3A_1135, %mul3A_1138 : i32
      %add3A_1140 = arith.addi %mul3A_1137, %mul3A_1139 : i32
      %dma_start3A_1141 = arith.constant 1 : i32
      %dma_start3A_1142 = arith.constant 0 : i32
      %dma_start3A_1143 = arith.constant 0 : i32
      %dma_start3A_1144 = tpu.memref_slice %arg11[%dma_start3A_1141, %dma_start3A_1142, %dma_start3A_1143] : memref<2x40x128xf32, #tpu.memory_space<vmem>> -> memref<1x40x128xf32, #tpu.memory_space<vmem>>
      %dma_start3A_1145 = tpu.memref_squeeze %dma_start3A_1144 : memref<1x40x128xf32, #tpu.memory_space<vmem>> -> memref<40x128xf32, #tpu.memory_space<vmem>>
      %dma_start3A_1146 = arith.constant 0 : i32
      %dma_start3A_1147 = tpu.memref_slice %arg3[%add3A_1140, %dma_start3A_1146] : memref<320000x128xf32, #tpu.memory_space<hbm>> -> memref<40x128xf32, #tpu.memory_space<hbm>>
      %dma_start3A_1148 = arith.constant 0 : i32
      %dma_start3A_1149 = arith.constant 0 : i32
      %dma_start3A_1150 = tpu.memref_slice %arg11[%dma_start3A_1141, %dma_start3A_1148, %dma_start3A_1149] : memref<2x40x128xf32, #tpu.memory_space<vmem>> -> memref<1x40x128xf32, #tpu.memory_space<vmem>>
      %dma_start3A_1151 = tpu.memref_squeeze %dma_start3A_1150 : memref<1x40x128xf32, #tpu.memory_space<vmem>> -> memref<40x128xf32, #tpu.memory_space<vmem>>
      %dma_start3A_1152 = arith.constant 0 : i32
      %dma_start3A_1153 = tpu.memref_slice %arg3[%add3A_1140, %dma_start3A_1152] : memref<320000x128xf32, #tpu.memory_space<hbm>> -> memref<40x128xf32, #tpu.memory_space<hbm>>
      tpu.enqueue_dma source(%dma_start3A_1153 : memref<40x128xf32, #tpu.memory_space<hbm>>) target(%dma_start3A_1151 : memref<40x128xf32, #tpu.memory_space<vmem>>) target_semaphore(%arg21 : memref<!tpu.dma_semaphore, #tpu.memory_space<semaphore_mem>>)
      %dma_start3A_1154 = arith.constant 0 : i32
      %dma_start3A_1155 = arith.constant 1 : i32
      %dma_start3A_1156 = arith.constant 0 : i32
      %dma_start3A_1157 = arith.constant 0 : i32
      %dma_start3A_1158 = tpu.memref_slice %arg12[%dma_start3A_1155, %dma_start3A_1156, %dma_start3A_1157] : memref<2x80x64xi32, #tpu.memory_space<vmem>> -> memref<1x80x64xi32, #tpu.memory_space<vmem>>
      %dma_start3A_1159 = tpu.memref_squeeze %dma_start3A_1158 : memref<1x80x64xi32, #tpu.memory_space<vmem>> -> memref<80x64xi32, #tpu.memory_space<vmem>>
      %dma_start3A_1160 = arith.constant 0 : i32
      %dma_start3A_1161 = tpu.memref_slice %arg9[%dma_start3A_1154, %dma_start3A_1160] : memref<3x80xi32, #tpu.memory_space<vmem>> -> memref<1x80xi32, #tpu.memory_space<vmem>>
      %dma_start3A_1162 = tpu.memref_squeeze %dma_start3A_1161 : memref<1x80xi32, #tpu.memory_space<vmem>> -> memref<80xi32, #tpu.memory_space<vmem>>
      %dma_start3A_1163 = arith.constant 0 : i32
      %dma_start3A_1164 = arith.constant 0 : i32
      %dma_start3A_1165 = tpu.memref_slice %arg2[%dma_start3A_1163, %dma_start3A_1164] : memref<10000x64xi32, #tpu.memory_space<hbm>> -> memref<10000x64xi32, #tpu.memory_space<hbm>>
      tpu.enqueue_indirect_dma source(%dma_start3A_1165 : memref<10000x64xi32, #tpu.memory_space<hbm>>) target(%dma_start3A_1159 : memref<80x64xi32, #tpu.memory_space<vmem>>) offsets(%dma_start3A_1162 : memref<80xi32, #tpu.memory_space<vmem>>) semaphore(%arg21 : memref<!tpu.dma_semaphore, #tpu.memory_space<semaphore_mem>>)
      %mul3A_1166 = arith.constant 10000 : i32
      %mul3A_1167 = arith.muli %add3A, %mul3A_1166 : i32
      %mul3A_1168 = arith.constant 40 : i32
      %mul3A_1169 = arith.muli %add3A_1078, %mul3A_1168 : i32
      %add3A_1170 = arith.addi %mul3A_1167, %mul3A_1169 : i32
      %dma_wait3A_1171 = arith.constant 0 : i32
      %dma_wait3A_1172 = arith.constant 0 : i32
      %dma_wait3A_1173 = arith.constant 0 : i32
      %dma_wait3A_1174 = tpu.memref_slice %arg11[%dma_wait3A_1171, %dma_wait3A_1172, %dma_wait3A_1173] : memref<2x40x128xf32, #tpu.memory_space<vmem>> -> memref<1x40x128xf32, #tpu.memory_space<vmem>>
      %dma_wait3A_1175 = tpu.memref_squeeze %dma_wait3A_1174 : memref<1x40x128xf32, #tpu.memory_space<vmem>> -> memref<40x128xf32, #tpu.memory_space<vmem>>
      %dma_wait3A_1176 = arith.constant 0 : i32
      %dma_wait3A_1177 = tpu.memref_slice %arg3[%add3A_1170, %dma_wait3A_1176] : memref<320000x128xf32, #tpu.memory_space<hbm>> -> memref<40x128xf32, #tpu.memory_space<hbm>>
      %dma_wait3A_1178 = arith.constant 0 : i32
      %dma_wait3A_1179 = arith.constant 0 : i32
      %dma_wait3A_1180 = tpu.memref_slice %arg11[%dma_wait3A_1171, %dma_wait3A_1178, %dma_wait3A_1179] : memref<2x40x128xf32, #tpu.memory_space<vmem>> -> memref<1x40x128xf32, #tpu.memory_space<vmem>>
      %dma_wait3A_1181 = tpu.memref_squeeze %dma_wait3A_1180 : memref<1x40x128xf32, #tpu.memory_space<vmem>> -> memref<40x128xf32, #tpu.memory_space<vmem>>
      %dma_wait3A_1182 = arith.constant 0 : i32
      %dma_wait3A_1183 = tpu.memref_slice %arg3[%add3A_1170, %dma_wait3A_1182] : memref<320000x128xf32, #tpu.memory_space<hbm>> -> memref<40x128xf32, #tpu.memory_space<hbm>>
      tpu.wait_dma2 semaphore(%arg20 : memref<!tpu.dma_semaphore, #tpu.memory_space<semaphore_mem>>) src(%dma_wait3A_1183 : memref<40x128xf32, #tpu.memory_space<hbm>>) dst(%dma_wait3A_1181 : memref<40x128xf32, #tpu.memory_space<vmem>>)
      %dma_wait3A_1184 = arith.constant 2 : i32
      %dma_wait3A_1185 = arith.constant 0 : i32
      %dma_wait3A_1186 = arith.constant 0 : i32
      %dma_wait3A_1187 = arith.constant 0 : i32
      %dma_wait3A_1188 = tpu.memref_slice %arg12[%dma_wait3A_1185, %dma_wait3A_1186, %dma_wait3A_1187] : memref<2x80x64xi32, #tpu.memory_space<vmem>> -> memref<1x80x64xi32, #tpu.memory_space<vmem>>
      %dma_wait3A_1189 = tpu.memref_squeeze %dma_wait3A_1188 : memref<1x80x64xi32, #tpu.memory_space<vmem>> -> memref<80x64xi32, #tpu.memory_space<vmem>>
      %dma_wait3A_1190 = arith.constant 0 : i32
      %dma_wait3A_1191 = tpu.memref_slice %arg9[%dma_wait3A_1184, %dma_wait3A_1190] : memref<3x80xi32, #tpu.memory_space<vmem>> -> memref<1x80xi32, #tpu.memory_space<vmem>>
      %dma_wait3A_1192 = tpu.memref_squeeze %dma_wait3A_1191 : memref<1x80xi32, #tpu.memory_space<vmem>> -> memref<80xi32, #tpu.memory_space<vmem>>
      %dma_wait3A_1193 = arith.constant 0 : i32
      %dma_wait3A_1194 = arith.constant 0 : i32
      %dma_wait3A_1195 = tpu.memref_slice %arg2[%dma_wait3A_1193, %dma_wait3A_1194] : memref<10000x64xi32, #tpu.memory_space<hbm>> -> memref<10000x64xi32, #tpu.memory_space<hbm>>
      tpu.wait_indirect_dma semaphore(%arg20 : memref<!tpu.dma_semaphore, #tpu.memory_space<semaphore_mem>>) src(%dma_wait3A_1195 : memref<10000x64xi32, #tpu.memory_space<hbm>>) dst(%dma_wait3A_1189 : memref<80x64xi32, #tpu.memory_space<vmem>>)
      %mul3A_1196 = arith.constant 10000 : i32
      %mul3A_1197 = arith.muli %add3A, %mul3A_1196 : i32
      %mul3A_1198 = arith.constant 40 : i32
      %mul3A_1199 = arith.muli %add3A_1078, %mul3A_1198 : i32
      %add3A_1200 = arith.addi %mul3A_1197, %mul3A_1199 : i32
      %dma_wait3A_1201 = arith.constant 2 : i32
      %dma_wait3A_1202 = arith.constant 0 : i32
      %dma_wait3A_1203 = tpu.memref_slice %arg10[%dma_wait3A_1201, %dma_wait3A_1202] : memref<3x80xi32, #tpu.memory_space<vmem>> -> memref<1x40xi32, #tpu.memory_space<vmem>>
      %dma_wait3A_1204 = tpu.memref_squeeze %dma_wait3A_1203 : memref<1x40xi32, #tpu.memory_space<vmem>> -> memref<40xi32, #tpu.memory_space<vmem>>
      %dma_wait3A_1205 = tpu.memref_slice %arg5[%add3A_1200] : memref<320000xi32, #tpu.memory_space<hbm>> -> memref<40xi32, #tpu.memory_space<hbm>>
      %dma_wait3A_1206 = arith.constant 0 : i32
      %dma_wait3A_1207 = tpu.memref_slice %arg10[%dma_wait3A_1201, %dma_wait3A_1206] : memref<3x80xi32, #tpu.memory_space<vmem>> -> memref<1x40xi32, #tpu.memory_space<vmem>>
      %dma_wait3A_1208 = tpu.memref_squeeze %dma_wait3A_1207 : memref<1x40xi32, #tpu.memory_space<vmem>> -> memref<40xi32, #tpu.memory_space<vmem>>
      %dma_wait3A_1209 = tpu.memref_slice %arg5[%add3A_1200] : memref<320000xi32, #tpu.memory_space<hbm>> -> memref<40xi32, #tpu.memory_space<hbm>>
      tpu.wait_dma2 semaphore(%arg19 : memref<!tpu.dma_semaphore, #tpu.memory_space<semaphore_mem>>) src(%dma_wait3A_1209 : memref<40xi32, #tpu.memory_space<hbm>>) dst(%dma_wait3A_1208 : memref<40xi32, #tpu.memory_space<vmem>>)
      %dma_wait3A_1210 = arith.constant 2 : i32
      %dma_wait3A_1211 = arith.constant 40 : i32
      %dma_wait3A_1212 = tpu.memref_slice %arg10[%dma_wait3A_1210, %dma_wait3A_1211] : memref<3x80xi32, #tpu.memory_space<vmem>> -> memref<1x40xi32, #tpu.memory_space<vmem>>
      %dma_wait3A_1213 = tpu.memref_squeeze %dma_wait3A_1212 : memref<1x40xi32, #tpu.memory_space<vmem>> -> memref<40xi32, #tpu.memory_space<vmem>>
      %dma_wait3A_1214 = tpu.memref_slice %arg4[%add3A_1200] : memref<320000xi32, #tpu.memory_space<hbm>> -> memref<40xi32, #tpu.memory_space<hbm>>
      %dma_wait3A_1215 = arith.constant 40 : i32
      %dma_wait3A_1216 = tpu.memref_slice %arg10[%dma_wait3A_1210, %dma_wait3A_1215] : memref<3x80xi32, #tpu.memory_space<vmem>> -> memref<1x40xi32, #tpu.memory_space<vmem>>
      %dma_wait3A_1217 = tpu.memref_squeeze %dma_wait3A_1216 : memref<1x40xi32, #tpu.memory_space<vmem>> -> memref<40xi32, #tpu.memory_space<vmem>>
      %dma_wait3A_1218 = tpu.memref_slice %arg4[%add3A_1200] : memref<320000xi32, #tpu.memory_space<hbm>> -> memref<40xi32, #tpu.memory_space<hbm>>
      tpu.wait_dma2 semaphore(%arg19 : memref<!tpu.dma_semaphore, #tpu.memory_space<semaphore_mem>>) src(%dma_wait3A_1218 : memref<40xi32, #tpu.memory_space<hbm>>) dst(%dma_wait3A_1217 : memref<40xi32, #tpu.memory_space<vmem>>)
      %dma_start3A_1219 = arith.constant 0 : i32
      %dma_start3A_1220 = arith.constant 2 : i32
      %dma_start3A_1221 = arith.constant 0 : i32
      %dma_start3A_1222 = arith.constant 0 : i32
      %dma_start3A_1223 = tpu.memref_slice %arg13[%dma_start3A_1219, %dma_start3A_1221, %dma_start3A_1222] : memref<2x80x128xf32, #tpu.memory_space<vmem>> -> memref<1x80x128xf32, #tpu.memory_space<vmem>>
      %dma_start3A_1224 = tpu.memref_squeeze %dma_start3A_1223 : memref<1x80x128xf32, #tpu.memory_space<vmem>> -> memref<80x128xf32, #tpu.memory_space<vmem>>
      %dma_start3A_1225 = arith.constant 0 : i32
      %dma_start3A_1226 = tpu.memref_slice %arg10[%dma_start3A_1220, %dma_start3A_1225] : memref<3x80xi32, #tpu.memory_space<vmem>> -> memref<1x80xi32, #tpu.memory_space<vmem>>
      %dma_start3A_1227 = tpu.memref_squeeze %dma_start3A_1226 : memref<1x80xi32, #tpu.memory_space<vmem>> -> memref<80xi32, #tpu.memory_space<vmem>>
      %dma_start3A_1228 = arith.constant 0 : i32
      %dma_start3A_1229 = arith.constant 0 : i32
      %dma_start3A_1230 = tpu.memref_slice %arg8[%dma_start3A_1228, %dma_start3A_1229] : memref<10000x128xf32, #tpu.memory_space<vmem_shared>> -> memref<10000x128xf32, #tpu.memory_space<vmem_shared>>
      tpu.enqueue_indirect_dma source(%dma_start3A_1224 : memref<80x128xf32, #tpu.memory_space<vmem>>) target(%dma_start3A_1230 : memref<10000x128xf32, #tpu.memory_space<vmem_shared>>) offsets(%dma_start3A_1227 : memref<80xi32, #tpu.memory_space<vmem>>) semaphore(%arg22 : memref<!tpu.dma_semaphore, #tpu.memory_space<semaphore_mem>>) {add = true}
      %add3A_1231 = arith.constant 1 : i32
      %add3A_1232 = arith.addi %add3A_1078, %add3A_1231 : i32
      %mul3A_1233 = arith.constant 10000 : i32
      %mul3A_1234 = arith.muli %add3A, %mul3A_1233 : i32
      %mul3A_1235 = arith.constant 40 : i32
      %mul3A_1236 = arith.muli %add3A_1232, %mul3A_1235 : i32
      %add3A_1237 = arith.addi %mul3A_1234, %mul3A_1236 : i32
      %dma_start3A_1238 = arith.constant 0 : i32
      %dma_start3A_1239 = arith.constant 0 : i32
      %dma_start3A_1240 = tpu.memref_slice %arg10[%dma_start3A_1238, %dma_start3A_1239] : memref<3x80xi32, #tpu.memory_space<vmem>> -> memref<1x40xi32, #tpu.memory_space<vmem>>
      %dma_start3A_1241 = tpu.memref_squeeze %dma_start3A_1240 : memref<1x40xi32, #tpu.memory_space<vmem>> -> memref<40xi32, #tpu.memory_space<vmem>>
      %dma_start3A_1242 = tpu.memref_slice %arg5[%add3A_1237] : memref<320000xi32, #tpu.memory_space<hbm>> -> memref<40xi32, #tpu.memory_space<hbm>>
      %dma_start3A_1243 = arith.constant 0 : i32
      %dma_start3A_1244 = tpu.memref_slice %arg10[%dma_start3A_1238, %dma_start3A_1243] : memref<3x80xi32, #tpu.memory_space<vmem>> -> memref<1x40xi32, #tpu.memory_space<vmem>>
      %dma_start3A_1245 = tpu.memref_squeeze %dma_start3A_1244 : memref<1x40xi32, #tpu.memory_space<vmem>> -> memref<40xi32, #tpu.memory_space<vmem>>
      %dma_start3A_1246 = tpu.memref_slice %arg5[%add3A_1237] : memref<320000xi32, #tpu.memory_space<hbm>> -> memref<40xi32, #tpu.memory_space<hbm>>
      tpu.enqueue_dma source(%dma_start3A_1246 : memref<40xi32, #tpu.memory_space<hbm>>) target(%dma_start3A_1245 : memref<40xi32, #tpu.memory_space<vmem>>) target_semaphore(%arg17 : memref<!tpu.dma_semaphore, #tpu.memory_space<semaphore_mem>>)
      %dma_start3A_1247 = arith.constant 0 : i32
      %dma_start3A_1248 = arith.constant 40 : i32
      %dma_start3A_1249 = tpu.memref_slice %arg10[%dma_start3A_1247, %dma_start3A_1248] : memref<3x80xi32, #tpu.memory_space<vmem>> -> memref<1x40xi32, #tpu.memory_space<vmem>>
      %dma_start3A_1250 = tpu.memref_squeeze %dma_start3A_1249 : memref<1x40xi32, #tpu.memory_space<vmem>> -> memref<40xi32, #tpu.memory_space<vmem>>
      %dma_start3A_1251 = tpu.memref_slice %arg4[%add3A_1237] : memref<320000xi32, #tpu.memory_space<hbm>> -> memref<40xi32, #tpu.memory_space<hbm>>
      %dma_start3A_1252 = arith.constant 40 : i32
      %dma_start3A_1253 = tpu.memref_slice %arg10[%dma_start3A_1247, %dma_start3A_1252] : memref<3x80xi32, #tpu.memory_space<vmem>> -> memref<1x40xi32, #tpu.memory_space<vmem>>
      %dma_start3A_1254 = tpu.memref_squeeze %dma_start3A_1253 : memref<1x40xi32, #tpu.memory_space<vmem>> -> memref<40xi32, #tpu.memory_space<vmem>>
      %dma_start3A_1255 = tpu.memref_slice %arg4[%add3A_1237] : memref<320000xi32, #tpu.memory_space<hbm>> -> memref<40xi32, #tpu.memory_space<hbm>>
      tpu.enqueue_dma source(%dma_start3A_1255 : memref<40xi32, #tpu.memory_space<hbm>>) target(%dma_start3A_1254 : memref<40xi32, #tpu.memory_space<vmem>>) target_semaphore(%arg17 : memref<!tpu.dma_semaphore, #tpu.memory_space<semaphore_mem>>)
      %add3A_1256 = arith.constant 3 : i32
      %add3A_1257 = arith.addi %add3A_719, %add3A_1256 : i32
      %ge3A_1258 = arith.constant 2 : i32
      %ge3A_1259 = arith.cmpi sge, %add3A_1257, %ge3A_1258 : i32
      %convert_element_type3A_1260 = arith.extui %ge3A_1259 : i1 to i32
      %cond3A_1261 = arith.constant 0 : i32
      %cond3A_1262 = arith.cmpi ne, %convert_element_type3A_1260, %cond3A_1261 : i32
      scf.if %cond3A_1262 {
        %dma_wait3A_1793 = arith.constant 1 : i32
        %dma_wait3A_1794 = arith.constant 0 : i32
        %dma_wait3A_1795 = arith.constant 0 : i32
        %dma_wait3A_1796 = arith.constant 0 : i32
        %dma_wait3A_1797 = tpu.memref_slice %arg13[%dma_wait3A_1793, %dma_wait3A_1795, %dma_wait3A_1796] : memref<2x80x128xf32, #tpu.memory_space<vmem>> -> memref<1x80x128xf32, #tpu.memory_space<vmem>>
        %dma_wait3A_1798 = tpu.memref_squeeze %dma_wait3A_1797 : memref<1x80x128xf32, #tpu.memory_space<vmem>> -> memref<80x128xf32, #tpu.memory_space<vmem>>
        %dma_wait3A_1799 = arith.constant 0 : i32
        %dma_wait3A_1800 = tpu.memref_slice %arg10[%dma_wait3A_1794, %dma_wait3A_1799] : memref<3x80xi32, #tpu.memory_space<vmem>> -> memref<1x80xi32, #tpu.memory_space<vmem>>
        %dma_wait3A_1801 = tpu.memref_squeeze %dma_wait3A_1800 : memref<1x80xi32, #tpu.memory_space<vmem>> -> memref<80xi32, #tpu.memory_space<vmem>>
        %dma_wait3A_1802 = arith.constant 0 : i32
        %dma_wait3A_1803 = arith.constant 0 : i32
        %dma_wait3A_1804 = tpu.memref_slice %arg8[%dma_wait3A_1802, %dma_wait3A_1803] : memref<10000x128xf32, #tpu.memory_space<vmem_shared>> -> memref<10000x128xf32, #tpu.memory_space<vmem_shared>>
        tpu.wait_indirect_dma semaphore(%arg23 : memref<!tpu.dma_semaphore, #tpu.memory_space<semaphore_mem>>) src(%dma_wait3A_1798 : memref<80x128xf32, #tpu.memory_space<vmem>>) dst(%dma_wait3A_1804 : memref<10000x128xf32, #tpu.memory_space<vmem_shared>>)
      } else {
      }
      %add3A_1263 = arith.constant 2 : i32
      %add3A_1264 = arith.addi %add3A_1257, %add3A_1263 : i32
      %mul3A_1265 = arith.constant 10000 : i32
      %mul3A_1266 = arith.muli %add3A, %mul3A_1265 : i32
      %mul3A_1267 = arith.constant 40 : i32
      %mul3A_1268 = arith.muli %add3A_1264, %mul3A_1267 : i32
      %add3A_1269 = arith.addi %mul3A_1266, %mul3A_1268 : i32
      %dma_start3A_1270 = arith.constant 2 : i32
      %dma_start3A_1271 = arith.constant 0 : i32
      %dma_start3A_1272 = tpu.memref_slice %arg9[%dma_start3A_1270, %dma_start3A_1271] : memref<3x80xi32, #tpu.memory_space<vmem>> -> memref<1x40xi32, #tpu.memory_space<vmem>>
      %dma_start3A_1273 = tpu.memref_squeeze %dma_start3A_1272 : memref<1x40xi32, #tpu.memory_space<vmem>> -> memref<40xi32, #tpu.memory_space<vmem>>
      %dma_start3A_1274 = tpu.memref_slice %arg4[%add3A_1269] : memref<320000xi32, #tpu.memory_space<hbm>> -> memref<40xi32, #tpu.memory_space<hbm>>
      %dma_start3A_1275 = arith.constant 0 : i32
      %dma_start3A_1276 = tpu.memref_slice %arg9[%dma_start3A_1270, %dma_start3A_1275] : memref<3x80xi32, #tpu.memory_space<vmem>> -> memref<1x40xi32, #tpu.memory_space<vmem>>
      %dma_start3A_1277 = tpu.memref_squeeze %dma_start3A_1276 : memref<1x40xi32, #tpu.memory_space<vmem>> -> memref<40xi32, #tpu.memory_space<vmem>>
      %dma_start3A_1278 = tpu.memref_slice %arg4[%add3A_1269] : memref<320000xi32, #tpu.memory_space<hbm>> -> memref<40xi32, #tpu.memory_space<hbm>>
      tpu.enqueue_dma source(%dma_start3A_1278 : memref<40xi32, #tpu.memory_space<hbm>>) target(%dma_start3A_1277 : memref<40xi32, #tpu.memory_space<vmem>>) target_semaphore(%arg16 : memref<!tpu.dma_semaphore, #tpu.memory_space<semaphore_mem>>)
      %dma_start3A_1279 = arith.constant 2 : i32
      %dma_start3A_1280 = arith.constant 40 : i32
      %dma_start3A_1281 = tpu.memref_slice %arg9[%dma_start3A_1279, %dma_start3A_1280] : memref<3x80xi32, #tpu.memory_space<vmem>> -> memref<1x40xi32, #tpu.memory_space<vmem>>
      %dma_start3A_1282 = tpu.memref_squeeze %dma_start3A_1281 : memref<1x40xi32, #tpu.memory_space<vmem>> -> memref<40xi32, #tpu.memory_space<vmem>>
      %dma_start3A_1283 = tpu.memref_slice %arg5[%add3A_1269] : memref<320000xi32, #tpu.memory_space<hbm>> -> memref<40xi32, #tpu.memory_space<hbm>>
      %dma_start3A_1284 = arith.constant 40 : i32
      %dma_start3A_1285 = tpu.memref_slice %arg9[%dma_start3A_1279, %dma_start3A_1284] : memref<3x80xi32, #tpu.memory_space<vmem>> -> memref<1x40xi32, #tpu.memory_space<vmem>>
      %dma_start3A_1286 = tpu.memref_squeeze %dma_start3A_1285 : memref<1x40xi32, #tpu.memory_space<vmem>> -> memref<40xi32, #tpu.memory_space<vmem>>
      %dma_start3A_1287 = tpu.memref_slice %arg5[%add3A_1269] : memref<320000xi32, #tpu.memory_space<hbm>> -> memref<40xi32, #tpu.memory_space<hbm>>
      tpu.enqueue_dma source(%dma_start3A_1287 : memref<40xi32, #tpu.memory_space<hbm>>) target(%dma_start3A_1286 : memref<40xi32, #tpu.memory_space<vmem>>) target_semaphore(%arg16 : memref<!tpu.dma_semaphore, #tpu.memory_space<semaphore_mem>>)
      %add3A_1288 = arith.constant 1 : i32
      %add3A_1289 = arith.addi %add3A_1257, %add3A_1288 : i32
      %mul3A_1290 = arith.constant 10000 : i32
      %mul3A_1291 = arith.muli %add3A, %mul3A_1290 : i32
      %mul3A_1292 = arith.constant 40 : i32
      %mul3A_1293 = arith.muli %add3A_1289, %mul3A_1292 : i32
      %add3A_1294 = arith.addi %mul3A_1291, %mul3A_1293 : i32
      %dma_wait3A_1295 = arith.constant 1 : i32
      %dma_wait3A_1296 = arith.constant 0 : i32
      %dma_wait3A_1297 = tpu.memref_slice %arg9[%dma_wait3A_1295, %dma_wait3A_1296] : memref<3x80xi32, #tpu.memory_space<vmem>> -> memref<1x40xi32, #tpu.memory_space<vmem>>
      %dma_wait3A_1298 = tpu.memref_squeeze %dma_wait3A_1297 : memref<1x40xi32, #tpu.memory_space<vmem>> -> memref<40xi32, #tpu.memory_space<vmem>>
      %dma_wait3A_1299 = tpu.memref_slice %arg4[%add3A_1294] : memref<320000xi32, #tpu.memory_space<hbm>> -> memref<40xi32, #tpu.memory_space<hbm>>
      %dma_wait3A_1300 = arith.constant 0 : i32
      %dma_wait3A_1301 = tpu.memref_slice %arg9[%dma_wait3A_1295, %dma_wait3A_1300] : memref<3x80xi32, #tpu.memory_space<vmem>> -> memref<1x40xi32, #tpu.memory_space<vmem>>
      %dma_wait3A_1302 = tpu.memref_squeeze %dma_wait3A_1301 : memref<1x40xi32, #tpu.memory_space<vmem>> -> memref<40xi32, #tpu.memory_space<vmem>>
      %dma_wait3A_1303 = tpu.memref_slice %arg4[%add3A_1294] : memref<320000xi32, #tpu.memory_space<hbm>> -> memref<40xi32, #tpu.memory_space<hbm>>
      tpu.wait_dma2 semaphore(%arg15 : memref<!tpu.dma_semaphore, #tpu.memory_space<semaphore_mem>>) src(%dma_wait3A_1303 : memref<40xi32, #tpu.memory_space<hbm>>) dst(%dma_wait3A_1302 : memref<40xi32, #tpu.memory_space<vmem>>)
      %dma_wait3A_1304 = arith.constant 1 : i32
      %dma_wait3A_1305 = arith.constant 40 : i32
      %dma_wait3A_1306 = tpu.memref_slice %arg9[%dma_wait3A_1304, %dma_wait3A_1305] : memref<3x80xi32, #tpu.memory_space<vmem>> -> memref<1x40xi32, #tpu.memory_space<vmem>>
      %dma_wait3A_1307 = tpu.memref_squeeze %dma_wait3A_1306 : memref<1x40xi32, #tpu.memory_space<vmem>> -> memref<40xi32, #tpu.memory_space<vmem>>
      %dma_wait3A_1308 = tpu.memref_slice %arg5[%add3A_1294] : memref<320000xi32, #tpu.memory_space<hbm>> -> memref<40xi32, #tpu.memory_space<hbm>>
      %dma_wait3A_1309 = arith.constant 40 : i32
      %dma_wait3A_1310 = tpu.memref_slice %arg9[%dma_wait3A_1304, %dma_wait3A_1309] : memref<3x80xi32, #tpu.memory_space<vmem>> -> memref<1x40xi32, #tpu.memory_space<vmem>>
      %dma_wait3A_1311 = tpu.memref_squeeze %dma_wait3A_1310 : memref<1x40xi32, #tpu.memory_space<vmem>> -> memref<40xi32, #tpu.memory_space<vmem>>
      %dma_wait3A_1312 = tpu.memref_slice %arg5[%add3A_1294] : memref<320000xi32, #tpu.memory_space<hbm>> -> memref<40xi32, #tpu.memory_space<hbm>>
      tpu.wait_dma2 semaphore(%arg15 : memref<!tpu.dma_semaphore, #tpu.memory_space<semaphore_mem>>) src(%dma_wait3A_1312 : memref<40xi32, #tpu.memory_space<hbm>>) dst(%dma_wait3A_1311 : memref<40xi32, #tpu.memory_space<vmem>>)
      %add3A_1313 = arith.constant 1 : i32
      %add3A_1314 = arith.addi %add3A_1257, %add3A_1313 : i32
      %mul3A_1315 = arith.constant 10000 : i32
      %mul3A_1316 = arith.muli %add3A, %mul3A_1315 : i32
      %mul3A_1317 = arith.constant 40 : i32
      %mul3A_1318 = arith.muli %add3A_1314, %mul3A_1317 : i32
      %add3A_1319 = arith.addi %mul3A_1316, %mul3A_1318 : i32
      %dma_start3A_1320 = arith.constant 0 : i32
      %dma_start3A_1321 = arith.constant 0 : i32
      %dma_start3A_1322 = arith.constant 0 : i32
      %dma_start3A_1323 = tpu.memref_slice %arg11[%dma_start3A_1320, %dma_start3A_1321, %dma_start3A_1322] : memref<2x40x128xf32, #tpu.memory_space<vmem>> -> memref<1x40x128xf32, #tpu.memory_space<vmem>>
      %dma_start3A_1324 = tpu.memref_squeeze %dma_start3A_1323 : memref<1x40x128xf32, #tpu.memory_space<vmem>> -> memref<40x128xf32, #tpu.memory_space<vmem>>
      %dma_start3A_1325 = arith.constant 0 : i32
      %dma_start3A_1326 = tpu.memref_slice %arg3[%add3A_1319, %dma_start3A_1325] : memref<320000x128xf32, #tpu.memory_space<hbm>> -> memref<40x128xf32, #tpu.memory_space<hbm>>
      %dma_start3A_1327 = arith.constant 0 : i32
      %dma_start3A_1328 = arith.constant 0 : i32
      %dma_start3A_1329 = tpu.memref_slice %arg11[%dma_start3A_1320, %dma_start3A_1327, %dma_start3A_1328] : memref<2x40x128xf32, #tpu.memory_space<vmem>> -> memref<1x40x128xf32, #tpu.memory_space<vmem>>
      %dma_start3A_1330 = tpu.memref_squeeze %dma_start3A_1329 : memref<1x40x128xf32, #tpu.memory_space<vmem>> -> memref<40x128xf32, #tpu.memory_space<vmem>>
      %dma_start3A_1331 = arith.constant 0 : i32
      %dma_start3A_1332 = tpu.memref_slice %arg3[%add3A_1319, %dma_start3A_1331] : memref<320000x128xf32, #tpu.memory_space<hbm>> -> memref<40x128xf32, #tpu.memory_space<hbm>>
      tpu.enqueue_dma source(%dma_start3A_1332 : memref<40x128xf32, #tpu.memory_space<hbm>>) target(%dma_start3A_1330 : memref<40x128xf32, #tpu.memory_space<vmem>>) target_semaphore(%arg20 : memref<!tpu.dma_semaphore, #tpu.memory_space<semaphore_mem>>)
      %dma_start3A_1333 = arith.constant 1 : i32
      %dma_start3A_1334 = arith.constant 0 : i32
      %dma_start3A_1335 = arith.constant 0 : i32
      %dma_start3A_1336 = arith.constant 0 : i32
      %dma_start3A_1337 = tpu.memref_slice %arg12[%dma_start3A_1334, %dma_start3A_1335, %dma_start3A_1336] : memref<2x80x64xi32, #tpu.memory_space<vmem>> -> memref<1x80x64xi32, #tpu.memory_space<vmem>>
      %dma_start3A_1338 = tpu.memref_squeeze %dma_start3A_1337 : memref<1x80x64xi32, #tpu.memory_space<vmem>> -> memref<80x64xi32, #tpu.memory_space<vmem>>
      %dma_start3A_1339 = arith.constant 0 : i32
      %dma_start3A_1340 = tpu.memref_slice %arg9[%dma_start3A_1333, %dma_start3A_1339] : memref<3x80xi32, #tpu.memory_space<vmem>> -> memref<1x80xi32, #tpu.memory_space<vmem>>
      %dma_start3A_1341 = tpu.memref_squeeze %dma_start3A_1340 : memref<1x80xi32, #tpu.memory_space<vmem>> -> memref<80xi32, #tpu.memory_space<vmem>>
      %dma_start3A_1342 = arith.constant 0 : i32
      %dma_start3A_1343 = arith.constant 0 : i32
      %dma_start3A_1344 = tpu.memref_slice %arg2[%dma_start3A_1342, %dma_start3A_1343] : memref<10000x64xi32, #tpu.memory_space<hbm>> -> memref<10000x64xi32, #tpu.memory_space<hbm>>
      tpu.enqueue_indirect_dma source(%dma_start3A_1344 : memref<10000x64xi32, #tpu.memory_space<hbm>>) target(%dma_start3A_1338 : memref<80x64xi32, #tpu.memory_space<vmem>>) offsets(%dma_start3A_1341 : memref<80xi32, #tpu.memory_space<vmem>>) semaphore(%arg20 : memref<!tpu.dma_semaphore, #tpu.memory_space<semaphore_mem>>)
      %mul3A_1345 = arith.constant 10000 : i32
      %mul3A_1346 = arith.muli %add3A, %mul3A_1345 : i32
      %mul3A_1347 = arith.constant 40 : i32
      %mul3A_1348 = arith.muli %add3A_1257, %mul3A_1347 : i32
      %add3A_1349 = arith.addi %mul3A_1346, %mul3A_1348 : i32
      %dma_wait3A_1350 = arith.constant 1 : i32
      %dma_wait3A_1351 = arith.constant 0 : i32
      %dma_wait3A_1352 = arith.constant 0 : i32
      %dma_wait3A_1353 = tpu.memref_slice %arg11[%dma_wait3A_1350, %dma_wait3A_1351, %dma_wait3A_1352] : memref<2x40x128xf32, #tpu.memory_space<vmem>> -> memref<1x40x128xf32, #tpu.memory_space<vmem>>
      %dma_wait3A_1354 = tpu.memref_squeeze %dma_wait3A_1353 : memref<1x40x128xf32, #tpu.memory_space<vmem>> -> memref<40x128xf32, #tpu.memory_space<vmem>>
      %dma_wait3A_1355 = arith.constant 0 : i32
      %dma_wait3A_1356 = tpu.memref_slice %arg3[%add3A_1349, %dma_wait3A_1355] : memref<320000x128xf32, #tpu.memory_space<hbm>> -> memref<40x128xf32, #tpu.memory_space<hbm>>
      %dma_wait3A_1357 = arith.constant 0 : i32
      %dma_wait3A_1358 = arith.constant 0 : i32
      %dma_wait3A_1359 = tpu.memref_slice %arg11[%dma_wait3A_1350, %dma_wait3A_1357, %dma_wait3A_1358] : memref<2x40x128xf32, #tpu.memory_space<vmem>> -> memref<1x40x128xf32, #tpu.memory_space<vmem>>
      %dma_wait3A_1360 = tpu.memref_squeeze %dma_wait3A_1359 : memref<1x40x128xf32, #tpu.memory_space<vmem>> -> memref<40x128xf32, #tpu.memory_space<vmem>>
      %dma_wait3A_1361 = arith.constant 0 : i32
      %dma_wait3A_1362 = tpu.memref_slice %arg3[%add3A_1349, %dma_wait3A_1361] : memref<320000x128xf32, #tpu.memory_space<hbm>> -> memref<40x128xf32, #tpu.memory_space<hbm>>
      tpu.wait_dma2 semaphore(%arg21 : memref<!tpu.dma_semaphore, #tpu.memory_space<semaphore_mem>>) src(%dma_wait3A_1362 : memref<40x128xf32, #tpu.memory_space<hbm>>) dst(%dma_wait3A_1360 : memref<40x128xf32, #tpu.memory_space<vmem>>)
      %dma_wait3A_1363 = arith.constant 0 : i32
      %dma_wait3A_1364 = arith.constant 1 : i32
      %dma_wait3A_1365 = arith.constant 0 : i32
      %dma_wait3A_1366 = arith.constant 0 : i32
      %dma_wait3A_1367 = tpu.memref_slice %arg12[%dma_wait3A_1364, %dma_wait3A_1365, %dma_wait3A_1366] : memref<2x80x64xi32, #tpu.memory_space<vmem>> -> memref<1x80x64xi32, #tpu.memory_space<vmem>>
      %dma_wait3A_1368 = tpu.memref_squeeze %dma_wait3A_1367 : memref<1x80x64xi32, #tpu.memory_space<vmem>> -> memref<80x64xi32, #tpu.memory_space<vmem>>
      %dma_wait3A_1369 = arith.constant 0 : i32
      %dma_wait3A_1370 = tpu.memref_slice %arg9[%dma_wait3A_1363, %dma_wait3A_1369] : memref<3x80xi32, #tpu.memory_space<vmem>> -> memref<1x80xi32, #tpu.memory_space<vmem>>
      %dma_wait3A_1371 = tpu.memref_squeeze %dma_wait3A_1370 : memref<1x80xi32, #tpu.memory_space<vmem>> -> memref<80xi32, #tpu.memory_space<vmem>>
      %dma_wait3A_1372 = arith.constant 0 : i32
      %dma_wait3A_1373 = arith.constant 0 : i32
      %dma_wait3A_1374 = tpu.memref_slice %arg2[%dma_wait3A_1372, %dma_wait3A_1373] : memref<10000x64xi32, #tpu.memory_space<hbm>> -> memref<10000x64xi32, #tpu.memory_space<hbm>>
      tpu.wait_indirect_dma semaphore(%arg21 : memref<!tpu.dma_semaphore, #tpu.memory_space<semaphore_mem>>) src(%dma_wait3A_1374 : memref<10000x64xi32, #tpu.memory_space<hbm>>) dst(%dma_wait3A_1368 : memref<80x64xi32, #tpu.memory_space<vmem>>)
      %mul3A_1375 = arith.constant 10000 : i32
      %mul3A_1376 = arith.muli %add3A, %mul3A_1375 : i32
      %mul3A_1377 = arith.constant 40 : i32
      %mul3A_1378 = arith.muli %add3A_1257, %mul3A_1377 : i32
      %add3A_1379 = arith.addi %mul3A_1376, %mul3A_1378 : i32
      %dma_wait3A_1380 = arith.constant 0 : i32
      %dma_wait3A_1381 = arith.constant 0 : i32
      %dma_wait3A_1382 = tpu.memref_slice %arg10[%dma_wait3A_1380, %dma_wait3A_1381] : memref<3x80xi32, #tpu.memory_space<vmem>> -> memref<1x40xi32, #tpu.memory_space<vmem>>
      %dma_wait3A_1383 = tpu.memref_squeeze %dma_wait3A_1382 : memref<1x40xi32, #tpu.memory_space<vmem>> -> memref<40xi32, #tpu.memory_space<vmem>>
      %dma_wait3A_1384 = tpu.memref_slice %arg5[%add3A_1379] : memref<320000xi32, #tpu.memory_space<hbm>> -> memref<40xi32, #tpu.memory_space<hbm>>
      %dma_wait3A_1385 = arith.constant 0 : i32
      %dma_wait3A_1386 = tpu.memref_slice %arg10[%dma_wait3A_1380, %dma_wait3A_1385] : memref<3x80xi32, #tpu.memory_space<vmem>> -> memref<1x40xi32, #tpu.memory_space<vmem>>
      %dma_wait3A_1387 = tpu.memref_squeeze %dma_wait3A_1386 : memref<1x40xi32, #tpu.memory_space<vmem>> -> memref<40xi32, #tpu.memory_space<vmem>>
      %dma_wait3A_1388 = tpu.memref_slice %arg5[%add3A_1379] : memref<320000xi32, #tpu.memory_space<hbm>> -> memref<40xi32, #tpu.memory_space<hbm>>
      tpu.wait_dma2 semaphore(%arg17 : memref<!tpu.dma_semaphore, #tpu.memory_space<semaphore_mem>>) src(%dma_wait3A_1388 : memref<40xi32, #tpu.memory_space<hbm>>) dst(%dma_wait3A_1387 : memref<40xi32, #tpu.memory_space<vmem>>)
      %dma_wait3A_1389 = arith.constant 0 : i32
      %dma_wait3A_1390 = arith.constant 40 : i32
      %dma_wait3A_1391 = tpu.memref_slice %arg10[%dma_wait3A_1389, %dma_wait3A_1390] : memref<3x80xi32, #tpu.memory_space<vmem>> -> memref<1x40xi32, #tpu.memory_space<vmem>>
      %dma_wait3A_1392 = tpu.memref_squeeze %dma_wait3A_1391 : memref<1x40xi32, #tpu.memory_space<vmem>> -> memref<40xi32, #tpu.memory_space<vmem>>
      %dma_wait3A_1393 = tpu.memref_slice %arg4[%add3A_1379] : memref<320000xi32, #tpu.memory_space<hbm>> -> memref<40xi32, #tpu.memory_space<hbm>>
      %dma_wait3A_1394 = arith.constant 40 : i32
      %dma_wait3A_1395 = tpu.memref_slice %arg10[%dma_wait3A_1389, %dma_wait3A_1394] : memref<3x80xi32, #tpu.memory_space<vmem>> -> memref<1x40xi32, #tpu.memory_space<vmem>>
      %dma_wait3A_1396 = tpu.memref_squeeze %dma_wait3A_1395 : memref<1x40xi32, #tpu.memory_space<vmem>> -> memref<40xi32, #tpu.memory_space<vmem>>
      %dma_wait3A_1397 = tpu.memref_slice %arg4[%add3A_1379] : memref<320000xi32, #tpu.memory_space<hbm>> -> memref<40xi32, #tpu.memory_space<hbm>>
      tpu.wait_dma2 semaphore(%arg17 : memref<!tpu.dma_semaphore, #tpu.memory_space<semaphore_mem>>) src(%dma_wait3A_1397 : memref<40xi32, #tpu.memory_space<hbm>>) dst(%dma_wait3A_1396 : memref<40xi32, #tpu.memory_space<vmem>>)
      %dma_start3A_1398 = arith.constant 1 : i32
      %dma_start3A_1399 = arith.constant 0 : i32
      %dma_start3A_1400 = arith.constant 0 : i32
      %dma_start3A_1401 = arith.constant 0 : i32
      %dma_start3A_1402 = tpu.memref_slice %arg13[%dma_start3A_1398, %dma_start3A_1400, %dma_start3A_1401] : memref<2x80x128xf32, #tpu.memory_space<vmem>> -> memref<1x80x128xf32, #tpu.memory_space<vmem>>
      %dma_start3A_1403 = tpu.memref_squeeze %dma_start3A_1402 : memref<1x80x128xf32, #tpu.memory_space<vmem>> -> memref<80x128xf32, #tpu.memory_space<vmem>>
      %dma_start3A_1404 = arith.constant 0 : i32
      %dma_start3A_1405 = tpu.memref_slice %arg10[%dma_start3A_1399, %dma_start3A_1404] : memref<3x80xi32, #tpu.memory_space<vmem>> -> memref<1x80xi32, #tpu.memory_space<vmem>>
      %dma_start3A_1406 = tpu.memref_squeeze %dma_start3A_1405 : memref<1x80xi32, #tpu.memory_space<vmem>> -> memref<80xi32, #tpu.memory_space<vmem>>
      %dma_start3A_1407 = arith.constant 0 : i32
      %dma_start3A_1408 = arith.constant 0 : i32
      %dma_start3A_1409 = tpu.memref_slice %arg8[%dma_start3A_1407, %dma_start3A_1408] : memref<10000x128xf32, #tpu.memory_space<vmem_shared>> -> memref<10000x128xf32, #tpu.memory_space<vmem_shared>>
      tpu.enqueue_indirect_dma source(%dma_start3A_1403 : memref<80x128xf32, #tpu.memory_space<vmem>>) target(%dma_start3A_1409 : memref<10000x128xf32, #tpu.memory_space<vmem_shared>>) offsets(%dma_start3A_1406 : memref<80xi32, #tpu.memory_space<vmem>>) semaphore(%arg23 : memref<!tpu.dma_semaphore, #tpu.memory_space<semaphore_mem>>) {add = true}
      %add3A_1410 = arith.constant 1 : i32
      %add3A_1411 = arith.addi %add3A_1257, %add3A_1410 : i32
      %mul3A_1412 = arith.constant 10000 : i32
      %mul3A_1413 = arith.muli %add3A, %mul3A_1412 : i32
      %mul3A_1414 = arith.constant 40 : i32
      %mul3A_1415 = arith.muli %add3A_1411, %mul3A_1414 : i32
      %add3A_1416 = arith.addi %mul3A_1413, %mul3A_1415 : i32
      %dma_start3A_1417 = arith.constant 1 : i32
      %dma_start3A_1418 = arith.constant 0 : i32
      %dma_start3A_1419 = tpu.memref_slice %arg10[%dma_start3A_1417, %dma_start3A_1418] : memref<3x80xi32, #tpu.memory_space<vmem>> -> memref<1x40xi32, #tpu.memory_space<vmem>>
      %dma_start3A_1420 = tpu.memref_squeeze %dma_start3A_1419 : memref<1x40xi32, #tpu.memory_space<vmem>> -> memref<40xi32, #tpu.memory_space<vmem>>
      %dma_start3A_1421 = tpu.memref_slice %arg5[%add3A_1416] : memref<320000xi32, #tpu.memory_space<hbm>> -> memref<40xi32, #tpu.memory_space<hbm>>
      %dma_start3A_1422 = arith.constant 0 : i32
      %dma_start3A_1423 = tpu.memref_slice %arg10[%dma_start3A_1417, %dma_start3A_1422] : memref<3x80xi32, #tpu.memory_space<vmem>> -> memref<1x40xi32, #tpu.memory_space<vmem>>
      %dma_start3A_1424 = tpu.memref_squeeze %dma_start3A_1423 : memref<1x40xi32, #tpu.memory_space<vmem>> -> memref<40xi32, #tpu.memory_space<vmem>>
      %dma_start3A_1425 = tpu.memref_slice %arg5[%add3A_1416] : memref<320000xi32, #tpu.memory_space<hbm>> -> memref<40xi32, #tpu.memory_space<hbm>>
      tpu.enqueue_dma source(%dma_start3A_1425 : memref<40xi32, #tpu.memory_space<hbm>>) target(%dma_start3A_1424 : memref<40xi32, #tpu.memory_space<vmem>>) target_semaphore(%arg18 : memref<!tpu.dma_semaphore, #tpu.memory_space<semaphore_mem>>)
      %dma_start3A_1426 = arith.constant 1 : i32
      %dma_start3A_1427 = arith.constant 40 : i32
      %dma_start3A_1428 = tpu.memref_slice %arg10[%dma_start3A_1426, %dma_start3A_1427] : memref<3x80xi32, #tpu.memory_space<vmem>> -> memref<1x40xi32, #tpu.memory_space<vmem>>
      %dma_start3A_1429 = tpu.memref_squeeze %dma_start3A_1428 : memref<1x40xi32, #tpu.memory_space<vmem>> -> memref<40xi32, #tpu.memory_space<vmem>>
      %dma_start3A_1430 = tpu.memref_slice %arg4[%add3A_1416] : memref<320000xi32, #tpu.memory_space<hbm>> -> memref<40xi32, #tpu.memory_space<hbm>>
      %dma_start3A_1431 = arith.constant 40 : i32
      %dma_start3A_1432 = tpu.memref_slice %arg10[%dma_start3A_1426, %dma_start3A_1431] : memref<3x80xi32, #tpu.memory_space<vmem>> -> memref<1x40xi32, #tpu.memory_space<vmem>>
      %dma_start3A_1433 = tpu.memref_squeeze %dma_start3A_1432 : memref<1x40xi32, #tpu.memory_space<vmem>> -> memref<40xi32, #tpu.memory_space<vmem>>
      %dma_start3A_1434 = tpu.memref_slice %arg4[%add3A_1416] : memref<320000xi32, #tpu.memory_space<hbm>> -> memref<40xi32, #tpu.memory_space<hbm>>
      tpu.enqueue_dma source(%dma_start3A_1434 : memref<40xi32, #tpu.memory_space<hbm>>) target(%dma_start3A_1433 : memref<40xi32, #tpu.memory_space<vmem>>) target_semaphore(%arg18 : memref<!tpu.dma_semaphore, #tpu.memory_space<semaphore_mem>>)
      %add3A_1435 = arith.constant 4 : i32
      %add3A_1436 = arith.addi %add3A_719, %add3A_1435 : i32
      %ge3A_1437 = arith.constant 2 : i32
      %ge3A_1438 = arith.cmpi sge, %add3A_1436, %ge3A_1437 : i32
      %convert_element_type3A_1439 = arith.extui %ge3A_1438 : i1 to i32
      %cond3A_1440 = arith.constant 0 : i32
      %cond3A_1441 = arith.cmpi ne, %convert_element_type3A_1439, %cond3A_1440 : i32
      scf.if %cond3A_1441 {
        %dma_wait3A_1793 = arith.constant 0 : i32
        %dma_wait3A_1794 = arith.constant 1 : i32
        %dma_wait3A_1795 = arith.constant 0 : i32
        %dma_wait3A_1796 = arith.constant 0 : i32
        %dma_wait3A_1797 = tpu.memref_slice %arg13[%dma_wait3A_1793, %dma_wait3A_1795, %dma_wait3A_1796] : memref<2x80x128xf32, #tpu.memory_space<vmem>> -> memref<1x80x128xf32, #tpu.memory_space<vmem>>
        %dma_wait3A_1798 = tpu.memref_squeeze %dma_wait3A_1797 : memref<1x80x128xf32, #tpu.memory_space<vmem>> -> memref<80x128xf32, #tpu.memory_space<vmem>>
        %dma_wait3A_1799 = arith.constant 0 : i32
        %dma_wait3A_1800 = tpu.memref_slice %arg10[%dma_wait3A_1794, %dma_wait3A_1799] : memref<3x80xi32, #tpu.memory_space<vmem>> -> memref<1x80xi32, #tpu.memory_space<vmem>>
        %dma_wait3A_1801 = tpu.memref_squeeze %dma_wait3A_1800 : memref<1x80xi32, #tpu.memory_space<vmem>> -> memref<80xi32, #tpu.memory_space<vmem>>
        %dma_wait3A_1802 = arith.constant 0 : i32
        %dma_wait3A_1803 = arith.constant 0 : i32
        %dma_wait3A_1804 = tpu.memref_slice %arg8[%dma_wait3A_1802, %dma_wait3A_1803] : memref<10000x128xf32, #tpu.memory_space<vmem_shared>> -> memref<10000x128xf32, #tpu.memory_space<vmem_shared>>
        tpu.wait_indirect_dma semaphore(%arg22 : memref<!tpu.dma_semaphore, #tpu.memory_space<semaphore_mem>>) src(%dma_wait3A_1798 : memref<80x128xf32, #tpu.memory_space<vmem>>) dst(%dma_wait3A_1804 : memref<10000x128xf32, #tpu.memory_space<vmem_shared>>)
      } else {
      }
      %add3A_1442 = arith.constant 2 : i32
      %add3A_1443 = arith.addi %add3A_1436, %add3A_1442 : i32
      %mul3A_1444 = arith.constant 10000 : i32
      %mul3A_1445 = arith.muli %add3A, %mul3A_1444 : i32
      %mul3A_1446 = arith.constant 40 : i32
      %mul3A_1447 = arith.muli %add3A_1443, %mul3A_1446 : i32
      %add3A_1448 = arith.addi %mul3A_1445, %mul3A_1447 : i32
      %dma_start3A_1449 = arith.constant 0 : i32
      %dma_start3A_1450 = arith.constant 0 : i32
      %dma_start3A_1451 = tpu.memref_slice %arg9[%dma_start3A_1449, %dma_start3A_1450] : memref<3x80xi32, #tpu.memory_space<vmem>> -> memref<1x40xi32, #tpu.memory_space<vmem>>
      %dma_start3A_1452 = tpu.memref_squeeze %dma_start3A_1451 : memref<1x40xi32, #tpu.memory_space<vmem>> -> memref<40xi32, #tpu.memory_space<vmem>>
      %dma_start3A_1453 = tpu.memref_slice %arg4[%add3A_1448] : memref<320000xi32, #tpu.memory_space<hbm>> -> memref<40xi32, #tpu.memory_space<hbm>>
      %dma_start3A_1454 = arith.constant 0 : i32
      %dma_start3A_1455 = tpu.memref_slice %arg9[%dma_start3A_1449, %dma_start3A_1454] : memref<3x80xi32, #tpu.memory_space<vmem>> -> memref<1x40xi32, #tpu.memory_space<vmem>>
      %dma_start3A_1456 = tpu.memref_squeeze %dma_start3A_1455 : memref<1x40xi32, #tpu.memory_space<vmem>> -> memref<40xi32, #tpu.memory_space<vmem>>
      %dma_start3A_1457 = tpu.memref_slice %arg4[%add3A_1448] : memref<320000xi32, #tpu.memory_space<hbm>> -> memref<40xi32, #tpu.memory_space<hbm>>
      tpu.enqueue_dma source(%dma_start3A_1457 : memref<40xi32, #tpu.memory_space<hbm>>) target(%dma_start3A_1456 : memref<40xi32, #tpu.memory_space<vmem>>) target_semaphore(%arg14 : memref<!tpu.dma_semaphore, #tpu.memory_space<semaphore_mem>>)
      %dma_start3A_1458 = arith.constant 0 : i32
      %dma_start3A_1459 = arith.constant 40 : i32
      %dma_start3A_1460 = tpu.memref_slice %arg9[%dma_start3A_1458, %dma_start3A_1459] : memref<3x80xi32, #tpu.memory_space<vmem>> -> memref<1x40xi32, #tpu.memory_space<vmem>>
      %dma_start3A_1461 = tpu.memref_squeeze %dma_start3A_1460 : memref<1x40xi32, #tpu.memory_space<vmem>> -> memref<40xi32, #tpu.memory_space<vmem>>
      %dma_start3A_1462 = tpu.memref_slice %arg5[%add3A_1448] : memref<320000xi32, #tpu.memory_space<hbm>> -> memref<40xi32, #tpu.memory_space<hbm>>
      %dma_start3A_1463 = arith.constant 40 : i32
      %dma_start3A_1464 = tpu.memref_slice %arg9[%dma_start3A_1458, %dma_start3A_1463] : memref<3x80xi32, #tpu.memory_space<vmem>> -> memref<1x40xi32, #tpu.memory_space<vmem>>
      %dma_start3A_1465 = tpu.memref_squeeze %dma_start3A_1464 : memref<1x40xi32, #tpu.memory_space<vmem>> -> memref<40xi32, #tpu.memory_space<vmem>>
      %dma_start3A_1466 = tpu.memref_slice %arg5[%add3A_1448] : memref<320000xi32, #tpu.memory_space<hbm>> -> memref<40xi32, #tpu.memory_space<hbm>>
      tpu.enqueue_dma source(%dma_start3A_1466 : memref<40xi32, #tpu.memory_space<hbm>>) target(%dma_start3A_1465 : memref<40xi32, #tpu.memory_space<vmem>>) target_semaphore(%arg14 : memref<!tpu.dma_semaphore, #tpu.memory_space<semaphore_mem>>)
      %add3A_1467 = arith.constant 1 : i32
      %add3A_1468 = arith.addi %add3A_1436, %add3A_1467 : i32
      %mul3A_1469 = arith.constant 10000 : i32
      %mul3A_1470 = arith.muli %add3A, %mul3A_1469 : i32
      %mul3A_1471 = arith.constant 40 : i32
      %mul3A_1472 = arith.muli %add3A_1468, %mul3A_1471 : i32
      %add3A_1473 = arith.addi %mul3A_1470, %mul3A_1472 : i32
      %dma_wait3A_1474 = arith.constant 2 : i32
      %dma_wait3A_1475 = arith.constant 0 : i32
      %dma_wait3A_1476 = tpu.memref_slice %arg9[%dma_wait3A_1474, %dma_wait3A_1475] : memref<3x80xi32, #tpu.memory_space<vmem>> -> memref<1x40xi32, #tpu.memory_space<vmem>>
      %dma_wait3A_1477 = tpu.memref_squeeze %dma_wait3A_1476 : memref<1x40xi32, #tpu.memory_space<vmem>> -> memref<40xi32, #tpu.memory_space<vmem>>
      %dma_wait3A_1478 = tpu.memref_slice %arg4[%add3A_1473] : memref<320000xi32, #tpu.memory_space<hbm>> -> memref<40xi32, #tpu.memory_space<hbm>>
      %dma_wait3A_1479 = arith.constant 0 : i32
      %dma_wait3A_1480 = tpu.memref_slice %arg9[%dma_wait3A_1474, %dma_wait3A_1479] : memref<3x80xi32, #tpu.memory_space<vmem>> -> memref<1x40xi32, #tpu.memory_space<vmem>>
      %dma_wait3A_1481 = tpu.memref_squeeze %dma_wait3A_1480 : memref<1x40xi32, #tpu.memory_space<vmem>> -> memref<40xi32, #tpu.memory_space<vmem>>
      %dma_wait3A_1482 = tpu.memref_slice %arg4[%add3A_1473] : memref<320000xi32, #tpu.memory_space<hbm>> -> memref<40xi32, #tpu.memory_space<hbm>>
      tpu.wait_dma2 semaphore(%arg16 : memref<!tpu.dma_semaphore, #tpu.memory_space<semaphore_mem>>) src(%dma_wait3A_1482 : memref<40xi32, #tpu.memory_space<hbm>>) dst(%dma_wait3A_1481 : memref<40xi32, #tpu.memory_space<vmem>>)
      %dma_wait3A_1483 = arith.constant 2 : i32
      %dma_wait3A_1484 = arith.constant 40 : i32
      %dma_wait3A_1485 = tpu.memref_slice %arg9[%dma_wait3A_1483, %dma_wait3A_1484] : memref<3x80xi32, #tpu.memory_space<vmem>> -> memref<1x40xi32, #tpu.memory_space<vmem>>
      %dma_wait3A_1486 = tpu.memref_squeeze %dma_wait3A_1485 : memref<1x40xi32, #tpu.memory_space<vmem>> -> memref<40xi32, #tpu.memory_space<vmem>>
      %dma_wait3A_1487 = tpu.memref_slice %arg5[%add3A_1473] : memref<320000xi32, #tpu.memory_space<hbm>> -> memref<40xi32, #tpu.memory_space<hbm>>
      %dma_wait3A_1488 = arith.constant 40 : i32
      %dma_wait3A_1489 = tpu.memref_slice %arg9[%dma_wait3A_1483, %dma_wait3A_1488] : memref<3x80xi32, #tpu.memory_space<vmem>> -> memref<1x40xi32, #tpu.memory_space<vmem>>
      %dma_wait3A_1490 = tpu.memref_squeeze %dma_wait3A_1489 : memref<1x40xi32, #tpu.memory_space<vmem>> -> memref<40xi32, #tpu.memory_space<vmem>>
      %dma_wait3A_1491 = tpu.memref_slice %arg5[%add3A_1473] : memref<320000xi32, #tpu.memory_space<hbm>> -> memref<40xi32, #tpu.memory_space<hbm>>
      tpu.wait_dma2 semaphore(%arg16 : memref<!tpu.dma_semaphore, #tpu.memory_space<semaphore_mem>>) src(%dma_wait3A_1491 : memref<40xi32, #tpu.memory_space<hbm>>) dst(%dma_wait3A_1490 : memref<40xi32, #tpu.memory_space<vmem>>)
      %add3A_1492 = arith.constant 1 : i32
      %add3A_1493 = arith.addi %add3A_1436, %add3A_1492 : i32
      %mul3A_1494 = arith.constant 10000 : i32
      %mul3A_1495 = arith.muli %add3A, %mul3A_1494 : i32
      %mul3A_1496 = arith.constant 40 : i32
      %mul3A_1497 = arith.muli %add3A_1493, %mul3A_1496 : i32
      %add3A_1498 = arith.addi %mul3A_1495, %mul3A_1497 : i32
      %dma_start3A_1499 = arith.constant 1 : i32
      %dma_start3A_1500 = arith.constant 0 : i32
      %dma_start3A_1501 = arith.constant 0 : i32
      %dma_start3A_1502 = tpu.memref_slice %arg11[%dma_start3A_1499, %dma_start3A_1500, %dma_start3A_1501] : memref<2x40x128xf32, #tpu.memory_space<vmem>> -> memref<1x40x128xf32, #tpu.memory_space<vmem>>
      %dma_start3A_1503 = tpu.memref_squeeze %dma_start3A_1502 : memref<1x40x128xf32, #tpu.memory_space<vmem>> -> memref<40x128xf32, #tpu.memory_space<vmem>>
      %dma_start3A_1504 = arith.constant 0 : i32
      %dma_start3A_1505 = tpu.memref_slice %arg3[%add3A_1498, %dma_start3A_1504] : memref<320000x128xf32, #tpu.memory_space<hbm>> -> memref<40x128xf32, #tpu.memory_space<hbm>>
      %dma_start3A_1506 = arith.constant 0 : i32
      %dma_start3A_1507 = arith.constant 0 : i32
      %dma_start3A_1508 = tpu.memref_slice %arg11[%dma_start3A_1499, %dma_start3A_1506, %dma_start3A_1507] : memref<2x40x128xf32, #tpu.memory_space<vmem>> -> memref<1x40x128xf32, #tpu.memory_space<vmem>>
      %dma_start3A_1509 = tpu.memref_squeeze %dma_start3A_1508 : memref<1x40x128xf32, #tpu.memory_space<vmem>> -> memref<40x128xf32, #tpu.memory_space<vmem>>
      %dma_start3A_1510 = arith.constant 0 : i32
      %dma_start3A_1511 = tpu.memref_slice %arg3[%add3A_1498, %dma_start3A_1510] : memref<320000x128xf32, #tpu.memory_space<hbm>> -> memref<40x128xf32, #tpu.memory_space<hbm>>
      tpu.enqueue_dma source(%dma_start3A_1511 : memref<40x128xf32, #tpu.memory_space<hbm>>) target(%dma_start3A_1509 : memref<40x128xf32, #tpu.memory_space<vmem>>) target_semaphore(%arg21 : memref<!tpu.dma_semaphore, #tpu.memory_space<semaphore_mem>>)
      %dma_start3A_1512 = arith.constant 2 : i32
      %dma_start3A_1513 = arith.constant 1 : i32
      %dma_start3A_1514 = arith.constant 0 : i32
      %dma_start3A_1515 = arith.constant 0 : i32
      %dma_start3A_1516 = tpu.memref_slice %arg12[%dma_start3A_1513, %dma_start3A_1514, %dma_start3A_1515] : memref<2x80x64xi32, #tpu.memory_space<vmem>> -> memref<1x80x64xi32, #tpu.memory_space<vmem>>
      %dma_start3A_1517 = tpu.memref_squeeze %dma_start3A_1516 : memref<1x80x64xi32, #tpu.memory_space<vmem>> -> memref<80x64xi32, #tpu.memory_space<vmem>>
      %dma_start3A_1518 = arith.constant 0 : i32
      %dma_start3A_1519 = tpu.memref_slice %arg9[%dma_start3A_1512, %dma_start3A_1518] : memref<3x80xi32, #tpu.memory_space<vmem>> -> memref<1x80xi32, #tpu.memory_space<vmem>>
      %dma_start3A_1520 = tpu.memref_squeeze %dma_start3A_1519 : memref<1x80xi32, #tpu.memory_space<vmem>> -> memref<80xi32, #tpu.memory_space<vmem>>
      %dma_start3A_1521 = arith.constant 0 : i32
      %dma_start3A_1522 = arith.constant 0 : i32
      %dma_start3A_1523 = tpu.memref_slice %arg2[%dma_start3A_1521, %dma_start3A_1522] : memref<10000x64xi32, #tpu.memory_space<hbm>> -> memref<10000x64xi32, #tpu.memory_space<hbm>>
      tpu.enqueue_indirect_dma source(%dma_start3A_1523 : memref<10000x64xi32, #tpu.memory_space<hbm>>) target(%dma_start3A_1517 : memref<80x64xi32, #tpu.memory_space<vmem>>) offsets(%dma_start3A_1520 : memref<80xi32, #tpu.memory_space<vmem>>) semaphore(%arg21 : memref<!tpu.dma_semaphore, #tpu.memory_space<semaphore_mem>>)
      %mul3A_1524 = arith.constant 10000 : i32
      %mul3A_1525 = arith.muli %add3A, %mul3A_1524 : i32
      %mul3A_1526 = arith.constant 40 : i32
      %mul3A_1527 = arith.muli %add3A_1436, %mul3A_1526 : i32
      %add3A_1528 = arith.addi %mul3A_1525, %mul3A_1527 : i32
      %dma_wait3A_1529 = arith.constant 0 : i32
      %dma_wait3A_1530 = arith.constant 0 : i32
      %dma_wait3A_1531 = arith.constant 0 : i32
      %dma_wait3A_1532 = tpu.memref_slice %arg11[%dma_wait3A_1529, %dma_wait3A_1530, %dma_wait3A_1531] : memref<2x40x128xf32, #tpu.memory_space<vmem>> -> memref<1x40x128xf32, #tpu.memory_space<vmem>>
      %dma_wait3A_1533 = tpu.memref_squeeze %dma_wait3A_1532 : memref<1x40x128xf32, #tpu.memory_space<vmem>> -> memref<40x128xf32, #tpu.memory_space<vmem>>
      %dma_wait3A_1534 = arith.constant 0 : i32
      %dma_wait3A_1535 = tpu.memref_slice %arg3[%add3A_1528, %dma_wait3A_1534] : memref<320000x128xf32, #tpu.memory_space<hbm>> -> memref<40x128xf32, #tpu.memory_space<hbm>>
      %dma_wait3A_1536 = arith.constant 0 : i32
      %dma_wait3A_1537 = arith.constant 0 : i32
      %dma_wait3A_1538 = tpu.memref_slice %arg11[%dma_wait3A_1529, %dma_wait3A_1536, %dma_wait3A_1537] : memref<2x40x128xf32, #tpu.memory_space<vmem>> -> memref<1x40x128xf32, #tpu.memory_space<vmem>>
      %dma_wait3A_1539 = tpu.memref_squeeze %dma_wait3A_1538 : memref<1x40x128xf32, #tpu.memory_space<vmem>> -> memref<40x128xf32, #tpu.memory_space<vmem>>
      %dma_wait3A_1540 = arith.constant 0 : i32
      %dma_wait3A_1541 = tpu.memref_slice %arg3[%add3A_1528, %dma_wait3A_1540] : memref<320000x128xf32, #tpu.memory_space<hbm>> -> memref<40x128xf32, #tpu.memory_space<hbm>>
      tpu.wait_dma2 semaphore(%arg20 : memref<!tpu.dma_semaphore, #tpu.memory_space<semaphore_mem>>) src(%dma_wait3A_1541 : memref<40x128xf32, #tpu.memory_space<hbm>>) dst(%dma_wait3A_1539 : memref<40x128xf32, #tpu.memory_space<vmem>>)
      %dma_wait3A_1542 = arith.constant 1 : i32
      %dma_wait3A_1543 = arith.constant 0 : i32
      %dma_wait3A_1544 = arith.constant 0 : i32
      %dma_wait3A_1545 = arith.constant 0 : i32
      %dma_wait3A_1546 = tpu.memref_slice %arg12[%dma_wait3A_1543, %dma_wait3A_1544, %dma_wait3A_1545] : memref<2x80x64xi32, #tpu.memory_space<vmem>> -> memref<1x80x64xi32, #tpu.memory_space<vmem>>
      %dma_wait3A_1547 = tpu.memref_squeeze %dma_wait3A_1546 : memref<1x80x64xi32, #tpu.memory_space<vmem>> -> memref<80x64xi32, #tpu.memory_space<vmem>>
      %dma_wait3A_1548 = arith.constant 0 : i32
      %dma_wait3A_1549 = tpu.memref_slice %arg9[%dma_wait3A_1542, %dma_wait3A_1548] : memref<3x80xi32, #tpu.memory_space<vmem>> -> memref<1x80xi32, #tpu.memory_space<vmem>>
      %dma_wait3A_1550 = tpu.memref_squeeze %dma_wait3A_1549 : memref<1x80xi32, #tpu.memory_space<vmem>> -> memref<80xi32, #tpu.memory_space<vmem>>
      %dma_wait3A_1551 = arith.constant 0 : i32
      %dma_wait3A_1552 = arith.constant 0 : i32
      %dma_wait3A_1553 = tpu.memref_slice %arg2[%dma_wait3A_1551, %dma_wait3A_1552] : memref<10000x64xi32, #tpu.memory_space<hbm>> -> memref<10000x64xi32, #tpu.memory_space<hbm>>
      tpu.wait_indirect_dma semaphore(%arg20 : memref<!tpu.dma_semaphore, #tpu.memory_space<semaphore_mem>>) src(%dma_wait3A_1553 : memref<10000x64xi32, #tpu.memory_space<hbm>>) dst(%dma_wait3A_1547 : memref<80x64xi32, #tpu.memory_space<vmem>>)
      %mul3A_1554 = arith.constant 10000 : i32
      %mul3A_1555 = arith.muli %add3A, %mul3A_1554 : i32
      %mul3A_1556 = arith.constant 40 : i32
      %mul3A_1557 = arith.muli %add3A_1436, %mul3A_1556 : i32
      %add3A_1558 = arith.addi %mul3A_1555, %mul3A_1557 : i32
      %dma_wait3A_1559 = arith.constant 1 : i32
      %dma_wait3A_1560 = arith.constant 0 : i32
      %dma_wait3A_1561 = tpu.memref_slice %arg10[%dma_wait3A_1559, %dma_wait3A_1560] : memref<3x80xi32, #tpu.memory_space<vmem>> -> memref<1x40xi32, #tpu.memory_space<vmem>>
      %dma_wait3A_1562 = tpu.memref_squeeze %dma_wait3A_1561 : memref<1x40xi32, #tpu.memory_space<vmem>> -> memref<40xi32, #tpu.memory_space<vmem>>
      %dma_wait3A_1563 = tpu.memref_slice %arg5[%add3A_1558] : memref<320000xi32, #tpu.memory_space<hbm>> -> memref<40xi32, #tpu.memory_space<hbm>>
      %dma_wait3A_1564 = arith.constant 0 : i32
      %dma_wait3A_1565 = tpu.memref_slice %arg10[%dma_wait3A_1559, %dma_wait3A_1564] : memref<3x80xi32, #tpu.memory_space<vmem>> -> memref<1x40xi32, #tpu.memory_space<vmem>>
      %dma_wait3A_1566 = tpu.memref_squeeze %dma_wait3A_1565 : memref<1x40xi32, #tpu.memory_space<vmem>> -> memref<40xi32, #tpu.memory_space<vmem>>
      %dma_wait3A_1567 = tpu.memref_slice %arg5[%add3A_1558] : memref<320000xi32, #tpu.memory_space<hbm>> -> memref<40xi32, #tpu.memory_space<hbm>>
      tpu.wait_dma2 semaphore(%arg18 : memref<!tpu.dma_semaphore, #tpu.memory_space<semaphore_mem>>) src(%dma_wait3A_1567 : memref<40xi32, #tpu.memory_space<hbm>>) dst(%dma_wait3A_1566 : memref<40xi32, #tpu.memory_space<vmem>>)
      %dma_wait3A_1568 = arith.constant 1 : i32
      %dma_wait3A_1569 = arith.constant 40 : i32
      %dma_wait3A_1570 = tpu.memref_slice %arg10[%dma_wait3A_1568, %dma_wait3A_1569] : memref<3x80xi32, #tpu.memory_space<vmem>> -> memref<1x40xi32, #tpu.memory_space<vmem>>
      %dma_wait3A_1571 = tpu.memref_squeeze %dma_wait3A_1570 : memref<1x40xi32, #tpu.memory_space<vmem>> -> memref<40xi32, #tpu.memory_space<vmem>>
      %dma_wait3A_1572 = tpu.memref_slice %arg4[%add3A_1558] : memref<320000xi32, #tpu.memory_space<hbm>> -> memref<40xi32, #tpu.memory_space<hbm>>
      %dma_wait3A_1573 = arith.constant 40 : i32
      %dma_wait3A_1574 = tpu.memref_slice %arg10[%dma_wait3A_1568, %dma_wait3A_1573] : memref<3x80xi32, #tpu.memory_space<vmem>> -> memref<1x40xi32, #tpu.memory_space<vmem>>
      %dma_wait3A_1575 = tpu.memref_squeeze %dma_wait3A_1574 : memref<1x40xi32, #tpu.memory_space<vmem>> -> memref<40xi32, #tpu.memory_space<vmem>>
      %dma_wait3A_1576 = tpu.memref_slice %arg4[%add3A_1558] : memref<320000xi32, #tpu.memory_space<hbm>> -> memref<40xi32, #tpu.memory_space<hbm>>
      tpu.wait_dma2 semaphore(%arg18 : memref<!tpu.dma_semaphore, #tpu.memory_space<semaphore_mem>>) src(%dma_wait3A_1576 : memref<40xi32, #tpu.memory_space<hbm>>) dst(%dma_wait3A_1575 : memref<40xi32, #tpu.memory_space<vmem>>)
      %dma_start3A_1577 = arith.constant 0 : i32
      %dma_start3A_1578 = arith.constant 1 : i32
      %dma_start3A_1579 = arith.constant 0 : i32
      %dma_start3A_1580 = arith.constant 0 : i32
      %dma_start3A_1581 = tpu.memref_slice %arg13[%dma_start3A_1577, %dma_start3A_1579, %dma_start3A_1580] : memref<2x80x128xf32, #tpu.memory_space<vmem>> -> memref<1x80x128xf32, #tpu.memory_space<vmem>>
      %dma_start3A_1582 = tpu.memref_squeeze %dma_start3A_1581 : memref<1x80x128xf32, #tpu.memory_space<vmem>> -> memref<80x128xf32, #tpu.memory_space<vmem>>
      %dma_start3A_1583 = arith.constant 0 : i32
      %dma_start3A_1584 = tpu.memref_slice %arg10[%dma_start3A_1578, %dma_start3A_1583] : memref<3x80xi32, #tpu.memory_space<vmem>> -> memref<1x80xi32, #tpu.memory_space<vmem>>
      %dma_start3A_1585 = tpu.memref_squeeze %dma_start3A_1584 : memref<1x80xi32, #tpu.memory_space<vmem>> -> memref<80xi32, #tpu.memory_space<vmem>>
      %dma_start3A_1586 = arith.constant 0 : i32
      %dma_start3A_1587 = arith.constant 0 : i32
      %dma_start3A_1588 = tpu.memref_slice %arg8[%dma_start3A_1586, %dma_start3A_1587] : memref<10000x128xf32, #tpu.memory_space<vmem_shared>> -> memref<10000x128xf32, #tpu.memory_space<vmem_shared>>
      tpu.enqueue_indirect_dma source(%dma_start3A_1582 : memref<80x128xf32, #tpu.memory_space<vmem>>) target(%dma_start3A_1588 : memref<10000x128xf32, #tpu.memory_space<vmem_shared>>) offsets(%dma_start3A_1585 : memref<80xi32, #tpu.memory_space<vmem>>) semaphore(%arg22 : memref<!tpu.dma_semaphore, #tpu.memory_space<semaphore_mem>>) {add = true}
      %add3A_1589 = arith.constant 1 : i32
      %add3A_1590 = arith.addi %add3A_1436, %add3A_1589 : i32
      %mul3A_1591 = arith.constant 10000 : i32
      %mul3A_1592 = arith.muli %add3A, %mul3A_1591 : i32
      %mul3A_1593 = arith.constant 40 : i32
      %mul3A_1594 = arith.muli %add3A_1590, %mul3A_1593 : i32
      %add3A_1595 = arith.addi %mul3A_1592, %mul3A_1594 : i32
      %dma_start3A_1596 = arith.constant 2 : i32
      %dma_start3A_1597 = arith.constant 0 : i32
      %dma_start3A_1598 = tpu.memref_slice %arg10[%dma_start3A_1596, %dma_start3A_1597] : memref<3x80xi32, #tpu.memory_space<vmem>> -> memref<1x40xi32, #tpu.memory_space<vmem>>
      %dma_start3A_1599 = tpu.memref_squeeze %dma_start3A_1598 : memref<1x40xi32, #tpu.memory_space<vmem>> -> memref<40xi32, #tpu.memory_space<vmem>>
      %dma_start3A_1600 = tpu.memref_slice %arg5[%add3A_1595] : memref<320000xi32, #tpu.memory_space<hbm>> -> memref<40xi32, #tpu.memory_space<hbm>>
      %dma_start3A_1601 = arith.constant 0 : i32
      %dma_start3A_1602 = tpu.memref_slice %arg10[%dma_start3A_1596, %dma_start3A_1601] : memref<3x80xi32, #tpu.memory_space<vmem>> -> memref<1x40xi32, #tpu.memory_space<vmem>>
      %dma_start3A_1603 = tpu.memref_squeeze %dma_start3A_1602 : memref<1x40xi32, #tpu.memory_space<vmem>> -> memref<40xi32, #tpu.memory_space<vmem>>
      %dma_start3A_1604 = tpu.memref_slice %arg5[%add3A_1595] : memref<320000xi32, #tpu.memory_space<hbm>> -> memref<40xi32, #tpu.memory_space<hbm>>
      tpu.enqueue_dma source(%dma_start3A_1604 : memref<40xi32, #tpu.memory_space<hbm>>) target(%dma_start3A_1603 : memref<40xi32, #tpu.memory_space<vmem>>) target_semaphore(%arg19 : memref<!tpu.dma_semaphore, #tpu.memory_space<semaphore_mem>>)
      %dma_start3A_1605 = arith.constant 2 : i32
      %dma_start3A_1606 = arith.constant 40 : i32
      %dma_start3A_1607 = tpu.memref_slice %arg10[%dma_start3A_1605, %dma_start3A_1606] : memref<3x80xi32, #tpu.memory_space<vmem>> -> memref<1x40xi32, #tpu.memory_space<vmem>>
      %dma_start3A_1608 = tpu.memref_squeeze %dma_start3A_1607 : memref<1x40xi32, #tpu.memory_space<vmem>> -> memref<40xi32, #tpu.memory_space<vmem>>
      %dma_start3A_1609 = tpu.memref_slice %arg4[%add3A_1595] : memref<320000xi32, #tpu.memory_space<hbm>> -> memref<40xi32, #tpu.memory_space<hbm>>
      %dma_start3A_1610 = arith.constant 40 : i32
      %dma_start3A_1611 = tpu.memref_slice %arg10[%dma_start3A_1605, %dma_start3A_1610] : memref<3x80xi32, #tpu.memory_space<vmem>> -> memref<1x40xi32, #tpu.memory_space<vmem>>
      %dma_start3A_1612 = tpu.memref_squeeze %dma_start3A_1611 : memref<1x40xi32, #tpu.memory_space<vmem>> -> memref<40xi32, #tpu.memory_space<vmem>>
      %dma_start3A_1613 = tpu.memref_slice %arg4[%add3A_1595] : memref<320000xi32, #tpu.memory_space<hbm>> -> memref<40xi32, #tpu.memory_space<hbm>>
      tpu.enqueue_dma source(%dma_start3A_1613 : memref<40xi32, #tpu.memory_space<hbm>>) target(%dma_start3A_1612 : memref<40xi32, #tpu.memory_space<vmem>>) target_semaphore(%arg19 : memref<!tpu.dma_semaphore, #tpu.memory_space<semaphore_mem>>)
      %add3A_1614 = arith.constant 5 : i32
      %add3A_1615 = arith.addi %add3A_719, %add3A_1614 : i32
      %ge3A_1616 = arith.constant 2 : i32
      %ge3A_1617 = arith.cmpi sge, %add3A_1615, %ge3A_1616 : i32
      %convert_element_type3A_1618 = arith.extui %ge3A_1617 : i1 to i32
      %cond3A_1619 = arith.constant 0 : i32
      %cond3A_1620 = arith.cmpi ne, %convert_element_type3A_1618, %cond3A_1619 : i32
      scf.if %cond3A_1620 {
        %dma_wait3A_1793 = arith.constant 1 : i32
        %dma_wait3A_1794 = arith.constant 2 : i32
        %dma_wait3A_1795 = arith.constant 0 : i32
        %dma_wait3A_1796 = arith.constant 0 : i32
        %dma_wait3A_1797 = tpu.memref_slice %arg13[%dma_wait3A_1793, %dma_wait3A_1795, %dma_wait3A_1796] : memref<2x80x128xf32, #tpu.memory_space<vmem>> -> memref<1x80x128xf32, #tpu.memory_space<vmem>>
        %dma_wait3A_1798 = tpu.memref_squeeze %dma_wait3A_1797 : memref<1x80x128xf32, #tpu.memory_space<vmem>> -> memref<80x128xf32, #tpu.memory_space<vmem>>
        %dma_wait3A_1799 = arith.constant 0 : i32
        %dma_wait3A_1800 = tpu.memref_slice %arg10[%dma_wait3A_1794, %dma_wait3A_1799] : memref<3x80xi32, #tpu.memory_space<vmem>> -> memref<1x80xi32, #tpu.memory_space<vmem>>
        %dma_wait3A_1801 = tpu.memref_squeeze %dma_wait3A_1800 : memref<1x80xi32, #tpu.memory_space<vmem>> -> memref<80xi32, #tpu.memory_space<vmem>>
        %dma_wait3A_1802 = arith.constant 0 : i32
        %dma_wait3A_1803 = arith.constant 0 : i32
        %dma_wait3A_1804 = tpu.memref_slice %arg8[%dma_wait3A_1802, %dma_wait3A_1803] : memref<10000x128xf32, #tpu.memory_space<vmem_shared>> -> memref<10000x128xf32, #tpu.memory_space<vmem_shared>>
        tpu.wait_indirect_dma semaphore(%arg23 : memref<!tpu.dma_semaphore, #tpu.memory_space<semaphore_mem>>) src(%dma_wait3A_1798 : memref<80x128xf32, #tpu.memory_space<vmem>>) dst(%dma_wait3A_1804 : memref<10000x128xf32, #tpu.memory_space<vmem_shared>>)
      } else {
      }
      %add3A_1621 = arith.constant 2 : i32
      %add3A_1622 = arith.addi %add3A_1615, %add3A_1621 : i32
      %mul3A_1623 = arith.constant 10000 : i32
      %mul3A_1624 = arith.muli %add3A, %mul3A_1623 : i32
      %mul3A_1625 = arith.constant 40 : i32
      %mul3A_1626 = arith.muli %add3A_1622, %mul3A_1625 : i32
      %add3A_1627 = arith.addi %mul3A_1624, %mul3A_1626 : i32
      %dma_start3A_1628 = arith.constant 1 : i32
      %dma_start3A_1629 = arith.constant 0 : i32
      %dma_start3A_1630 = tpu.memref_slice %arg9[%dma_start3A_1628, %dma_start3A_1629] : memref<3x80xi32, #tpu.memory_space<vmem>> -> memref<1x40xi32, #tpu.memory_space<vmem>>
      %dma_start3A_1631 = tpu.memref_squeeze %dma_start3A_1630 : memref<1x40xi32, #tpu.memory_space<vmem>> -> memref<40xi32, #tpu.memory_space<vmem>>
      %dma_start3A_1632 = tpu.memref_slice %arg4[%add3A_1627] : memref<320000xi32, #tpu.memory_space<hbm>> -> memref<40xi32, #tpu.memory_space<hbm>>
      %dma_start3A_1633 = arith.constant 0 : i32
      %dma_start3A_1634 = tpu.memref_slice %arg9[%dma_start3A_1628, %dma_start3A_1633] : memref<3x80xi32, #tpu.memory_space<vmem>> -> memref<1x40xi32, #tpu.memory_space<vmem>>
      %dma_start3A_1635 = tpu.memref_squeeze %dma_start3A_1634 : memref<1x40xi32, #tpu.memory_space<vmem>> -> memref<40xi32, #tpu.memory_space<vmem>>
      %dma_start3A_1636 = tpu.memref_slice %arg4[%add3A_1627] : memref<320000xi32, #tpu.memory_space<hbm>> -> memref<40xi32, #tpu.memory_space<hbm>>
      tpu.enqueue_dma source(%dma_start3A_1636 : memref<40xi32, #tpu.memory_space<hbm>>) target(%dma_start3A_1635 : memref<40xi32, #tpu.memory_space<vmem>>) target_semaphore(%arg15 : memref<!tpu.dma_semaphore, #tpu.memory_space<semaphore_mem>>)
      %dma_start3A_1637 = arith.constant 1 : i32
      %dma_start3A_1638 = arith.constant 40 : i32
      %dma_start3A_1639 = tpu.memref_slice %arg9[%dma_start3A_1637, %dma_start3A_1638] : memref<3x80xi32, #tpu.memory_space<vmem>> -> memref<1x40xi32, #tpu.memory_space<vmem>>
      %dma_start3A_1640 = tpu.memref_squeeze %dma_start3A_1639 : memref<1x40xi32, #tpu.memory_space<vmem>> -> memref<40xi32, #tpu.memory_space<vmem>>
      %dma_start3A_1641 = tpu.memref_slice %arg5[%add3A_1627] : memref<320000xi32, #tpu.memory_space<hbm>> -> memref<40xi32, #tpu.memory_space<hbm>>
      %dma_start3A_1642 = arith.constant 40 : i32
      %dma_start3A_1643 = tpu.memref_slice %arg9[%dma_start3A_1637, %dma_start3A_1642] : memref<3x80xi32, #tpu.memory_space<vmem>> -> memref<1x40xi32, #tpu.memory_space<vmem>>
      %dma_start3A_1644 = tpu.memref_squeeze %dma_start3A_1643 : memref<1x40xi32, #tpu.memory_space<vmem>> -> memref<40xi32, #tpu.memory_space<vmem>>
      %dma_start3A_1645 = tpu.memref_slice %arg5[%add3A_1627] : memref<320000xi32, #tpu.memory_space<hbm>> -> memref<40xi32, #tpu.memory_space<hbm>>
      tpu.enqueue_dma source(%dma_start3A_1645 : memref<40xi32, #tpu.memory_space<hbm>>) target(%dma_start3A_1644 : memref<40xi32, #tpu.memory_space<vmem>>) target_semaphore(%arg15 : memref<!tpu.dma_semaphore, #tpu.memory_space<semaphore_mem>>)
      %add3A_1646 = arith.constant 1 : i32
      %add3A_1647 = arith.addi %add3A_1615, %add3A_1646 : i32
      %mul3A_1648 = arith.constant 10000 : i32
      %mul3A_1649 = arith.muli %add3A, %mul3A_1648 : i32
      %mul3A_1650 = arith.constant 40 : i32
      %mul3A_1651 = arith.muli %add3A_1647, %mul3A_1650 : i32
      %add3A_1652 = arith.addi %mul3A_1649, %mul3A_1651 : i32
      %dma_wait3A_1653 = arith.constant 0 : i32
      %dma_wait3A_1654 = arith.constant 0 : i32
      %dma_wait3A_1655 = tpu.memref_slice %arg9[%dma_wait3A_1653, %dma_wait3A_1654] : memref<3x80xi32, #tpu.memory_space<vmem>> -> memref<1x40xi32, #tpu.memory_space<vmem>>
      %dma_wait3A_1656 = tpu.memref_squeeze %dma_wait3A_1655 : memref<1x40xi32, #tpu.memory_space<vmem>> -> memref<40xi32, #tpu.memory_space<vmem>>
      %dma_wait3A_1657 = tpu.memref_slice %arg4[%add3A_1652] : memref<320000xi32, #tpu.memory_space<hbm>> -> memref<40xi32, #tpu.memory_space<hbm>>
      %dma_wait3A_1658 = arith.constant 0 : i32
      %dma_wait3A_1659 = tpu.memref_slice %arg9[%dma_wait3A_1653, %dma_wait3A_1658] : memref<3x80xi32, #tpu.memory_space<vmem>> -> memref<1x40xi32, #tpu.memory_space<vmem>>
      %dma_wait3A_1660 = tpu.memref_squeeze %dma_wait3A_1659 : memref<1x40xi32, #tpu.memory_space<vmem>> -> memref<40xi32, #tpu.memory_space<vmem>>
      %dma_wait3A_1661 = tpu.memref_slice %arg4[%add3A_1652] : memref<320000xi32, #tpu.memory_space<hbm>> -> memref<40xi32, #tpu.memory_space<hbm>>
      tpu.wait_dma2 semaphore(%arg14 : memref<!tpu.dma_semaphore, #tpu.memory_space<semaphore_mem>>) src(%dma_wait3A_1661 : memref<40xi32, #tpu.memory_space<hbm>>) dst(%dma_wait3A_1660 : memref<40xi32, #tpu.memory_space<vmem>>)
      %dma_wait3A_1662 = arith.constant 0 : i32
      %dma_wait3A_1663 = arith.constant 40 : i32
      %dma_wait3A_1664 = tpu.memref_slice %arg9[%dma_wait3A_1662, %dma_wait3A_1663] : memref<3x80xi32, #tpu.memory_space<vmem>> -> memref<1x40xi32, #tpu.memory_space<vmem>>
      %dma_wait3A_1665 = tpu.memref_squeeze %dma_wait3A_1664 : memref<1x40xi32, #tpu.memory_space<vmem>> -> memref<40xi32, #tpu.memory_space<vmem>>
      %dma_wait3A_1666 = tpu.memref_slice %arg5[%add3A_1652] : memref<320000xi32, #tpu.memory_space<hbm>> -> memref<40xi32, #tpu.memory_space<hbm>>
      %dma_wait3A_1667 = arith.constant 40 : i32
      %dma_wait3A_1668 = tpu.memref_slice %arg9[%dma_wait3A_1662, %dma_wait3A_1667] : memref<3x80xi32, #tpu.memory_space<vmem>> -> memref<1x40xi32, #tpu.memory_space<vmem>>
      %dma_wait3A_1669 = tpu.memref_squeeze %dma_wait3A_1668 : memref<1x40xi32, #tpu.memory_space<vmem>> -> memref<40xi32, #tpu.memory_space<vmem>>
      %dma_wait3A_1670 = tpu.memref_slice %arg5[%add3A_1652] : memref<320000xi32, #tpu.memory_space<hbm>> -> memref<40xi32, #tpu.memory_space<hbm>>
      tpu.wait_dma2 semaphore(%arg14 : memref<!tpu.dma_semaphore, #tpu.memory_space<semaphore_mem>>) src(%dma_wait3A_1670 : memref<40xi32, #tpu.memory_space<hbm>>) dst(%dma_wait3A_1669 : memref<40xi32, #tpu.memory_space<vmem>>)
      %add3A_1671 = arith.constant 1 : i32
      %add3A_1672 = arith.addi %add3A_1615, %add3A_1671 : i32
      %mul3A_1673 = arith.constant 10000 : i32
      %mul3A_1674 = arith.muli %add3A, %mul3A_1673 : i32
      %mul3A_1675 = arith.constant 40 : i32
      %mul3A_1676 = arith.muli %add3A_1672, %mul3A_1675 : i32
      %add3A_1677 = arith.addi %mul3A_1674, %mul3A_1676 : i32
      %dma_start3A_1678 = arith.constant 0 : i32
      %dma_start3A_1679 = arith.constant 0 : i32
      %dma_start3A_1680 = arith.constant 0 : i32
      %dma_start3A_1681 = tpu.memref_slice %arg11[%dma_start3A_1678, %dma_start3A_1679, %dma_start3A_1680] : memref<2x40x128xf32, #tpu.memory_space<vmem>> -> memref<1x40x128xf32, #tpu.memory_space<vmem>>
      %dma_start3A_1682 = tpu.memref_squeeze %dma_start3A_1681 : memref<1x40x128xf32, #tpu.memory_space<vmem>> -> memref<40x128xf32, #tpu.memory_space<vmem>>
      %dma_start3A_1683 = arith.constant 0 : i32
      %dma_start3A_1684 = tpu.memref_slice %arg3[%add3A_1677, %dma_start3A_1683] : memref<320000x128xf32, #tpu.memory_space<hbm>> -> memref<40x128xf32, #tpu.memory_space<hbm>>
      %dma_start3A_1685 = arith.constant 0 : i32
      %dma_start3A_1686 = arith.constant 0 : i32
      %dma_start3A_1687 = tpu.memref_slice %arg11[%dma_start3A_1678, %dma_start3A_1685, %dma_start3A_1686] : memref<2x40x128xf32, #tpu.memory_space<vmem>> -> memref<1x40x128xf32, #tpu.memory_space<vmem>>
      %dma_start3A_1688 = tpu.memref_squeeze %dma_start3A_1687 : memref<1x40x128xf32, #tpu.memory_space<vmem>> -> memref<40x128xf32, #tpu.memory_space<vmem>>
      %dma_start3A_1689 = arith.constant 0 : i32
      %dma_start3A_1690 = tpu.memref_slice %arg3[%add3A_1677, %dma_start3A_1689] : memref<320000x128xf32, #tpu.memory_space<hbm>> -> memref<40x128xf32, #tpu.memory_space<hbm>>
      tpu.enqueue_dma source(%dma_start3A_1690 : memref<40x128xf32, #tpu.memory_space<hbm>>) target(%dma_start3A_1688 : memref<40x128xf32, #tpu.memory_space<vmem>>) target_semaphore(%arg20 : memref<!tpu.dma_semaphore, #tpu.memory_space<semaphore_mem>>)
      %dma_start3A_1691 = arith.constant 0 : i32
      %dma_start3A_1692 = arith.constant 0 : i32
      %dma_start3A_1693 = arith.constant 0 : i32
      %dma_start3A_1694 = arith.constant 0 : i32
      %dma_start3A_1695 = tpu.memref_slice %arg12[%dma_start3A_1692, %dma_start3A_1693, %dma_start3A_1694] : memref<2x80x64xi32, #tpu.memory_space<vmem>> -> memref<1x80x64xi32, #tpu.memory_space<vmem>>
      %dma_start3A_1696 = tpu.memref_squeeze %dma_start3A_1695 : memref<1x80x64xi32, #tpu.memory_space<vmem>> -> memref<80x64xi32, #tpu.memory_space<vmem>>
      %dma_start3A_1697 = arith.constant 0 : i32
      %dma_start3A_1698 = tpu.memref_slice %arg9[%dma_start3A_1691, %dma_start3A_1697] : memref<3x80xi32, #tpu.memory_space<vmem>> -> memref<1x80xi32, #tpu.memory_space<vmem>>
      %dma_start3A_1699 = tpu.memref_squeeze %dma_start3A_1698 : memref<1x80xi32, #tpu.memory_space<vmem>> -> memref<80xi32, #tpu.memory_space<vmem>>
      %dma_start3A_1700 = arith.constant 0 : i32
      %dma_start3A_1701 = arith.constant 0 : i32
      %dma_start3A_1702 = tpu.memref_slice %arg2[%dma_start3A_1700, %dma_start3A_1701] : memref<10000x64xi32, #tpu.memory_space<hbm>> -> memref<10000x64xi32, #tpu.memory_space<hbm>>
      tpu.enqueue_indirect_dma source(%dma_start3A_1702 : memref<10000x64xi32, #tpu.memory_space<hbm>>) target(%dma_start3A_1696 : memref<80x64xi32, #tpu.memory_space<vmem>>) offsets(%dma_start3A_1699 : memref<80xi32, #tpu.memory_space<vmem>>) semaphore(%arg20 : memref<!tpu.dma_semaphore, #tpu.memory_space<semaphore_mem>>)
      %mul3A_1703 = arith.constant 10000 : i32
      %mul3A_1704 = arith.muli %add3A, %mul3A_1703 : i32
      %mul3A_1705 = arith.constant 40 : i32
      %mul3A_1706 = arith.muli %add3A_1615, %mul3A_1705 : i32
      %add3A_1707 = arith.addi %mul3A_1704, %mul3A_1706 : i32
      %dma_wait3A_1708 = arith.constant 1 : i32
      %dma_wait3A_1709 = arith.constant 0 : i32
      %dma_wait3A_1710 = arith.constant 0 : i32
      %dma_wait3A_1711 = tpu.memref_slice %arg11[%dma_wait3A_1708, %dma_wait3A_1709, %dma_wait3A_1710] : memref<2x40x128xf32, #tpu.memory_space<vmem>> -> memref<1x40x128xf32, #tpu.memory_space<vmem>>
      %dma_wait3A_1712 = tpu.memref_squeeze %dma_wait3A_1711 : memref<1x40x128xf32, #tpu.memory_space<vmem>> -> memref<40x128xf32, #tpu.memory_space<vmem>>
      %dma_wait3A_1713 = arith.constant 0 : i32
      %dma_wait3A_1714 = tpu.memref_slice %arg3[%add3A_1707, %dma_wait3A_1713] : memref<320000x128xf32, #tpu.memory_space<hbm>> -> memref<40x128xf32, #tpu.memory_space<hbm>>
      %dma_wait3A_1715 = arith.constant 0 : i32
      %dma_wait3A_1716 = arith.constant 0 : i32
      %dma_wait3A_1717 = tpu.memref_slice %arg11[%dma_wait3A_1708, %dma_wait3A_1715, %dma_wait3A_1716] : memref<2x40x128xf32, #tpu.memory_space<vmem>> -> memref<1x40x128xf32, #tpu.memory_space<vmem>>
      %dma_wait3A_1718 = tpu.memref_squeeze %dma_wait3A_1717 : memref<1x40x128xf32, #tpu.memory_space<vmem>> -> memref<40x128xf32, #tpu.memory_space<vmem>>
      %dma_wait3A_1719 = arith.constant 0 : i32
      %dma_wait3A_1720 = tpu.memref_slice %arg3[%add3A_1707, %dma_wait3A_1719] : memref<320000x128xf32, #tpu.memory_space<hbm>> -> memref<40x128xf32, #tpu.memory_space<hbm>>
      tpu.wait_dma2 semaphore(%arg21 : memref<!tpu.dma_semaphore, #tpu.memory_space<semaphore_mem>>) src(%dma_wait3A_1720 : memref<40x128xf32, #tpu.memory_space<hbm>>) dst(%dma_wait3A_1718 : memref<40x128xf32, #tpu.memory_space<vmem>>)
      %dma_wait3A_1721 = arith.constant 2 : i32
      %dma_wait3A_1722 = arith.constant 1 : i32
      %dma_wait3A_1723 = arith.constant 0 : i32
      %dma_wait3A_1724 = arith.constant 0 : i32
      %dma_wait3A_1725 = tpu.memref_slice %arg12[%dma_wait3A_1722, %dma_wait3A_1723, %dma_wait3A_1724] : memref<2x80x64xi32, #tpu.memory_space<vmem>> -> memref<1x80x64xi32, #tpu.memory_space<vmem>>
      %dma_wait3A_1726 = tpu.memref_squeeze %dma_wait3A_1725 : memref<1x80x64xi32, #tpu.memory_space<vmem>> -> memref<80x64xi32, #tpu.memory_space<vmem>>
      %dma_wait3A_1727 = arith.constant 0 : i32
      %dma_wait3A_1728 = tpu.memref_slice %arg9[%dma_wait3A_1721, %dma_wait3A_1727] : memref<3x80xi32, #tpu.memory_space<vmem>> -> memref<1x80xi32, #tpu.memory_space<vmem>>
      %dma_wait3A_1729 = tpu.memref_squeeze %dma_wait3A_1728 : memref<1x80xi32, #tpu.memory_space<vmem>> -> memref<80xi32, #tpu.memory_space<vmem>>
      %dma_wait3A_1730 = arith.constant 0 : i32
      %dma_wait3A_1731 = arith.constant 0 : i32
      %dma_wait3A_1732 = tpu.memref_slice %arg2[%dma_wait3A_1730, %dma_wait3A_1731] : memref<10000x64xi32, #tpu.memory_space<hbm>> -> memref<10000x64xi32, #tpu.memory_space<hbm>>
      tpu.wait_indirect_dma semaphore(%arg21 : memref<!tpu.dma_semaphore, #tpu.memory_space<semaphore_mem>>) src(%dma_wait3A_1732 : memref<10000x64xi32, #tpu.memory_space<hbm>>) dst(%dma_wait3A_1726 : memref<80x64xi32, #tpu.memory_space<vmem>>)
      %mul3A_1733 = arith.constant 10000 : i32
      %mul3A_1734 = arith.muli %add3A, %mul3A_1733 : i32
      %mul3A_1735 = arith.constant 40 : i32
      %mul3A_1736 = arith.muli %add3A_1615, %mul3A_1735 : i32
      %add3A_1737 = arith.addi %mul3A_1734, %mul3A_1736 : i32
      %dma_wait3A_1738 = arith.constant 2 : i32
      %dma_wait3A_1739 = arith.constant 0 : i32
      %dma_wait3A_1740 = tpu.memref_slice %arg10[%dma_wait3A_1738, %dma_wait3A_1739] : memref<3x80xi32, #tpu.memory_space<vmem>> -> memref<1x40xi32, #tpu.memory_space<vmem>>
      %dma_wait3A_1741 = tpu.memref_squeeze %dma_wait3A_1740 : memref<1x40xi32, #tpu.memory_space<vmem>> -> memref<40xi32, #tpu.memory_space<vmem>>
      %dma_wait3A_1742 = tpu.memref_slice %arg5[%add3A_1737] : memref<320000xi32, #tpu.memory_space<hbm>> -> memref<40xi32, #tpu.memory_space<hbm>>
      %dma_wait3A_1743 = arith.constant 0 : i32
      %dma_wait3A_1744 = tpu.memref_slice %arg10[%dma_wait3A_1738, %dma_wait3A_1743] : memref<3x80xi32, #tpu.memory_space<vmem>> -> memref<1x40xi32, #tpu.memory_space<vmem>>
      %dma_wait3A_1745 = tpu.memref_squeeze %dma_wait3A_1744 : memref<1x40xi32, #tpu.memory_space<vmem>> -> memref<40xi32, #tpu.memory_space<vmem>>
      %dma_wait3A_1746 = tpu.memref_slice %arg5[%add3A_1737] : memref<320000xi32, #tpu.memory_space<hbm>> -> memref<40xi32, #tpu.memory_space<hbm>>
      tpu.wait_dma2 semaphore(%arg19 : memref<!tpu.dma_semaphore, #tpu.memory_space<semaphore_mem>>) src(%dma_wait3A_1746 : memref<40xi32, #tpu.memory_space<hbm>>) dst(%dma_wait3A_1745 : memref<40xi32, #tpu.memory_space<vmem>>)
      %dma_wait3A_1747 = arith.constant 2 : i32
      %dma_wait3A_1748 = arith.constant 40 : i32
      %dma_wait3A_1749 = tpu.memref_slice %arg10[%dma_wait3A_1747, %dma_wait3A_1748] : memref<3x80xi32, #tpu.memory_space<vmem>> -> memref<1x40xi32, #tpu.memory_space<vmem>>
      %dma_wait3A_1750 = tpu.memref_squeeze %dma_wait3A_1749 : memref<1x40xi32, #tpu.memory_space<vmem>> -> memref<40xi32, #tpu.memory_space<vmem>>
      %dma_wait3A_1751 = tpu.memref_slice %arg4[%add3A_1737] : memref<320000xi32, #tpu.memory_space<hbm>> -> memref<40xi32, #tpu.memory_space<hbm>>
      %dma_wait3A_1752 = arith.constant 40 : i32
      %dma_wait3A_1753 = tpu.memref_slice %arg10[%dma_wait3A_1747, %dma_wait3A_1752] : memref<3x80xi32, #tpu.memory_space<vmem>> -> memref<1x40xi32, #tpu.memory_space<vmem>>
      %dma_wait3A_1754 = tpu.memref_squeeze %dma_wait3A_1753 : memref<1x40xi32, #tpu.memory_space<vmem>> -> memref<40xi32, #tpu.memory_space<vmem>>
      %dma_wait3A_1755 = tpu.memref_slice %arg4[%add3A_1737] : memref<320000xi32, #tpu.memory_space<hbm>> -> memref<40xi32, #tpu.memory_space<hbm>>
      tpu.wait_dma2 semaphore(%arg19 : memref<!tpu.dma_semaphore, #tpu.memory_space<semaphore_mem>>) src(%dma_wait3A_1755 : memref<40xi32, #tpu.memory_space<hbm>>) dst(%dma_wait3A_1754 : memref<40xi32, #tpu.memory_space<vmem>>)
      %dma_start3A_1756 = arith.constant 1 : i32
      %dma_start3A_1757 = arith.constant 2 : i32
      %dma_start3A_1758 = arith.constant 0 : i32
      %dma_start3A_1759 = arith.constant 0 : i32
      %dma_start3A_1760 = tpu.memref_slice %arg13[%dma_start3A_1756, %dma_start3A_1758, %dma_start3A_1759] : memref<2x80x128xf32, #tpu.memory_space<vmem>> -> memref<1x80x128xf32, #tpu.memory_space<vmem>>
      %dma_start3A_1761 = tpu.memref_squeeze %dma_start3A_1760 : memref<1x80x128xf32, #tpu.memory_space<vmem>> -> memref<80x128xf32, #tpu.memory_space<vmem>>
      %dma_start3A_1762 = arith.constant 0 : i32
      %dma_start3A_1763 = tpu.memref_slice %arg10[%dma_start3A_1757, %dma_start3A_1762] : memref<3x80xi32, #tpu.memory_space<vmem>> -> memref<1x80xi32, #tpu.memory_space<vmem>>
      %dma_start3A_1764 = tpu.memref_squeeze %dma_start3A_1763 : memref<1x80xi32, #tpu.memory_space<vmem>> -> memref<80xi32, #tpu.memory_space<vmem>>
      %dma_start3A_1765 = arith.constant 0 : i32
      %dma_start3A_1766 = arith.constant 0 : i32
      %dma_start3A_1767 = tpu.memref_slice %arg8[%dma_start3A_1765, %dma_start3A_1766] : memref<10000x128xf32, #tpu.memory_space<vmem_shared>> -> memref<10000x128xf32, #tpu.memory_space<vmem_shared>>
      tpu.enqueue_indirect_dma source(%dma_start3A_1761 : memref<80x128xf32, #tpu.memory_space<vmem>>) target(%dma_start3A_1767 : memref<10000x128xf32, #tpu.memory_space<vmem_shared>>) offsets(%dma_start3A_1764 : memref<80xi32, #tpu.memory_space<vmem>>) semaphore(%arg23 : memref<!tpu.dma_semaphore, #tpu.memory_space<semaphore_mem>>) {add = true}
      %add3A_1768 = arith.constant 1 : i32
      %add3A_1769 = arith.addi %add3A_1615, %add3A_1768 : i32
      %mul3A_1770 = arith.constant 10000 : i32
      %mul3A_1771 = arith.muli %add3A, %mul3A_1770 : i32
      %mul3A_1772 = arith.constant 40 : i32
      %mul3A_1773 = arith.muli %add3A_1769, %mul3A_1772 : i32
      %add3A_1774 = arith.addi %mul3A_1771, %mul3A_1773 : i32
      %dma_start3A_1775 = arith.constant 0 : i32
      %dma_start3A_1776 = arith.constant 0 : i32
      %dma_start3A_1777 = tpu.memref_slice %arg10[%dma_start3A_1775, %dma_start3A_1776] : memref<3x80xi32, #tpu.memory_space<vmem>> -> memref<1x40xi32, #tpu.memory_space<vmem>>
      %dma_start3A_1778 = tpu.memref_squeeze %dma_start3A_1777 : memref<1x40xi32, #tpu.memory_space<vmem>> -> memref<40xi32, #tpu.memory_space<vmem>>
      %dma_start3A_1779 = tpu.memref_slice %arg5[%add3A_1774] : memref<320000xi32, #tpu.memory_space<hbm>> -> memref<40xi32, #tpu.memory_space<hbm>>
      %dma_start3A_1780 = arith.constant 0 : i32
      %dma_start3A_1781 = tpu.memref_slice %arg10[%dma_start3A_1775, %dma_start3A_1780] : memref<3x80xi32, #tpu.memory_space<vmem>> -> memref<1x40xi32, #tpu.memory_space<vmem>>
      %dma_start3A_1782 = tpu.memref_squeeze %dma_start3A_1781 : memref<1x40xi32, #tpu.memory_space<vmem>> -> memref<40xi32, #tpu.memory_space<vmem>>
      %dma_start3A_1783 = tpu.memref_slice %arg5[%add3A_1774] : memref<320000xi32, #tpu.memory_space<hbm>> -> memref<40xi32, #tpu.memory_space<hbm>>
      tpu.enqueue_dma source(%dma_start3A_1783 : memref<40xi32, #tpu.memory_space<hbm>>) target(%dma_start3A_1782 : memref<40xi32, #tpu.memory_space<vmem>>) target_semaphore(%arg17 : memref<!tpu.dma_semaphore, #tpu.memory_space<semaphore_mem>>)
      %dma_start3A_1784 = arith.constant 0 : i32
      %dma_start3A_1785 = arith.constant 40 : i32
      %dma_start3A_1786 = tpu.memref_slice %arg10[%dma_start3A_1784, %dma_start3A_1785] : memref<3x80xi32, #tpu.memory_space<vmem>> -> memref<1x40xi32, #tpu.memory_space<vmem>>
      %dma_start3A_1787 = tpu.memref_squeeze %dma_start3A_1786 : memref<1x40xi32, #tpu.memory_space<vmem>> -> memref<40xi32, #tpu.memory_space<vmem>>
      %dma_start3A_1788 = tpu.memref_slice %arg4[%add3A_1774] : memref<320000xi32, #tpu.memory_space<hbm>> -> memref<40xi32, #tpu.memory_space<hbm>>
      %dma_start3A_1789 = arith.constant 40 : i32
      %dma_start3A_1790 = tpu.memref_slice %arg10[%dma_start3A_1784, %dma_start3A_1789] : memref<3x80xi32, #tpu.memory_space<vmem>> -> memref<1x40xi32, #tpu.memory_space<vmem>>
      %dma_start3A_1791 = tpu.memref_squeeze %dma_start3A_1790 : memref<1x40xi32, #tpu.memory_space<vmem>> -> memref<40xi32, #tpu.memory_space<vmem>>
      %dma_start3A_1792 = tpu.memref_slice %arg4[%add3A_1774] : memref<320000xi32, #tpu.memory_space<hbm>> -> memref<40xi32, #tpu.memory_space<hbm>>
      tpu.enqueue_dma source(%dma_start3A_1792 : memref<40xi32, #tpu.memory_space<hbm>>) target(%dma_start3A_1791 : memref<40xi32, #tpu.memory_space<vmem>>) target_semaphore(%arg17 : memref<!tpu.dma_semaphore, #tpu.memory_space<semaphore_mem>>)
    }
    %scan3A_121 = arith.constant 41 : i32
    %dma_wait3A_122 = arith.constant 0 : i32
    %dma_wait3A_123 = arith.constant 0 : i32
    %dma_wait3A_124 = arith.constant 0 : i32
    %dma_wait3A_125 = arith.constant 0 : i32
    %dma_wait3A_126 = tpu.memref_slice %arg13[%dma_wait3A_122, %dma_wait3A_124, %dma_wait3A_125] : memref<2x80x128xf32, #tpu.memory_space<vmem>> -> memref<1x80x128xf32, #tpu.memory_space<vmem>>
    %dma_wait3A_127 = tpu.memref_squeeze %dma_wait3A_126 : memref<1x80x128xf32, #tpu.memory_space<vmem>> -> memref<80x128xf32, #tpu.memory_space<vmem>>
    %dma_wait3A_128 = arith.constant 0 : i32
    %dma_wait3A_129 = tpu.memref_slice %arg10[%dma_wait3A_123, %dma_wait3A_128] : memref<3x80xi32, #tpu.memory_space<vmem>> -> memref<1x80xi32, #tpu.memory_space<vmem>>
    %dma_wait3A_130 = tpu.memref_squeeze %dma_wait3A_129 : memref<1x80xi32, #tpu.memory_space<vmem>> -> memref<80xi32, #tpu.memory_space<vmem>>
    %dma_wait3A_131 = arith.constant 0 : i32
    %dma_wait3A_132 = arith.constant 0 : i32
    %dma_wait3A_133 = tpu.memref_slice %arg8[%dma_wait3A_131, %dma_wait3A_132] : memref<10000x128xf32, #tpu.memory_space<vmem_shared>> -> memref<10000x128xf32, #tpu.memory_space<vmem_shared>>
    tpu.wait_indirect_dma semaphore(%arg22 : memref<!tpu.dma_semaphore, #tpu.memory_space<semaphore_mem>>) src(%dma_wait3A_127 : memref<80x128xf32, #tpu.memory_space<vmem>>) dst(%dma_wait3A_133 : memref<10000x128xf32, #tpu.memory_space<vmem_shared>>)
    %mul3A_134 = arith.constant 10000 : i32
    %mul3A_135 = arith.muli %add3A, %mul3A_134 : i32
    %add3A_136 = arith.constant 9920 : i32
    %add3A_137 = arith.addi %mul3A_135, %add3A_136 : i32
    %dma_start3A_138 = arith.constant 2 : i32
    %dma_start3A_139 = arith.constant 0 : i32
    %dma_start3A_140 = tpu.memref_slice %arg9[%dma_start3A_138, %dma_start3A_139] : memref<3x80xi32, #tpu.memory_space<vmem>> -> memref<1x40xi32, #tpu.memory_space<vmem>>
    %dma_start3A_141 = tpu.memref_squeeze %dma_start3A_140 : memref<1x40xi32, #tpu.memory_space<vmem>> -> memref<40xi32, #tpu.memory_space<vmem>>
    %dma_start3A_142 = tpu.memref_slice %arg4[%add3A_137] : memref<320000xi32, #tpu.memory_space<hbm>> -> memref<40xi32, #tpu.memory_space<hbm>>
    %dma_start3A_143 = arith.constant 0 : i32
    %dma_start3A_144 = tpu.memref_slice %arg9[%dma_start3A_138, %dma_start3A_143] : memref<3x80xi32, #tpu.memory_space<vmem>> -> memref<1x40xi32, #tpu.memory_space<vmem>>
    %dma_start3A_145 = tpu.memref_squeeze %dma_start3A_144 : memref<1x40xi32, #tpu.memory_space<vmem>> -> memref<40xi32, #tpu.memory_space<vmem>>
    %dma_start3A_146 = tpu.memref_slice %arg4[%add3A_137] : memref<320000xi32, #tpu.memory_space<hbm>> -> memref<40xi32, #tpu.memory_space<hbm>>
    tpu.enqueue_dma source(%dma_start3A_146 : memref<40xi32, #tpu.memory_space<hbm>>) target(%dma_start3A_145 : memref<40xi32, #tpu.memory_space<vmem>>) target_semaphore(%arg16 : memref<!tpu.dma_semaphore, #tpu.memory_space<semaphore_mem>>)
    %dma_start3A_147 = arith.constant 2 : i32
    %dma_start3A_148 = arith.constant 40 : i32
    %dma_start3A_149 = tpu.memref_slice %arg9[%dma_start3A_147, %dma_start3A_148] : memref<3x80xi32, #tpu.memory_space<vmem>> -> memref<1x40xi32, #tpu.memory_space<vmem>>
    %dma_start3A_150 = tpu.memref_squeeze %dma_start3A_149 : memref<1x40xi32, #tpu.memory_space<vmem>> -> memref<40xi32, #tpu.memory_space<vmem>>
    %dma_start3A_151 = tpu.memref_slice %arg5[%add3A_137] : memref<320000xi32, #tpu.memory_space<hbm>> -> memref<40xi32, #tpu.memory_space<hbm>>
    %dma_start3A_152 = arith.constant 40 : i32
    %dma_start3A_153 = tpu.memref_slice %arg9[%dma_start3A_147, %dma_start3A_152] : memref<3x80xi32, #tpu.memory_space<vmem>> -> memref<1x40xi32, #tpu.memory_space<vmem>>
    %dma_start3A_154 = tpu.memref_squeeze %dma_start3A_153 : memref<1x40xi32, #tpu.memory_space<vmem>> -> memref<40xi32, #tpu.memory_space<vmem>>
    %dma_start3A_155 = tpu.memref_slice %arg5[%add3A_137] : memref<320000xi32, #tpu.memory_space<hbm>> -> memref<40xi32, #tpu.memory_space<hbm>>
    tpu.enqueue_dma source(%dma_start3A_155 : memref<40xi32, #tpu.memory_space<hbm>>) target(%dma_start3A_154 : memref<40xi32, #tpu.memory_space<vmem>>) target_semaphore(%arg16 : memref<!tpu.dma_semaphore, #tpu.memory_space<semaphore_mem>>)
    %mul3A_156 = arith.constant 10000 : i32
    %mul3A_157 = arith.muli %add3A, %mul3A_156 : i32
    %add3A_158 = arith.constant 9880 : i32
    %add3A_159 = arith.addi %mul3A_157, %add3A_158 : i32
    %dma_wait3A_160 = arith.constant 1 : i32
    %dma_wait3A_161 = arith.constant 0 : i32
    %dma_wait3A_162 = tpu.memref_slice %arg9[%dma_wait3A_160, %dma_wait3A_161] : memref<3x80xi32, #tpu.memory_space<vmem>> -> memref<1x40xi32, #tpu.memory_space<vmem>>
    %dma_wait3A_163 = tpu.memref_squeeze %dma_wait3A_162 : memref<1x40xi32, #tpu.memory_space<vmem>> -> memref<40xi32, #tpu.memory_space<vmem>>
    %dma_wait3A_164 = tpu.memref_slice %arg4[%add3A_159] : memref<320000xi32, #tpu.memory_space<hbm>> -> memref<40xi32, #tpu.memory_space<hbm>>
    %dma_wait3A_165 = arith.constant 0 : i32
    %dma_wait3A_166 = tpu.memref_slice %arg9[%dma_wait3A_160, %dma_wait3A_165] : memref<3x80xi32, #tpu.memory_space<vmem>> -> memref<1x40xi32, #tpu.memory_space<vmem>>
    %dma_wait3A_167 = tpu.memref_squeeze %dma_wait3A_166 : memref<1x40xi32, #tpu.memory_space<vmem>> -> memref<40xi32, #tpu.memory_space<vmem>>
    %dma_wait3A_168 = tpu.memref_slice %arg4[%add3A_159] : memref<320000xi32, #tpu.memory_space<hbm>> -> memref<40xi32, #tpu.memory_space<hbm>>
    tpu.wait_dma2 semaphore(%arg15 : memref<!tpu.dma_semaphore, #tpu.memory_space<semaphore_mem>>) src(%dma_wait3A_168 : memref<40xi32, #tpu.memory_space<hbm>>) dst(%dma_wait3A_167 : memref<40xi32, #tpu.memory_space<vmem>>)
    %dma_wait3A_169 = arith.constant 1 : i32
    %dma_wait3A_170 = arith.constant 40 : i32
    %dma_wait3A_171 = tpu.memref_slice %arg9[%dma_wait3A_169, %dma_wait3A_170] : memref<3x80xi32, #tpu.memory_space<vmem>> -> memref<1x40xi32, #tpu.memory_space<vmem>>
    %dma_wait3A_172 = tpu.memref_squeeze %dma_wait3A_171 : memref<1x40xi32, #tpu.memory_space<vmem>> -> memref<40xi32, #tpu.memory_space<vmem>>
    %dma_wait3A_173 = tpu.memref_slice %arg5[%add3A_159] : memref<320000xi32, #tpu.memory_space<hbm>> -> memref<40xi32, #tpu.memory_space<hbm>>
    %dma_wait3A_174 = arith.constant 40 : i32
    %dma_wait3A_175 = tpu.memref_slice %arg9[%dma_wait3A_169, %dma_wait3A_174] : memref<3x80xi32, #tpu.memory_space<vmem>> -> memref<1x40xi32, #tpu.memory_space<vmem>>
    %dma_wait3A_176 = tpu.memref_squeeze %dma_wait3A_175 : memref<1x40xi32, #tpu.memory_space<vmem>> -> memref<40xi32, #tpu.memory_space<vmem>>
    %dma_wait3A_177 = tpu.memref_slice %arg5[%add3A_159] : memref<320000xi32, #tpu.memory_space<hbm>> -> memref<40xi32, #tpu.memory_space<hbm>>
    tpu.wait_dma2 semaphore(%arg15 : memref<!tpu.dma_semaphore, #tpu.memory_space<semaphore_mem>>) src(%dma_wait3A_177 : memref<40xi32, #tpu.memory_space<hbm>>) dst(%dma_wait3A_176 : memref<40xi32, #tpu.memory_space<vmem>>)
    %mul3A_178 = arith.constant 10000 : i32
    %mul3A_179 = arith.muli %add3A, %mul3A_178 : i32
    %add3A_180 = arith.constant 9880 : i32
    %add3A_181 = arith.addi %mul3A_179, %add3A_180 : i32
    %dma_start3A_182 = arith.constant 1 : i32
    %dma_start3A_183 = arith.constant 0 : i32
    %dma_start3A_184 = arith.constant 0 : i32
    %dma_start3A_185 = tpu.memref_slice %arg11[%dma_start3A_182, %dma_start3A_183, %dma_start3A_184] : memref<2x40x128xf32, #tpu.memory_space<vmem>> -> memref<1x40x128xf32, #tpu.memory_space<vmem>>
    %dma_start3A_186 = tpu.memref_squeeze %dma_start3A_185 : memref<1x40x128xf32, #tpu.memory_space<vmem>> -> memref<40x128xf32, #tpu.memory_space<vmem>>
    %dma_start3A_187 = arith.constant 0 : i32
    %dma_start3A_188 = tpu.memref_slice %arg3[%add3A_181, %dma_start3A_187] : memref<320000x128xf32, #tpu.memory_space<hbm>> -> memref<40x128xf32, #tpu.memory_space<hbm>>
    %dma_start3A_189 = arith.constant 0 : i32
    %dma_start3A_190 = arith.constant 0 : i32
    %dma_start3A_191 = tpu.memref_slice %arg11[%dma_start3A_182, %dma_start3A_189, %dma_start3A_190] : memref<2x40x128xf32, #tpu.memory_space<vmem>> -> memref<1x40x128xf32, #tpu.memory_space<vmem>>
    %dma_start3A_192 = tpu.memref_squeeze %dma_start3A_191 : memref<1x40x128xf32, #tpu.memory_space<vmem>> -> memref<40x128xf32, #tpu.memory_space<vmem>>
    %dma_start3A_193 = arith.constant 0 : i32
    %dma_start3A_194 = tpu.memref_slice %arg3[%add3A_181, %dma_start3A_193] : memref<320000x128xf32, #tpu.memory_space<hbm>> -> memref<40x128xf32, #tpu.memory_space<hbm>>
    tpu.enqueue_dma source(%dma_start3A_194 : memref<40x128xf32, #tpu.memory_space<hbm>>) target(%dma_start3A_192 : memref<40x128xf32, #tpu.memory_space<vmem>>) target_semaphore(%arg21 : memref<!tpu.dma_semaphore, #tpu.memory_space<semaphore_mem>>)
    %dma_start3A_195 = arith.constant 1 : i32
    %dma_start3A_196 = arith.constant 1 : i32
    %dma_start3A_197 = arith.constant 0 : i32
    %dma_start3A_198 = arith.constant 0 : i32
    %dma_start3A_199 = tpu.memref_slice %arg12[%dma_start3A_196, %dma_start3A_197, %dma_start3A_198] : memref<2x80x64xi32, #tpu.memory_space<vmem>> -> memref<1x80x64xi32, #tpu.memory_space<vmem>>
    %dma_start3A_200 = tpu.memref_squeeze %dma_start3A_199 : memref<1x80x64xi32, #tpu.memory_space<vmem>> -> memref<80x64xi32, #tpu.memory_space<vmem>>
    %dma_start3A_201 = arith.constant 0 : i32
    %dma_start3A_202 = tpu.memref_slice %arg9[%dma_start3A_195, %dma_start3A_201] : memref<3x80xi32, #tpu.memory_space<vmem>> -> memref<1x80xi32, #tpu.memory_space<vmem>>
    %dma_start3A_203 = tpu.memref_squeeze %dma_start3A_202 : memref<1x80xi32, #tpu.memory_space<vmem>> -> memref<80xi32, #tpu.memory_space<vmem>>
    %dma_start3A_204 = arith.constant 0 : i32
    %dma_start3A_205 = arith.constant 0 : i32
    %dma_start3A_206 = tpu.memref_slice %arg2[%dma_start3A_204, %dma_start3A_205] : memref<10000x64xi32, #tpu.memory_space<hbm>> -> memref<10000x64xi32, #tpu.memory_space<hbm>>
    tpu.enqueue_indirect_dma source(%dma_start3A_206 : memref<10000x64xi32, #tpu.memory_space<hbm>>) target(%dma_start3A_200 : memref<80x64xi32, #tpu.memory_space<vmem>>) offsets(%dma_start3A_203 : memref<80xi32, #tpu.memory_space<vmem>>) semaphore(%arg21 : memref<!tpu.dma_semaphore, #tpu.memory_space<semaphore_mem>>)
    %mul3A_207 = arith.constant 10000 : i32
    %mul3A_208 = arith.muli %add3A, %mul3A_207 : i32
    %add3A_209 = arith.constant 9840 : i32
    %add3A_210 = arith.addi %mul3A_208, %add3A_209 : i32
    %dma_wait3A_211 = arith.constant 0 : i32
    %dma_wait3A_212 = arith.constant 0 : i32
    %dma_wait3A_213 = arith.constant 0 : i32
    %dma_wait3A_214 = tpu.memref_slice %arg11[%dma_wait3A_211, %dma_wait3A_212, %dma_wait3A_213] : memref<2x40x128xf32, #tpu.memory_space<vmem>> -> memref<1x40x128xf32, #tpu.memory_space<vmem>>
    %dma_wait3A_215 = tpu.memref_squeeze %dma_wait3A_214 : memref<1x40x128xf32, #tpu.memory_space<vmem>> -> memref<40x128xf32, #tpu.memory_space<vmem>>
    %dma_wait3A_216 = arith.constant 0 : i32
    %dma_wait3A_217 = tpu.memref_slice %arg3[%add3A_210, %dma_wait3A_216] : memref<320000x128xf32, #tpu.memory_space<hbm>> -> memref<40x128xf32, #tpu.memory_space<hbm>>
    %dma_wait3A_218 = arith.constant 0 : i32
    %dma_wait3A_219 = arith.constant 0 : i32
    %dma_wait3A_220 = tpu.memref_slice %arg11[%dma_wait3A_211, %dma_wait3A_218, %dma_wait3A_219] : memref<2x40x128xf32, #tpu.memory_space<vmem>> -> memref<1x40x128xf32, #tpu.memory_space<vmem>>
    %dma_wait3A_221 = tpu.memref_squeeze %dma_wait3A_220 : memref<1x40x128xf32, #tpu.memory_space<vmem>> -> memref<40x128xf32, #tpu.memory_space<vmem>>
    %dma_wait3A_222 = arith.constant 0 : i32
    %dma_wait3A_223 = tpu.memref_slice %arg3[%add3A_210, %dma_wait3A_222] : memref<320000x128xf32, #tpu.memory_space<hbm>> -> memref<40x128xf32, #tpu.memory_space<hbm>>
    tpu.wait_dma2 semaphore(%arg20 : memref<!tpu.dma_semaphore, #tpu.memory_space<semaphore_mem>>) src(%dma_wait3A_223 : memref<40x128xf32, #tpu.memory_space<hbm>>) dst(%dma_wait3A_221 : memref<40x128xf32, #tpu.memory_space<vmem>>)
    %dma_wait3A_224 = arith.constant 0 : i32
    %dma_wait3A_225 = arith.constant 0 : i32
    %dma_wait3A_226 = arith.constant 0 : i32
    %dma_wait3A_227 = arith.constant 0 : i32
    %dma_wait3A_228 = tpu.memref_slice %arg12[%dma_wait3A_225, %dma_wait3A_226, %dma_wait3A_227] : memref<2x80x64xi32, #tpu.memory_space<vmem>> -> memref<1x80x64xi32, #tpu.memory_space<vmem>>
    %dma_wait3A_229 = tpu.memref_squeeze %dma_wait3A_228 : memref<1x80x64xi32, #tpu.memory_space<vmem>> -> memref<80x64xi32, #tpu.memory_space<vmem>>
    %dma_wait3A_230 = arith.constant 0 : i32
    %dma_wait3A_231 = tpu.memref_slice %arg9[%dma_wait3A_224, %dma_wait3A_230] : memref<3x80xi32, #tpu.memory_space<vmem>> -> memref<1x80xi32, #tpu.memory_space<vmem>>
    %dma_wait3A_232 = tpu.memref_squeeze %dma_wait3A_231 : memref<1x80xi32, #tpu.memory_space<vmem>> -> memref<80xi32, #tpu.memory_space<vmem>>
    %dma_wait3A_233 = arith.constant 0 : i32
    %dma_wait3A_234 = arith.constant 0 : i32
    %dma_wait3A_235 = tpu.memref_slice %arg2[%dma_wait3A_233, %dma_wait3A_234] : memref<10000x64xi32, #tpu.memory_space<hbm>> -> memref<10000x64xi32, #tpu.memory_space<hbm>>
    tpu.wait_indirect_dma semaphore(%arg20 : memref<!tpu.dma_semaphore, #tpu.memory_space<semaphore_mem>>) src(%dma_wait3A_235 : memref<10000x64xi32, #tpu.memory_space<hbm>>) dst(%dma_wait3A_229 : memref<80x64xi32, #tpu.memory_space<vmem>>)
    %mul3A_236 = arith.constant 10000 : i32
    %mul3A_237 = arith.muli %add3A, %mul3A_236 : i32
    %add3A_238 = arith.constant 9840 : i32
    %add3A_239 = arith.addi %mul3A_237, %add3A_238 : i32
    %dma_wait3A_240 = arith.constant 0 : i32
    %dma_wait3A_241 = arith.constant 0 : i32
    %dma_wait3A_242 = tpu.memref_slice %arg10[%dma_wait3A_240, %dma_wait3A_241] : memref<3x80xi32, #tpu.memory_space<vmem>> -> memref<1x40xi32, #tpu.memory_space<vmem>>
    %dma_wait3A_243 = tpu.memref_squeeze %dma_wait3A_242 : memref<1x40xi32, #tpu.memory_space<vmem>> -> memref<40xi32, #tpu.memory_space<vmem>>
    %dma_wait3A_244 = tpu.memref_slice %arg5[%add3A_239] : memref<320000xi32, #tpu.memory_space<hbm>> -> memref<40xi32, #tpu.memory_space<hbm>>
    %dma_wait3A_245 = arith.constant 0 : i32
    %dma_wait3A_246 = tpu.memref_slice %arg10[%dma_wait3A_240, %dma_wait3A_245] : memref<3x80xi32, #tpu.memory_space<vmem>> -> memref<1x40xi32, #tpu.memory_space<vmem>>
    %dma_wait3A_247 = tpu.memref_squeeze %dma_wait3A_246 : memref<1x40xi32, #tpu.memory_space<vmem>> -> memref<40xi32, #tpu.memory_space<vmem>>
    %dma_wait3A_248 = tpu.memref_slice %arg5[%add3A_239] : memref<320000xi32, #tpu.memory_space<hbm>> -> memref<40xi32, #tpu.memory_space<hbm>>
    tpu.wait_dma2 semaphore(%arg17 : memref<!tpu.dma_semaphore, #tpu.memory_space<semaphore_mem>>) src(%dma_wait3A_248 : memref<40xi32, #tpu.memory_space<hbm>>) dst(%dma_wait3A_247 : memref<40xi32, #tpu.memory_space<vmem>>)
    %dma_wait3A_249 = arith.constant 0 : i32
    %dma_wait3A_250 = arith.constant 40 : i32
    %dma_wait3A_251 = tpu.memref_slice %arg10[%dma_wait3A_249, %dma_wait3A_250] : memref<3x80xi32, #tpu.memory_space<vmem>> -> memref<1x40xi32, #tpu.memory_space<vmem>>
    %dma_wait3A_252 = tpu.memref_squeeze %dma_wait3A_251 : memref<1x40xi32, #tpu.memory_space<vmem>> -> memref<40xi32, #tpu.memory_space<vmem>>
    %dma_wait3A_253 = tpu.memref_slice %arg4[%add3A_239] : memref<320000xi32, #tpu.memory_space<hbm>> -> memref<40xi32, #tpu.memory_space<hbm>>
    %dma_wait3A_254 = arith.constant 40 : i32
    %dma_wait3A_255 = tpu.memref_slice %arg10[%dma_wait3A_249, %dma_wait3A_254] : memref<3x80xi32, #tpu.memory_space<vmem>> -> memref<1x40xi32, #tpu.memory_space<vmem>>
    %dma_wait3A_256 = tpu.memref_squeeze %dma_wait3A_255 : memref<1x40xi32, #tpu.memory_space<vmem>> -> memref<40xi32, #tpu.memory_space<vmem>>
    %dma_wait3A_257 = tpu.memref_slice %arg4[%add3A_239] : memref<320000xi32, #tpu.memory_space<hbm>> -> memref<40xi32, #tpu.memory_space<hbm>>
    tpu.wait_dma2 semaphore(%arg17 : memref<!tpu.dma_semaphore, #tpu.memory_space<semaphore_mem>>) src(%dma_wait3A_257 : memref<40xi32, #tpu.memory_space<hbm>>) dst(%dma_wait3A_256 : memref<40xi32, #tpu.memory_space<vmem>>)
    %dma_start3A_258 = arith.constant 0 : i32
    %dma_start3A_259 = arith.constant 0 : i32
    %dma_start3A_260 = arith.constant 0 : i32
    %dma_start3A_261 = arith.constant 0 : i32
    %dma_start3A_262 = tpu.memref_slice %arg13[%dma_start3A_258, %dma_start3A_260, %dma_start3A_261] : memref<2x80x128xf32, #tpu.memory_space<vmem>> -> memref<1x80x128xf32, #tpu.memory_space<vmem>>
    %dma_start3A_263 = tpu.memref_squeeze %dma_start3A_262 : memref<1x80x128xf32, #tpu.memory_space<vmem>> -> memref<80x128xf32, #tpu.memory_space<vmem>>
    %dma_start3A_264 = arith.constant 0 : i32
    %dma_start3A_265 = tpu.memref_slice %arg10[%dma_start3A_259, %dma_start3A_264] : memref<3x80xi32, #tpu.memory_space<vmem>> -> memref<1x80xi32, #tpu.memory_space<vmem>>
    %dma_start3A_266 = tpu.memref_squeeze %dma_start3A_265 : memref<1x80xi32, #tpu.memory_space<vmem>> -> memref<80xi32, #tpu.memory_space<vmem>>
    %dma_start3A_267 = arith.constant 0 : i32
    %dma_start3A_268 = arith.constant 0 : i32
    %dma_start3A_269 = tpu.memref_slice %arg8[%dma_start3A_267, %dma_start3A_268] : memref<10000x128xf32, #tpu.memory_space<vmem_shared>> -> memref<10000x128xf32, #tpu.memory_space<vmem_shared>>
    tpu.enqueue_indirect_dma source(%dma_start3A_263 : memref<80x128xf32, #tpu.memory_space<vmem>>) target(%dma_start3A_269 : memref<10000x128xf32, #tpu.memory_space<vmem_shared>>) offsets(%dma_start3A_266 : memref<80xi32, #tpu.memory_space<vmem>>) semaphore(%arg22 : memref<!tpu.dma_semaphore, #tpu.memory_space<semaphore_mem>>) {add = true}
    %mul3A_270 = arith.constant 10000 : i32
    %mul3A_271 = arith.muli %add3A, %mul3A_270 : i32
    %add3A_272 = arith.constant 9880 : i32
    %add3A_273 = arith.addi %mul3A_271, %add3A_272 : i32
    %dma_start3A_274 = arith.constant 1 : i32
    %dma_start3A_275 = arith.constant 0 : i32
    %dma_start3A_276 = tpu.memref_slice %arg10[%dma_start3A_274, %dma_start3A_275] : memref<3x80xi32, #tpu.memory_space<vmem>> -> memref<1x40xi32, #tpu.memory_space<vmem>>
    %dma_start3A_277 = tpu.memref_squeeze %dma_start3A_276 : memref<1x40xi32, #tpu.memory_space<vmem>> -> memref<40xi32, #tpu.memory_space<vmem>>
    %dma_start3A_278 = tpu.memref_slice %arg5[%add3A_273] : memref<320000xi32, #tpu.memory_space<hbm>> -> memref<40xi32, #tpu.memory_space<hbm>>
    %dma_start3A_279 = arith.constant 0 : i32
    %dma_start3A_280 = tpu.memref_slice %arg10[%dma_start3A_274, %dma_start3A_279] : memref<3x80xi32, #tpu.memory_space<vmem>> -> memref<1x40xi32, #tpu.memory_space<vmem>>
    %dma_start3A_281 = tpu.memref_squeeze %dma_start3A_280 : memref<1x40xi32, #tpu.memory_space<vmem>> -> memref<40xi32, #tpu.memory_space<vmem>>
    %dma_start3A_282 = tpu.memref_slice %arg5[%add3A_273] : memref<320000xi32, #tpu.memory_space<hbm>> -> memref<40xi32, #tpu.memory_space<hbm>>
    tpu.enqueue_dma source(%dma_start3A_282 : memref<40xi32, #tpu.memory_space<hbm>>) target(%dma_start3A_281 : memref<40xi32, #tpu.memory_space<vmem>>) target_semaphore(%arg18 : memref<!tpu.dma_semaphore, #tpu.memory_space<semaphore_mem>>)
    %dma_start3A_283 = arith.constant 1 : i32
    %dma_start3A_284 = arith.constant 40 : i32
    %dma_start3A_285 = tpu.memref_slice %arg10[%dma_start3A_283, %dma_start3A_284] : memref<3x80xi32, #tpu.memory_space<vmem>> -> memref<1x40xi32, #tpu.memory_space<vmem>>
    %dma_start3A_286 = tpu.memref_squeeze %dma_start3A_285 : memref<1x40xi32, #tpu.memory_space<vmem>> -> memref<40xi32, #tpu.memory_space<vmem>>
    %dma_start3A_287 = tpu.memref_slice %arg4[%add3A_273] : memref<320000xi32, #tpu.memory_space<hbm>> -> memref<40xi32, #tpu.memory_space<hbm>>
    %dma_start3A_288 = arith.constant 40 : i32
    %dma_start3A_289 = tpu.memref_slice %arg10[%dma_start3A_283, %dma_start3A_288] : memref<3x80xi32, #tpu.memory_space<vmem>> -> memref<1x40xi32, #tpu.memory_space<vmem>>
    %dma_start3A_290 = tpu.memref_squeeze %dma_start3A_289 : memref<1x40xi32, #tpu.memory_space<vmem>> -> memref<40xi32, #tpu.memory_space<vmem>>
    %dma_start3A_291 = tpu.memref_slice %arg4[%add3A_273] : memref<320000xi32, #tpu.memory_space<hbm>> -> memref<40xi32, #tpu.memory_space<hbm>>
    tpu.enqueue_dma source(%dma_start3A_291 : memref<40xi32, #tpu.memory_space<hbm>>) target(%dma_start3A_290 : memref<40xi32, #tpu.memory_space<vmem>>) target_semaphore(%arg18 : memref<!tpu.dma_semaphore, #tpu.memory_space<semaphore_mem>>)
    %dma_wait3A_292 = arith.constant 1 : i32
    %dma_wait3A_293 = arith.constant 1 : i32
    %dma_wait3A_294 = arith.constant 0 : i32
    %dma_wait3A_295 = arith.constant 0 : i32
    %dma_wait3A_296 = tpu.memref_slice %arg13[%dma_wait3A_292, %dma_wait3A_294, %dma_wait3A_295] : memref<2x80x128xf32, #tpu.memory_space<vmem>> -> memref<1x80x128xf32, #tpu.memory_space<vmem>>
    %dma_wait3A_297 = tpu.memref_squeeze %dma_wait3A_296 : memref<1x80x128xf32, #tpu.memory_space<vmem>> -> memref<80x128xf32, #tpu.memory_space<vmem>>
    %dma_wait3A_298 = arith.constant 0 : i32
    %dma_wait3A_299 = tpu.memref_slice %arg10[%dma_wait3A_293, %dma_wait3A_298] : memref<3x80xi32, #tpu.memory_space<vmem>> -> memref<1x80xi32, #tpu.memory_space<vmem>>
    %dma_wait3A_300 = tpu.memref_squeeze %dma_wait3A_299 : memref<1x80xi32, #tpu.memory_space<vmem>> -> memref<80xi32, #tpu.memory_space<vmem>>
    %dma_wait3A_301 = arith.constant 0 : i32
    %dma_wait3A_302 = arith.constant 0 : i32
    %dma_wait3A_303 = tpu.memref_slice %arg8[%dma_wait3A_301, %dma_wait3A_302] : memref<10000x128xf32, #tpu.memory_space<vmem_shared>> -> memref<10000x128xf32, #tpu.memory_space<vmem_shared>>
    tpu.wait_indirect_dma semaphore(%arg23 : memref<!tpu.dma_semaphore, #tpu.memory_space<semaphore_mem>>) src(%dma_wait3A_297 : memref<80x128xf32, #tpu.memory_space<vmem>>) dst(%dma_wait3A_303 : memref<10000x128xf32, #tpu.memory_space<vmem_shared>>)
    %mul3A_304 = arith.constant 10000 : i32
    %mul3A_305 = arith.muli %add3A, %mul3A_304 : i32
    %add3A_306 = arith.constant 9960 : i32
    %add3A_307 = arith.addi %mul3A_305, %add3A_306 : i32
    %dma_start3A_308 = arith.constant 0 : i32
    %dma_start3A_309 = arith.constant 0 : i32
    %dma_start3A_310 = tpu.memref_slice %arg9[%dma_start3A_308, %dma_start3A_309] : memref<3x80xi32, #tpu.memory_space<vmem>> -> memref<1x40xi32, #tpu.memory_space<vmem>>
    %dma_start3A_311 = tpu.memref_squeeze %dma_start3A_310 : memref<1x40xi32, #tpu.memory_space<vmem>> -> memref<40xi32, #tpu.memory_space<vmem>>
    %dma_start3A_312 = tpu.memref_slice %arg4[%add3A_307] : memref<320000xi32, #tpu.memory_space<hbm>> -> memref<40xi32, #tpu.memory_space<hbm>>
    %dma_start3A_313 = arith.constant 0 : i32
    %dma_start3A_314 = tpu.memref_slice %arg9[%dma_start3A_308, %dma_start3A_313] : memref<3x80xi32, #tpu.memory_space<vmem>> -> memref<1x40xi32, #tpu.memory_space<vmem>>
    %dma_start3A_315 = tpu.memref_squeeze %dma_start3A_314 : memref<1x40xi32, #tpu.memory_space<vmem>> -> memref<40xi32, #tpu.memory_space<vmem>>
    %dma_start3A_316 = tpu.memref_slice %arg4[%add3A_307] : memref<320000xi32, #tpu.memory_space<hbm>> -> memref<40xi32, #tpu.memory_space<hbm>>
    tpu.enqueue_dma source(%dma_start3A_316 : memref<40xi32, #tpu.memory_space<hbm>>) target(%dma_start3A_315 : memref<40xi32, #tpu.memory_space<vmem>>) target_semaphore(%arg14 : memref<!tpu.dma_semaphore, #tpu.memory_space<semaphore_mem>>)
    %dma_start3A_317 = arith.constant 0 : i32
    %dma_start3A_318 = arith.constant 40 : i32
    %dma_start3A_319 = tpu.memref_slice %arg9[%dma_start3A_317, %dma_start3A_318] : memref<3x80xi32, #tpu.memory_space<vmem>> -> memref<1x40xi32, #tpu.memory_space<vmem>>
    %dma_start3A_320 = tpu.memref_squeeze %dma_start3A_319 : memref<1x40xi32, #tpu.memory_space<vmem>> -> memref<40xi32, #tpu.memory_space<vmem>>
    %dma_start3A_321 = tpu.memref_slice %arg5[%add3A_307] : memref<320000xi32, #tpu.memory_space<hbm>> -> memref<40xi32, #tpu.memory_space<hbm>>
    %dma_start3A_322 = arith.constant 40 : i32
    %dma_start3A_323 = tpu.memref_slice %arg9[%dma_start3A_317, %dma_start3A_322] : memref<3x80xi32, #tpu.memory_space<vmem>> -> memref<1x40xi32, #tpu.memory_space<vmem>>
    %dma_start3A_324 = tpu.memref_squeeze %dma_start3A_323 : memref<1x40xi32, #tpu.memory_space<vmem>> -> memref<40xi32, #tpu.memory_space<vmem>>
    %dma_start3A_325 = tpu.memref_slice %arg5[%add3A_307] : memref<320000xi32, #tpu.memory_space<hbm>> -> memref<40xi32, #tpu.memory_space<hbm>>
    tpu.enqueue_dma source(%dma_start3A_325 : memref<40xi32, #tpu.memory_space<hbm>>) target(%dma_start3A_324 : memref<40xi32, #tpu.memory_space<vmem>>) target_semaphore(%arg14 : memref<!tpu.dma_semaphore, #tpu.memory_space<semaphore_mem>>)
    %mul3A_326 = arith.constant 10000 : i32
    %mul3A_327 = arith.muli %add3A, %mul3A_326 : i32
    %add3A_328 = arith.constant 9920 : i32
    %add3A_329 = arith.addi %mul3A_327, %add3A_328 : i32
    %dma_wait3A_330 = arith.constant 2 : i32
    %dma_wait3A_331 = arith.constant 0 : i32
    %dma_wait3A_332 = tpu.memref_slice %arg9[%dma_wait3A_330, %dma_wait3A_331] : memref<3x80xi32, #tpu.memory_space<vmem>> -> memref<1x40xi32, #tpu.memory_space<vmem>>
    %dma_wait3A_333 = tpu.memref_squeeze %dma_wait3A_332 : memref<1x40xi32, #tpu.memory_space<vmem>> -> memref<40xi32, #tpu.memory_space<vmem>>
    %dma_wait3A_334 = tpu.memref_slice %arg4[%add3A_329] : memref<320000xi32, #tpu.memory_space<hbm>> -> memref<40xi32, #tpu.memory_space<hbm>>
    %dma_wait3A_335 = arith.constant 0 : i32
    %dma_wait3A_336 = tpu.memref_slice %arg9[%dma_wait3A_330, %dma_wait3A_335] : memref<3x80xi32, #tpu.memory_space<vmem>> -> memref<1x40xi32, #tpu.memory_space<vmem>>
    %dma_wait3A_337 = tpu.memref_squeeze %dma_wait3A_336 : memref<1x40xi32, #tpu.memory_space<vmem>> -> memref<40xi32, #tpu.memory_space<vmem>>
    %dma_wait3A_338 = tpu.memref_slice %arg4[%add3A_329] : memref<320000xi32, #tpu.memory_space<hbm>> -> memref<40xi32, #tpu.memory_space<hbm>>
    tpu.wait_dma2 semaphore(%arg16 : memref<!tpu.dma_semaphore, #tpu.memory_space<semaphore_mem>>) src(%dma_wait3A_338 : memref<40xi32, #tpu.memory_space<hbm>>) dst(%dma_wait3A_337 : memref<40xi32, #tpu.memory_space<vmem>>)
    %dma_wait3A_339 = arith.constant 2 : i32
    %dma_wait3A_340 = arith.constant 40 : i32
    %dma_wait3A_341 = tpu.memref_slice %arg9[%dma_wait3A_339, %dma_wait3A_340] : memref<3x80xi32, #tpu.memory_space<vmem>> -> memref<1x40xi32, #tpu.memory_space<vmem>>
    %dma_wait3A_342 = tpu.memref_squeeze %dma_wait3A_341 : memref<1x40xi32, #tpu.memory_space<vmem>> -> memref<40xi32, #tpu.memory_space<vmem>>
    %dma_wait3A_343 = tpu.memref_slice %arg5[%add3A_329] : memref<320000xi32, #tpu.memory_space<hbm>> -> memref<40xi32, #tpu.memory_space<hbm>>
    %dma_wait3A_344 = arith.constant 40 : i32
    %dma_wait3A_345 = tpu.memref_slice %arg9[%dma_wait3A_339, %dma_wait3A_344] : memref<3x80xi32, #tpu.memory_space<vmem>> -> memref<1x40xi32, #tpu.memory_space<vmem>>
    %dma_wait3A_346 = tpu.memref_squeeze %dma_wait3A_345 : memref<1x40xi32, #tpu.memory_space<vmem>> -> memref<40xi32, #tpu.memory_space<vmem>>
    %dma_wait3A_347 = tpu.memref_slice %arg5[%add3A_329] : memref<320000xi32, #tpu.memory_space<hbm>> -> memref<40xi32, #tpu.memory_space<hbm>>
    tpu.wait_dma2 semaphore(%arg16 : memref<!tpu.dma_semaphore, #tpu.memory_space<semaphore_mem>>) src(%dma_wait3A_347 : memref<40xi32, #tpu.memory_space<hbm>>) dst(%dma_wait3A_346 : memref<40xi32, #tpu.memory_space<vmem>>)
    %mul3A_348 = arith.constant 10000 : i32
    %mul3A_349 = arith.muli %add3A, %mul3A_348 : i32
    %add3A_350 = arith.constant 9920 : i32
    %add3A_351 = arith.addi %mul3A_349, %add3A_350 : i32
    %dma_start3A_352 = arith.constant 0 : i32
    %dma_start3A_353 = arith.constant 0 : i32
    %dma_start3A_354 = arith.constant 0 : i32
    %dma_start3A_355 = tpu.memref_slice %arg11[%dma_start3A_352, %dma_start3A_353, %dma_start3A_354] : memref<2x40x128xf32, #tpu.memory_space<vmem>> -> memref<1x40x128xf32, #tpu.memory_space<vmem>>
    %dma_start3A_356 = tpu.memref_squeeze %dma_start3A_355 : memref<1x40x128xf32, #tpu.memory_space<vmem>> -> memref<40x128xf32, #tpu.memory_space<vmem>>
    %dma_start3A_357 = arith.constant 0 : i32
    %dma_start3A_358 = tpu.memref_slice %arg3[%add3A_351, %dma_start3A_357] : memref<320000x128xf32, #tpu.memory_space<hbm>> -> memref<40x128xf32, #tpu.memory_space<hbm>>
    %dma_start3A_359 = arith.constant 0 : i32
    %dma_start3A_360 = arith.constant 0 : i32
    %dma_start3A_361 = tpu.memref_slice %arg11[%dma_start3A_352, %dma_start3A_359, %dma_start3A_360] : memref<2x40x128xf32, #tpu.memory_space<vmem>> -> memref<1x40x128xf32, #tpu.memory_space<vmem>>
    %dma_start3A_362 = tpu.memref_squeeze %dma_start3A_361 : memref<1x40x128xf32, #tpu.memory_space<vmem>> -> memref<40x128xf32, #tpu.memory_space<vmem>>
    %dma_start3A_363 = arith.constant 0 : i32
    %dma_start3A_364 = tpu.memref_slice %arg3[%add3A_351, %dma_start3A_363] : memref<320000x128xf32, #tpu.memory_space<hbm>> -> memref<40x128xf32, #tpu.memory_space<hbm>>
    tpu.enqueue_dma source(%dma_start3A_364 : memref<40x128xf32, #tpu.memory_space<hbm>>) target(%dma_start3A_362 : memref<40x128xf32, #tpu.memory_space<vmem>>) target_semaphore(%arg20 : memref<!tpu.dma_semaphore, #tpu.memory_space<semaphore_mem>>)
    %dma_start3A_365 = arith.constant 2 : i32
    %dma_start3A_366 = arith.constant 0 : i32
    %dma_start3A_367 = arith.constant 0 : i32
    %dma_start3A_368 = arith.constant 0 : i32
    %dma_start3A_369 = tpu.memref_slice %arg12[%dma_start3A_366, %dma_start3A_367, %dma_start3A_368] : memref<2x80x64xi32, #tpu.memory_space<vmem>> -> memref<1x80x64xi32, #tpu.memory_space<vmem>>
    %dma_start3A_370 = tpu.memref_squeeze %dma_start3A_369 : memref<1x80x64xi32, #tpu.memory_space<vmem>> -> memref<80x64xi32, #tpu.memory_space<vmem>>
    %dma_start3A_371 = arith.constant 0 : i32
    %dma_start3A_372 = tpu.memref_slice %arg9[%dma_start3A_365, %dma_start3A_371] : memref<3x80xi32, #tpu.memory_space<vmem>> -> memref<1x80xi32, #tpu.memory_space<vmem>>
    %dma_start3A_373 = tpu.memref_squeeze %dma_start3A_372 : memref<1x80xi32, #tpu.memory_space<vmem>> -> memref<80xi32, #tpu.memory_space<vmem>>
    %dma_start3A_374 = arith.constant 0 : i32
    %dma_start3A_375 = arith.constant 0 : i32
    %dma_start3A_376 = tpu.memref_slice %arg2[%dma_start3A_374, %dma_start3A_375] : memref<10000x64xi32, #tpu.memory_space<hbm>> -> memref<10000x64xi32, #tpu.memory_space<hbm>>
    tpu.enqueue_indirect_dma source(%dma_start3A_376 : memref<10000x64xi32, #tpu.memory_space<hbm>>) target(%dma_start3A_370 : memref<80x64xi32, #tpu.memory_space<vmem>>) offsets(%dma_start3A_373 : memref<80xi32, #tpu.memory_space<vmem>>) semaphore(%arg20 : memref<!tpu.dma_semaphore, #tpu.memory_space<semaphore_mem>>)
    %mul3A_377 = arith.constant 10000 : i32
    %mul3A_378 = arith.muli %add3A, %mul3A_377 : i32
    %add3A_379 = arith.constant 9880 : i32
    %add3A_380 = arith.addi %mul3A_378, %add3A_379 : i32
    %dma_wait3A_381 = arith.constant 1 : i32
    %dma_wait3A_382 = arith.constant 0 : i32
    %dma_wait3A_383 = arith.constant 0 : i32
    %dma_wait3A_384 = tpu.memref_slice %arg11[%dma_wait3A_381, %dma_wait3A_382, %dma_wait3A_383] : memref<2x40x128xf32, #tpu.memory_space<vmem>> -> memref<1x40x128xf32, #tpu.memory_space<vmem>>
    %dma_wait3A_385 = tpu.memref_squeeze %dma_wait3A_384 : memref<1x40x128xf32, #tpu.memory_space<vmem>> -> memref<40x128xf32, #tpu.memory_space<vmem>>
    %dma_wait3A_386 = arith.constant 0 : i32
    %dma_wait3A_387 = tpu.memref_slice %arg3[%add3A_380, %dma_wait3A_386] : memref<320000x128xf32, #tpu.memory_space<hbm>> -> memref<40x128xf32, #tpu.memory_space<hbm>>
    %dma_wait3A_388 = arith.constant 0 : i32
    %dma_wait3A_389 = arith.constant 0 : i32
    %dma_wait3A_390 = tpu.memref_slice %arg11[%dma_wait3A_381, %dma_wait3A_388, %dma_wait3A_389] : memref<2x40x128xf32, #tpu.memory_space<vmem>> -> memref<1x40x128xf32, #tpu.memory_space<vmem>>
    %dma_wait3A_391 = tpu.memref_squeeze %dma_wait3A_390 : memref<1x40x128xf32, #tpu.memory_space<vmem>> -> memref<40x128xf32, #tpu.memory_space<vmem>>
    %dma_wait3A_392 = arith.constant 0 : i32
    %dma_wait3A_393 = tpu.memref_slice %arg3[%add3A_380, %dma_wait3A_392] : memref<320000x128xf32, #tpu.memory_space<hbm>> -> memref<40x128xf32, #tpu.memory_space<hbm>>
    tpu.wait_dma2 semaphore(%arg21 : memref<!tpu.dma_semaphore, #tpu.memory_space<semaphore_mem>>) src(%dma_wait3A_393 : memref<40x128xf32, #tpu.memory_space<hbm>>) dst(%dma_wait3A_391 : memref<40x128xf32, #tpu.memory_space<vmem>>)
    %dma_wait3A_394 = arith.constant 1 : i32
    %dma_wait3A_395 = arith.constant 1 : i32
    %dma_wait3A_396 = arith.constant 0 : i32
    %dma_wait3A_397 = arith.constant 0 : i32
    %dma_wait3A_398 = tpu.memref_slice %arg12[%dma_wait3A_395, %dma_wait3A_396, %dma_wait3A_397] : memref<2x80x64xi32, #tpu.memory_space<vmem>> -> memref<1x80x64xi32, #tpu.memory_space<vmem>>
    %dma_wait3A_399 = tpu.memref_squeeze %dma_wait3A_398 : memref<1x80x64xi32, #tpu.memory_space<vmem>> -> memref<80x64xi32, #tpu.memory_space<vmem>>
    %dma_wait3A_400 = arith.constant 0 : i32
    %dma_wait3A_401 = tpu.memref_slice %arg9[%dma_wait3A_394, %dma_wait3A_400] : memref<3x80xi32, #tpu.memory_space<vmem>> -> memref<1x80xi32, #tpu.memory_space<vmem>>
    %dma_wait3A_402 = tpu.memref_squeeze %dma_wait3A_401 : memref<1x80xi32, #tpu.memory_space<vmem>> -> memref<80xi32, #tpu.memory_space<vmem>>
    %dma_wait3A_403 = arith.constant 0 : i32
    %dma_wait3A_404 = arith.constant 0 : i32
    %dma_wait3A_405 = tpu.memref_slice %arg2[%dma_wait3A_403, %dma_wait3A_404] : memref<10000x64xi32, #tpu.memory_space<hbm>> -> memref<10000x64xi32, #tpu.memory_space<hbm>>
    tpu.wait_indirect_dma semaphore(%arg21 : memref<!tpu.dma_semaphore, #tpu.memory_space<semaphore_mem>>) src(%dma_wait3A_405 : memref<10000x64xi32, #tpu.memory_space<hbm>>) dst(%dma_wait3A_399 : memref<80x64xi32, #tpu.memory_space<vmem>>)
    %mul3A_406 = arith.constant 10000 : i32
    %mul3A_407 = arith.muli %add3A, %mul3A_406 : i32
    %add3A_408 = arith.constant 9880 : i32
    %add3A_409 = arith.addi %mul3A_407, %add3A_408 : i32
    %dma_wait3A_410 = arith.constant 1 : i32
    %dma_wait3A_411 = arith.constant 0 : i32
    %dma_wait3A_412 = tpu.memref_slice %arg10[%dma_wait3A_410, %dma_wait3A_411] : memref<3x80xi32, #tpu.memory_space<vmem>> -> memref<1x40xi32, #tpu.memory_space<vmem>>
    %dma_wait3A_413 = tpu.memref_squeeze %dma_wait3A_412 : memref<1x40xi32, #tpu.memory_space<vmem>> -> memref<40xi32, #tpu.memory_space<vmem>>
    %dma_wait3A_414 = tpu.memref_slice %arg5[%add3A_409] : memref<320000xi32, #tpu.memory_space<hbm>> -> memref<40xi32, #tpu.memory_space<hbm>>
    %dma_wait3A_415 = arith.constant 0 : i32
    %dma_wait3A_416 = tpu.memref_slice %arg10[%dma_wait3A_410, %dma_wait3A_415] : memref<3x80xi32, #tpu.memory_space<vmem>> -> memref<1x40xi32, #tpu.memory_space<vmem>>
    %dma_wait3A_417 = tpu.memref_squeeze %dma_wait3A_416 : memref<1x40xi32, #tpu.memory_space<vmem>> -> memref<40xi32, #tpu.memory_space<vmem>>
    %dma_wait3A_418 = tpu.memref_slice %arg5[%add3A_409] : memref<320000xi32, #tpu.memory_space<hbm>> -> memref<40xi32, #tpu.memory_space<hbm>>
    tpu.wait_dma2 semaphore(%arg18 : memref<!tpu.dma_semaphore, #tpu.memory_space<semaphore_mem>>) src(%dma_wait3A_418 : memref<40xi32, #tpu.memory_space<hbm>>) dst(%dma_wait3A_417 : memref<40xi32, #tpu.memory_space<vmem>>)
    %dma_wait3A_419 = arith.constant 1 : i32
    %dma_wait3A_420 = arith.constant 40 : i32
    %dma_wait3A_421 = tpu.memref_slice %arg10[%dma_wait3A_419, %dma_wait3A_420] : memref<3x80xi32, #tpu.memory_space<vmem>> -> memref<1x40xi32, #tpu.memory_space<vmem>>
    %dma_wait3A_422 = tpu.memref_squeeze %dma_wait3A_421 : memref<1x40xi32, #tpu.memory_space<vmem>> -> memref<40xi32, #tpu.memory_space<vmem>>
    %dma_wait3A_423 = tpu.memref_slice %arg4[%add3A_409] : memref<320000xi32, #tpu.memory_space<hbm>> -> memref<40xi32, #tpu.memory_space<hbm>>
    %dma_wait3A_424 = arith.constant 40 : i32
    %dma_wait3A_425 = tpu.memref_slice %arg10[%dma_wait3A_419, %dma_wait3A_424] : memref<3x80xi32, #tpu.memory_space<vmem>> -> memref<1x40xi32, #tpu.memory_space<vmem>>
    %dma_wait3A_426 = tpu.memref_squeeze %dma_wait3A_425 : memref<1x40xi32, #tpu.memory_space<vmem>> -> memref<40xi32, #tpu.memory_space<vmem>>
    %dma_wait3A_427 = tpu.memref_slice %arg4[%add3A_409] : memref<320000xi32, #tpu.memory_space<hbm>> -> memref<40xi32, #tpu.memory_space<hbm>>
    tpu.wait_dma2 semaphore(%arg18 : memref<!tpu.dma_semaphore, #tpu.memory_space<semaphore_mem>>) src(%dma_wait3A_427 : memref<40xi32, #tpu.memory_space<hbm>>) dst(%dma_wait3A_426 : memref<40xi32, #tpu.memory_space<vmem>>)
    %dma_start3A_428 = arith.constant 1 : i32
    %dma_start3A_429 = arith.constant 1 : i32
    %dma_start3A_430 = arith.constant 0 : i32
    %dma_start3A_431 = arith.constant 0 : i32
    %dma_start3A_432 = tpu.memref_slice %arg13[%dma_start3A_428, %dma_start3A_430, %dma_start3A_431] : memref<2x80x128xf32, #tpu.memory_space<vmem>> -> memref<1x80x128xf32, #tpu.memory_space<vmem>>
    %dma_start3A_433 = tpu.memref_squeeze %dma_start3A_432 : memref<1x80x128xf32, #tpu.memory_space<vmem>> -> memref<80x128xf32, #tpu.memory_space<vmem>>
    %dma_start3A_434 = arith.constant 0 : i32
    %dma_start3A_435 = tpu.memref_slice %arg10[%dma_start3A_429, %dma_start3A_434] : memref<3x80xi32, #tpu.memory_space<vmem>> -> memref<1x80xi32, #tpu.memory_space<vmem>>
    %dma_start3A_436 = tpu.memref_squeeze %dma_start3A_435 : memref<1x80xi32, #tpu.memory_space<vmem>> -> memref<80xi32, #tpu.memory_space<vmem>>
    %dma_start3A_437 = arith.constant 0 : i32
    %dma_start3A_438 = arith.constant 0 : i32
    %dma_start3A_439 = tpu.memref_slice %arg8[%dma_start3A_437, %dma_start3A_438] : memref<10000x128xf32, #tpu.memory_space<vmem_shared>> -> memref<10000x128xf32, #tpu.memory_space<vmem_shared>>
    tpu.enqueue_indirect_dma source(%dma_start3A_433 : memref<80x128xf32, #tpu.memory_space<vmem>>) target(%dma_start3A_439 : memref<10000x128xf32, #tpu.memory_space<vmem_shared>>) offsets(%dma_start3A_436 : memref<80xi32, #tpu.memory_space<vmem>>) semaphore(%arg23 : memref<!tpu.dma_semaphore, #tpu.memory_space<semaphore_mem>>) {add = true}
    %mul3A_440 = arith.constant 10000 : i32
    %mul3A_441 = arith.muli %add3A, %mul3A_440 : i32
    %add3A_442 = arith.constant 9920 : i32
    %add3A_443 = arith.addi %mul3A_441, %add3A_442 : i32
    %dma_start3A_444 = arith.constant 2 : i32
    %dma_start3A_445 = arith.constant 0 : i32
    %dma_start3A_446 = tpu.memref_slice %arg10[%dma_start3A_444, %dma_start3A_445] : memref<3x80xi32, #tpu.memory_space<vmem>> -> memref<1x40xi32, #tpu.memory_space<vmem>>
    %dma_start3A_447 = tpu.memref_squeeze %dma_start3A_446 : memref<1x40xi32, #tpu.memory_space<vmem>> -> memref<40xi32, #tpu.memory_space<vmem>>
    %dma_start3A_448 = tpu.memref_slice %arg5[%add3A_443] : memref<320000xi32, #tpu.memory_space<hbm>> -> memref<40xi32, #tpu.memory_space<hbm>>
    %dma_start3A_449 = arith.constant 0 : i32
    %dma_start3A_450 = tpu.memref_slice %arg10[%dma_start3A_444, %dma_start3A_449] : memref<3x80xi32, #tpu.memory_space<vmem>> -> memref<1x40xi32, #tpu.memory_space<vmem>>
    %dma_start3A_451 = tpu.memref_squeeze %dma_start3A_450 : memref<1x40xi32, #tpu.memory_space<vmem>> -> memref<40xi32, #tpu.memory_space<vmem>>
    %dma_start3A_452 = tpu.memref_slice %arg5[%add3A_443] : memref<320000xi32, #tpu.memory_space<hbm>> -> memref<40xi32, #tpu.memory_space<hbm>>
    tpu.enqueue_dma source(%dma_start3A_452 : memref<40xi32, #tpu.memory_space<hbm>>) target(%dma_start3A_451 : memref<40xi32, #tpu.memory_space<vmem>>) target_semaphore(%arg19 : memref<!tpu.dma_semaphore, #tpu.memory_space<semaphore_mem>>)
    %dma_start3A_453 = arith.constant 2 : i32
    %dma_start3A_454 = arith.constant 40 : i32
    %dma_start3A_455 = tpu.memref_slice %arg10[%dma_start3A_453, %dma_start3A_454] : memref<3x80xi32, #tpu.memory_space<vmem>> -> memref<1x40xi32, #tpu.memory_space<vmem>>
    %dma_start3A_456 = tpu.memref_squeeze %dma_start3A_455 : memref<1x40xi32, #tpu.memory_space<vmem>> -> memref<40xi32, #tpu.memory_space<vmem>>
    %dma_start3A_457 = tpu.memref_slice %arg4[%add3A_443] : memref<320000xi32, #tpu.memory_space<hbm>> -> memref<40xi32, #tpu.memory_space<hbm>>
    %dma_start3A_458 = arith.constant 40 : i32
    %dma_start3A_459 = tpu.memref_slice %arg10[%dma_start3A_453, %dma_start3A_458] : memref<3x80xi32, #tpu.memory_space<vmem>> -> memref<1x40xi32, #tpu.memory_space<vmem>>
    %dma_start3A_460 = tpu.memref_squeeze %dma_start3A_459 : memref<1x40xi32, #tpu.memory_space<vmem>> -> memref<40xi32, #tpu.memory_space<vmem>>
    %dma_start3A_461 = tpu.memref_slice %arg4[%add3A_443] : memref<320000xi32, #tpu.memory_space<hbm>> -> memref<40xi32, #tpu.memory_space<hbm>>
    tpu.enqueue_dma source(%dma_start3A_461 : memref<40xi32, #tpu.memory_space<hbm>>) target(%dma_start3A_460 : memref<40xi32, #tpu.memory_space<vmem>>) target_semaphore(%arg19 : memref<!tpu.dma_semaphore, #tpu.memory_space<semaphore_mem>>)
    %dma_wait3A_462 = arith.constant 0 : i32
    %dma_wait3A_463 = arith.constant 2 : i32
    %dma_wait3A_464 = arith.constant 0 : i32
    %dma_wait3A_465 = arith.constant 0 : i32
    %dma_wait3A_466 = tpu.memref_slice %arg13[%dma_wait3A_462, %dma_wait3A_464, %dma_wait3A_465] : memref<2x80x128xf32, #tpu.memory_space<vmem>> -> memref<1x80x128xf32, #tpu.memory_space<vmem>>
    %dma_wait3A_467 = tpu.memref_squeeze %dma_wait3A_466 : memref<1x80x128xf32, #tpu.memory_space<vmem>> -> memref<80x128xf32, #tpu.memory_space<vmem>>
    %dma_wait3A_468 = arith.constant 0 : i32
    %dma_wait3A_469 = tpu.memref_slice %arg10[%dma_wait3A_463, %dma_wait3A_468] : memref<3x80xi32, #tpu.memory_space<vmem>> -> memref<1x80xi32, #tpu.memory_space<vmem>>
    %dma_wait3A_470 = tpu.memref_squeeze %dma_wait3A_469 : memref<1x80xi32, #tpu.memory_space<vmem>> -> memref<80xi32, #tpu.memory_space<vmem>>
    %dma_wait3A_471 = arith.constant 0 : i32
    %dma_wait3A_472 = arith.constant 0 : i32
    %dma_wait3A_473 = tpu.memref_slice %arg8[%dma_wait3A_471, %dma_wait3A_472] : memref<10000x128xf32, #tpu.memory_space<vmem_shared>> -> memref<10000x128xf32, #tpu.memory_space<vmem_shared>>
    tpu.wait_indirect_dma semaphore(%arg22 : memref<!tpu.dma_semaphore, #tpu.memory_space<semaphore_mem>>) src(%dma_wait3A_467 : memref<80x128xf32, #tpu.memory_space<vmem>>) dst(%dma_wait3A_473 : memref<10000x128xf32, #tpu.memory_space<vmem_shared>>)
    %mul3A_474 = arith.constant 10000 : i32
    %mul3A_475 = arith.muli %add3A, %mul3A_474 : i32
    %add3A_476 = arith.constant 9960 : i32
    %add3A_477 = arith.addi %mul3A_475, %add3A_476 : i32
    %dma_wait3A_478 = arith.constant 0 : i32
    %dma_wait3A_479 = arith.constant 0 : i32
    %dma_wait3A_480 = tpu.memref_slice %arg9[%dma_wait3A_478, %dma_wait3A_479] : memref<3x80xi32, #tpu.memory_space<vmem>> -> memref<1x40xi32, #tpu.memory_space<vmem>>
    %dma_wait3A_481 = tpu.memref_squeeze %dma_wait3A_480 : memref<1x40xi32, #tpu.memory_space<vmem>> -> memref<40xi32, #tpu.memory_space<vmem>>
    %dma_wait3A_482 = tpu.memref_slice %arg4[%add3A_477] : memref<320000xi32, #tpu.memory_space<hbm>> -> memref<40xi32, #tpu.memory_space<hbm>>
    %dma_wait3A_483 = arith.constant 0 : i32
    %dma_wait3A_484 = tpu.memref_slice %arg9[%dma_wait3A_478, %dma_wait3A_483] : memref<3x80xi32, #tpu.memory_space<vmem>> -> memref<1x40xi32, #tpu.memory_space<vmem>>
    %dma_wait3A_485 = tpu.memref_squeeze %dma_wait3A_484 : memref<1x40xi32, #tpu.memory_space<vmem>> -> memref<40xi32, #tpu.memory_space<vmem>>
    %dma_wait3A_486 = tpu.memref_slice %arg4[%add3A_477] : memref<320000xi32, #tpu.memory_space<hbm>> -> memref<40xi32, #tpu.memory_space<hbm>>
    tpu.wait_dma2 semaphore(%arg14 : memref<!tpu.dma_semaphore, #tpu.memory_space<semaphore_mem>>) src(%dma_wait3A_486 : memref<40xi32, #tpu.memory_space<hbm>>) dst(%dma_wait3A_485 : memref<40xi32, #tpu.memory_space<vmem>>)
    %dma_wait3A_487 = arith.constant 0 : i32
    %dma_wait3A_488 = arith.constant 40 : i32
    %dma_wait3A_489 = tpu.memref_slice %arg9[%dma_wait3A_487, %dma_wait3A_488] : memref<3x80xi32, #tpu.memory_space<vmem>> -> memref<1x40xi32, #tpu.memory_space<vmem>>
    %dma_wait3A_490 = tpu.memref_squeeze %dma_wait3A_489 : memref<1x40xi32, #tpu.memory_space<vmem>> -> memref<40xi32, #tpu.memory_space<vmem>>
    %dma_wait3A_491 = tpu.memref_slice %arg5[%add3A_477] : memref<320000xi32, #tpu.memory_space<hbm>> -> memref<40xi32, #tpu.memory_space<hbm>>
    %dma_wait3A_492 = arith.constant 40 : i32
    %dma_wait3A_493 = tpu.memref_slice %arg9[%dma_wait3A_487, %dma_wait3A_492] : memref<3x80xi32, #tpu.memory_space<vmem>> -> memref<1x40xi32, #tpu.memory_space<vmem>>
    %dma_wait3A_494 = tpu.memref_squeeze %dma_wait3A_493 : memref<1x40xi32, #tpu.memory_space<vmem>> -> memref<40xi32, #tpu.memory_space<vmem>>
    %dma_wait3A_495 = tpu.memref_slice %arg5[%add3A_477] : memref<320000xi32, #tpu.memory_space<hbm>> -> memref<40xi32, #tpu.memory_space<hbm>>
    tpu.wait_dma2 semaphore(%arg14 : memref<!tpu.dma_semaphore, #tpu.memory_space<semaphore_mem>>) src(%dma_wait3A_495 : memref<40xi32, #tpu.memory_space<hbm>>) dst(%dma_wait3A_494 : memref<40xi32, #tpu.memory_space<vmem>>)
    %mul3A_496 = arith.constant 10000 : i32
    %mul3A_497 = arith.muli %add3A, %mul3A_496 : i32
    %add3A_498 = arith.constant 9960 : i32
    %add3A_499 = arith.addi %mul3A_497, %add3A_498 : i32
    %dma_start3A_500 = arith.constant 1 : i32
    %dma_start3A_501 = arith.constant 0 : i32
    %dma_start3A_502 = arith.constant 0 : i32
    %dma_start3A_503 = tpu.memref_slice %arg11[%dma_start3A_500, %dma_start3A_501, %dma_start3A_502] : memref<2x40x128xf32, #tpu.memory_space<vmem>> -> memref<1x40x128xf32, #tpu.memory_space<vmem>>
    %dma_start3A_504 = tpu.memref_squeeze %dma_start3A_503 : memref<1x40x128xf32, #tpu.memory_space<vmem>> -> memref<40x128xf32, #tpu.memory_space<vmem>>
    %dma_start3A_505 = arith.constant 0 : i32
    %dma_start3A_506 = tpu.memref_slice %arg3[%add3A_499, %dma_start3A_505] : memref<320000x128xf32, #tpu.memory_space<hbm>> -> memref<40x128xf32, #tpu.memory_space<hbm>>
    %dma_start3A_507 = arith.constant 0 : i32
    %dma_start3A_508 = arith.constant 0 : i32
    %dma_start3A_509 = tpu.memref_slice %arg11[%dma_start3A_500, %dma_start3A_507, %dma_start3A_508] : memref<2x40x128xf32, #tpu.memory_space<vmem>> -> memref<1x40x128xf32, #tpu.memory_space<vmem>>
    %dma_start3A_510 = tpu.memref_squeeze %dma_start3A_509 : memref<1x40x128xf32, #tpu.memory_space<vmem>> -> memref<40x128xf32, #tpu.memory_space<vmem>>
    %dma_start3A_511 = arith.constant 0 : i32
    %dma_start3A_512 = tpu.memref_slice %arg3[%add3A_499, %dma_start3A_511] : memref<320000x128xf32, #tpu.memory_space<hbm>> -> memref<40x128xf32, #tpu.memory_space<hbm>>
    tpu.enqueue_dma source(%dma_start3A_512 : memref<40x128xf32, #tpu.memory_space<hbm>>) target(%dma_start3A_510 : memref<40x128xf32, #tpu.memory_space<vmem>>) target_semaphore(%arg21 : memref<!tpu.dma_semaphore, #tpu.memory_space<semaphore_mem>>)
    %dma_start3A_513 = arith.constant 0 : i32
    %dma_start3A_514 = arith.constant 1 : i32
    %dma_start3A_515 = arith.constant 0 : i32
    %dma_start3A_516 = arith.constant 0 : i32
    %dma_start3A_517 = tpu.memref_slice %arg12[%dma_start3A_514, %dma_start3A_515, %dma_start3A_516] : memref<2x80x64xi32, #tpu.memory_space<vmem>> -> memref<1x80x64xi32, #tpu.memory_space<vmem>>
    %dma_start3A_518 = tpu.memref_squeeze %dma_start3A_517 : memref<1x80x64xi32, #tpu.memory_space<vmem>> -> memref<80x64xi32, #tpu.memory_space<vmem>>
    %dma_start3A_519 = arith.constant 0 : i32
    %dma_start3A_520 = tpu.memref_slice %arg9[%dma_start3A_513, %dma_start3A_519] : memref<3x80xi32, #tpu.memory_space<vmem>> -> memref<1x80xi32, #tpu.memory_space<vmem>>
    %dma_start3A_521 = tpu.memref_squeeze %dma_start3A_520 : memref<1x80xi32, #tpu.memory_space<vmem>> -> memref<80xi32, #tpu.memory_space<vmem>>
    %dma_start3A_522 = arith.constant 0 : i32
    %dma_start3A_523 = arith.constant 0 : i32
    %dma_start3A_524 = tpu.memref_slice %arg2[%dma_start3A_522, %dma_start3A_523] : memref<10000x64xi32, #tpu.memory_space<hbm>> -> memref<10000x64xi32, #tpu.memory_space<hbm>>
    tpu.enqueue_indirect_dma source(%dma_start3A_524 : memref<10000x64xi32, #tpu.memory_space<hbm>>) target(%dma_start3A_518 : memref<80x64xi32, #tpu.memory_space<vmem>>) offsets(%dma_start3A_521 : memref<80xi32, #tpu.memory_space<vmem>>) semaphore(%arg21 : memref<!tpu.dma_semaphore, #tpu.memory_space<semaphore_mem>>)
    %mul3A_525 = arith.constant 10000 : i32
    %mul3A_526 = arith.muli %add3A, %mul3A_525 : i32
    %add3A_527 = arith.constant 9920 : i32
    %add3A_528 = arith.addi %mul3A_526, %add3A_527 : i32
    %dma_wait3A_529 = arith.constant 0 : i32
    %dma_wait3A_530 = arith.constant 0 : i32
    %dma_wait3A_531 = arith.constant 0 : i32
    %dma_wait3A_532 = tpu.memref_slice %arg11[%dma_wait3A_529, %dma_wait3A_530, %dma_wait3A_531] : memref<2x40x128xf32, #tpu.memory_space<vmem>> -> memref<1x40x128xf32, #tpu.memory_space<vmem>>
    %dma_wait3A_533 = tpu.memref_squeeze %dma_wait3A_532 : memref<1x40x128xf32, #tpu.memory_space<vmem>> -> memref<40x128xf32, #tpu.memory_space<vmem>>
    %dma_wait3A_534 = arith.constant 0 : i32
    %dma_wait3A_535 = tpu.memref_slice %arg3[%add3A_528, %dma_wait3A_534] : memref<320000x128xf32, #tpu.memory_space<hbm>> -> memref<40x128xf32, #tpu.memory_space<hbm>>
    %dma_wait3A_536 = arith.constant 0 : i32
    %dma_wait3A_537 = arith.constant 0 : i32
    %dma_wait3A_538 = tpu.memref_slice %arg11[%dma_wait3A_529, %dma_wait3A_536, %dma_wait3A_537] : memref<2x40x128xf32, #tpu.memory_space<vmem>> -> memref<1x40x128xf32, #tpu.memory_space<vmem>>
    %dma_wait3A_539 = tpu.memref_squeeze %dma_wait3A_538 : memref<1x40x128xf32, #tpu.memory_space<vmem>> -> memref<40x128xf32, #tpu.memory_space<vmem>>
    %dma_wait3A_540 = arith.constant 0 : i32
    %dma_wait3A_541 = tpu.memref_slice %arg3[%add3A_528, %dma_wait3A_540] : memref<320000x128xf32, #tpu.memory_space<hbm>> -> memref<40x128xf32, #tpu.memory_space<hbm>>
    tpu.wait_dma2 semaphore(%arg20 : memref<!tpu.dma_semaphore, #tpu.memory_space<semaphore_mem>>) src(%dma_wait3A_541 : memref<40x128xf32, #tpu.memory_space<hbm>>) dst(%dma_wait3A_539 : memref<40x128xf32, #tpu.memory_space<vmem>>)
    %dma_wait3A_542 = arith.constant 2 : i32
    %dma_wait3A_543 = arith.constant 0 : i32
    %dma_wait3A_544 = arith.constant 0 : i32
    %dma_wait3A_545 = arith.constant 0 : i32
    %dma_wait3A_546 = tpu.memref_slice %arg12[%dma_wait3A_543, %dma_wait3A_544, %dma_wait3A_545] : memref<2x80x64xi32, #tpu.memory_space<vmem>> -> memref<1x80x64xi32, #tpu.memory_space<vmem>>
    %dma_wait3A_547 = tpu.memref_squeeze %dma_wait3A_546 : memref<1x80x64xi32, #tpu.memory_space<vmem>> -> memref<80x64xi32, #tpu.memory_space<vmem>>
    %dma_wait3A_548 = arith.constant 0 : i32
    %dma_wait3A_549 = tpu.memref_slice %arg9[%dma_wait3A_542, %dma_wait3A_548] : memref<3x80xi32, #tpu.memory_space<vmem>> -> memref<1x80xi32, #tpu.memory_space<vmem>>
    %dma_wait3A_550 = tpu.memref_squeeze %dma_wait3A_549 : memref<1x80xi32, #tpu.memory_space<vmem>> -> memref<80xi32, #tpu.memory_space<vmem>>
    %dma_wait3A_551 = arith.constant 0 : i32
    %dma_wait3A_552 = arith.constant 0 : i32
    %dma_wait3A_553 = tpu.memref_slice %arg2[%dma_wait3A_551, %dma_wait3A_552] : memref<10000x64xi32, #tpu.memory_space<hbm>> -> memref<10000x64xi32, #tpu.memory_space<hbm>>
    tpu.wait_indirect_dma semaphore(%arg20 : memref<!tpu.dma_semaphore, #tpu.memory_space<semaphore_mem>>) src(%dma_wait3A_553 : memref<10000x64xi32, #tpu.memory_space<hbm>>) dst(%dma_wait3A_547 : memref<80x64xi32, #tpu.memory_space<vmem>>)
    %mul3A_554 = arith.constant 10000 : i32
    %mul3A_555 = arith.muli %add3A, %mul3A_554 : i32
    %add3A_556 = arith.constant 9920 : i32
    %add3A_557 = arith.addi %mul3A_555, %add3A_556 : i32
    %dma_wait3A_558 = arith.constant 2 : i32
    %dma_wait3A_559 = arith.constant 0 : i32
    %dma_wait3A_560 = tpu.memref_slice %arg10[%dma_wait3A_558, %dma_wait3A_559] : memref<3x80xi32, #tpu.memory_space<vmem>> -> memref<1x40xi32, #tpu.memory_space<vmem>>
    %dma_wait3A_561 = tpu.memref_squeeze %dma_wait3A_560 : memref<1x40xi32, #tpu.memory_space<vmem>> -> memref<40xi32, #tpu.memory_space<vmem>>
    %dma_wait3A_562 = tpu.memref_slice %arg5[%add3A_557] : memref<320000xi32, #tpu.memory_space<hbm>> -> memref<40xi32, #tpu.memory_space<hbm>>
    %dma_wait3A_563 = arith.constant 0 : i32
    %dma_wait3A_564 = tpu.memref_slice %arg10[%dma_wait3A_558, %dma_wait3A_563] : memref<3x80xi32, #tpu.memory_space<vmem>> -> memref<1x40xi32, #tpu.memory_space<vmem>>
    %dma_wait3A_565 = tpu.memref_squeeze %dma_wait3A_564 : memref<1x40xi32, #tpu.memory_space<vmem>> -> memref<40xi32, #tpu.memory_space<vmem>>
    %dma_wait3A_566 = tpu.memref_slice %arg5[%add3A_557] : memref<320000xi32, #tpu.memory_space<hbm>> -> memref<40xi32, #tpu.memory_space<hbm>>
    tpu.wait_dma2 semaphore(%arg19 : memref<!tpu.dma_semaphore, #tpu.memory_space<semaphore_mem>>) src(%dma_wait3A_566 : memref<40xi32, #tpu.memory_space<hbm>>) dst(%dma_wait3A_565 : memref<40xi32, #tpu.memory_space<vmem>>)
    %dma_wait3A_567 = arith.constant 2 : i32
    %dma_wait3A_568 = arith.constant 40 : i32
    %dma_wait3A_569 = tpu.memref_slice %arg10[%dma_wait3A_567, %dma_wait3A_568] : memref<3x80xi32, #tpu.memory_space<vmem>> -> memref<1x40xi32, #tpu.memory_space<vmem>>
    %dma_wait3A_570 = tpu.memref_squeeze %dma_wait3A_569 : memref<1x40xi32, #tpu.memory_space<vmem>> -> memref<40xi32, #tpu.memory_space<vmem>>
    %dma_wait3A_571 = tpu.memref_slice %arg4[%add3A_557] : memref<320000xi32, #tpu.memory_space<hbm>> -> memref<40xi32, #tpu.memory_space<hbm>>
    %dma_wait3A_572 = arith.constant 40 : i32
    %dma_wait3A_573 = tpu.memref_slice %arg10[%dma_wait3A_567, %dma_wait3A_572] : memref<3x80xi32, #tpu.memory_space<vmem>> -> memref<1x40xi32, #tpu.memory_space<vmem>>
    %dma_wait3A_574 = tpu.memref_squeeze %dma_wait3A_573 : memref<1x40xi32, #tpu.memory_space<vmem>> -> memref<40xi32, #tpu.memory_space<vmem>>
    %dma_wait3A_575 = tpu.memref_slice %arg4[%add3A_557] : memref<320000xi32, #tpu.memory_space<hbm>> -> memref<40xi32, #tpu.memory_space<hbm>>
    tpu.wait_dma2 semaphore(%arg19 : memref<!tpu.dma_semaphore, #tpu.memory_space<semaphore_mem>>) src(%dma_wait3A_575 : memref<40xi32, #tpu.memory_space<hbm>>) dst(%dma_wait3A_574 : memref<40xi32, #tpu.memory_space<vmem>>)
    %dma_start3A_576 = arith.constant 0 : i32
    %dma_start3A_577 = arith.constant 2 : i32
    %dma_start3A_578 = arith.constant 0 : i32
    %dma_start3A_579 = arith.constant 0 : i32
    %dma_start3A_580 = tpu.memref_slice %arg13[%dma_start3A_576, %dma_start3A_578, %dma_start3A_579] : memref<2x80x128xf32, #tpu.memory_space<vmem>> -> memref<1x80x128xf32, #tpu.memory_space<vmem>>
    %dma_start3A_581 = tpu.memref_squeeze %dma_start3A_580 : memref<1x80x128xf32, #tpu.memory_space<vmem>> -> memref<80x128xf32, #tpu.memory_space<vmem>>
    %dma_start3A_582 = arith.constant 0 : i32
    %dma_start3A_583 = tpu.memref_slice %arg10[%dma_start3A_577, %dma_start3A_582] : memref<3x80xi32, #tpu.memory_space<vmem>> -> memref<1x80xi32, #tpu.memory_space<vmem>>
    %dma_start3A_584 = tpu.memref_squeeze %dma_start3A_583 : memref<1x80xi32, #tpu.memory_space<vmem>> -> memref<80xi32, #tpu.memory_space<vmem>>
    %dma_start3A_585 = arith.constant 0 : i32
    %dma_start3A_586 = arith.constant 0 : i32
    %dma_start3A_587 = tpu.memref_slice %arg8[%dma_start3A_585, %dma_start3A_586] : memref<10000x128xf32, #tpu.memory_space<vmem_shared>> -> memref<10000x128xf32, #tpu.memory_space<vmem_shared>>
    tpu.enqueue_indirect_dma source(%dma_start3A_581 : memref<80x128xf32, #tpu.memory_space<vmem>>) target(%dma_start3A_587 : memref<10000x128xf32, #tpu.memory_space<vmem_shared>>) offsets(%dma_start3A_584 : memref<80xi32, #tpu.memory_space<vmem>>) semaphore(%arg22 : memref<!tpu.dma_semaphore, #tpu.memory_space<semaphore_mem>>) {add = true}
    %mul3A_588 = arith.constant 10000 : i32
    %mul3A_589 = arith.muli %add3A, %mul3A_588 : i32
    %add3A_590 = arith.constant 9960 : i32
    %add3A_591 = arith.addi %mul3A_589, %add3A_590 : i32
    %dma_start3A_592 = arith.constant 0 : i32
    %dma_start3A_593 = arith.constant 0 : i32
    %dma_start3A_594 = tpu.memref_slice %arg10[%dma_start3A_592, %dma_start3A_593] : memref<3x80xi32, #tpu.memory_space<vmem>> -> memref<1x40xi32, #tpu.memory_space<vmem>>
    %dma_start3A_595 = tpu.memref_squeeze %dma_start3A_594 : memref<1x40xi32, #tpu.memory_space<vmem>> -> memref<40xi32, #tpu.memory_space<vmem>>
    %dma_start3A_596 = tpu.memref_slice %arg5[%add3A_591] : memref<320000xi32, #tpu.memory_space<hbm>> -> memref<40xi32, #tpu.memory_space<hbm>>
    %dma_start3A_597 = arith.constant 0 : i32
    %dma_start3A_598 = tpu.memref_slice %arg10[%dma_start3A_592, %dma_start3A_597] : memref<3x80xi32, #tpu.memory_space<vmem>> -> memref<1x40xi32, #tpu.memory_space<vmem>>
    %dma_start3A_599 = tpu.memref_squeeze %dma_start3A_598 : memref<1x40xi32, #tpu.memory_space<vmem>> -> memref<40xi32, #tpu.memory_space<vmem>>
    %dma_start3A_600 = tpu.memref_slice %arg5[%add3A_591] : memref<320000xi32, #tpu.memory_space<hbm>> -> memref<40xi32, #tpu.memory_space<hbm>>
    tpu.enqueue_dma source(%dma_start3A_600 : memref<40xi32, #tpu.memory_space<hbm>>) target(%dma_start3A_599 : memref<40xi32, #tpu.memory_space<vmem>>) target_semaphore(%arg17 : memref<!tpu.dma_semaphore, #tpu.memory_space<semaphore_mem>>)
    %dma_start3A_601 = arith.constant 0 : i32
    %dma_start3A_602 = arith.constant 40 : i32
    %dma_start3A_603 = tpu.memref_slice %arg10[%dma_start3A_601, %dma_start3A_602] : memref<3x80xi32, #tpu.memory_space<vmem>> -> memref<1x40xi32, #tpu.memory_space<vmem>>
    %dma_start3A_604 = tpu.memref_squeeze %dma_start3A_603 : memref<1x40xi32, #tpu.memory_space<vmem>> -> memref<40xi32, #tpu.memory_space<vmem>>
    %dma_start3A_605 = tpu.memref_slice %arg4[%add3A_591] : memref<320000xi32, #tpu.memory_space<hbm>> -> memref<40xi32, #tpu.memory_space<hbm>>
    %dma_start3A_606 = arith.constant 40 : i32
    %dma_start3A_607 = tpu.memref_slice %arg10[%dma_start3A_601, %dma_start3A_606] : memref<3x80xi32, #tpu.memory_space<vmem>> -> memref<1x40xi32, #tpu.memory_space<vmem>>
    %dma_start3A_608 = tpu.memref_squeeze %dma_start3A_607 : memref<1x40xi32, #tpu.memory_space<vmem>> -> memref<40xi32, #tpu.memory_space<vmem>>
    %dma_start3A_609 = tpu.memref_slice %arg4[%add3A_591] : memref<320000xi32, #tpu.memory_space<hbm>> -> memref<40xi32, #tpu.memory_space<hbm>>
    tpu.enqueue_dma source(%dma_start3A_609 : memref<40xi32, #tpu.memory_space<hbm>>) target(%dma_start3A_608 : memref<40xi32, #tpu.memory_space<vmem>>) target_semaphore(%arg17 : memref<!tpu.dma_semaphore, #tpu.memory_space<semaphore_mem>>)
    %dma_wait3A_610 = arith.constant 1 : i32
    %dma_wait3A_611 = arith.constant 0 : i32
    %dma_wait3A_612 = arith.constant 0 : i32
    %dma_wait3A_613 = arith.constant 0 : i32
    %dma_wait3A_614 = tpu.memref_slice %arg13[%dma_wait3A_610, %dma_wait3A_612, %dma_wait3A_613] : memref<2x80x128xf32, #tpu.memory_space<vmem>> -> memref<1x80x128xf32, #tpu.memory_space<vmem>>
    %dma_wait3A_615 = tpu.memref_squeeze %dma_wait3A_614 : memref<1x80x128xf32, #tpu.memory_space<vmem>> -> memref<80x128xf32, #tpu.memory_space<vmem>>
    %dma_wait3A_616 = arith.constant 0 : i32
    %dma_wait3A_617 = tpu.memref_slice %arg10[%dma_wait3A_611, %dma_wait3A_616] : memref<3x80xi32, #tpu.memory_space<vmem>> -> memref<1x80xi32, #tpu.memory_space<vmem>>
    %dma_wait3A_618 = tpu.memref_squeeze %dma_wait3A_617 : memref<1x80xi32, #tpu.memory_space<vmem>> -> memref<80xi32, #tpu.memory_space<vmem>>
    %dma_wait3A_619 = arith.constant 0 : i32
    %dma_wait3A_620 = arith.constant 0 : i32
    %dma_wait3A_621 = tpu.memref_slice %arg8[%dma_wait3A_619, %dma_wait3A_620] : memref<10000x128xf32, #tpu.memory_space<vmem_shared>> -> memref<10000x128xf32, #tpu.memory_space<vmem_shared>>
    tpu.wait_indirect_dma semaphore(%arg23 : memref<!tpu.dma_semaphore, #tpu.memory_space<semaphore_mem>>) src(%dma_wait3A_615 : memref<80x128xf32, #tpu.memory_space<vmem>>) dst(%dma_wait3A_621 : memref<10000x128xf32, #tpu.memory_space<vmem_shared>>)
    %mul3A_622 = arith.constant 10000 : i32
    %mul3A_623 = arith.muli %add3A, %mul3A_622 : i32
    %add3A_624 = arith.constant 9960 : i32
    %add3A_625 = arith.addi %mul3A_623, %add3A_624 : i32
    %dma_wait3A_626 = arith.constant 1 : i32
    %dma_wait3A_627 = arith.constant 0 : i32
    %dma_wait3A_628 = arith.constant 0 : i32
    %dma_wait3A_629 = tpu.memref_slice %arg11[%dma_wait3A_626, %dma_wait3A_627, %dma_wait3A_628] : memref<2x40x128xf32, #tpu.memory_space<vmem>> -> memref<1x40x128xf32, #tpu.memory_space<vmem>>
    %dma_wait3A_630 = tpu.memref_squeeze %dma_wait3A_629 : memref<1x40x128xf32, #tpu.memory_space<vmem>> -> memref<40x128xf32, #tpu.memory_space<vmem>>
    %dma_wait3A_631 = arith.constant 0 : i32
    %dma_wait3A_632 = tpu.memref_slice %arg3[%add3A_625, %dma_wait3A_631] : memref<320000x128xf32, #tpu.memory_space<hbm>> -> memref<40x128xf32, #tpu.memory_space<hbm>>
    %dma_wait3A_633 = arith.constant 0 : i32
    %dma_wait3A_634 = arith.constant 0 : i32
    %dma_wait3A_635 = tpu.memref_slice %arg11[%dma_wait3A_626, %dma_wait3A_633, %dma_wait3A_634] : memref<2x40x128xf32, #tpu.memory_space<vmem>> -> memref<1x40x128xf32, #tpu.memory_space<vmem>>
    %dma_wait3A_636 = tpu.memref_squeeze %dma_wait3A_635 : memref<1x40x128xf32, #tpu.memory_space<vmem>> -> memref<40x128xf32, #tpu.memory_space<vmem>>
    %dma_wait3A_637 = arith.constant 0 : i32
    %dma_wait3A_638 = tpu.memref_slice %arg3[%add3A_625, %dma_wait3A_637] : memref<320000x128xf32, #tpu.memory_space<hbm>> -> memref<40x128xf32, #tpu.memory_space<hbm>>
    tpu.wait_dma2 semaphore(%arg21 : memref<!tpu.dma_semaphore, #tpu.memory_space<semaphore_mem>>) src(%dma_wait3A_638 : memref<40x128xf32, #tpu.memory_space<hbm>>) dst(%dma_wait3A_636 : memref<40x128xf32, #tpu.memory_space<vmem>>)
    %dma_wait3A_639 = arith.constant 0 : i32
    %dma_wait3A_640 = arith.constant 1 : i32
    %dma_wait3A_641 = arith.constant 0 : i32
    %dma_wait3A_642 = arith.constant 0 : i32
    %dma_wait3A_643 = tpu.memref_slice %arg12[%dma_wait3A_640, %dma_wait3A_641, %dma_wait3A_642] : memref<2x80x64xi32, #tpu.memory_space<vmem>> -> memref<1x80x64xi32, #tpu.memory_space<vmem>>
    %dma_wait3A_644 = tpu.memref_squeeze %dma_wait3A_643 : memref<1x80x64xi32, #tpu.memory_space<vmem>> -> memref<80x64xi32, #tpu.memory_space<vmem>>
    %dma_wait3A_645 = arith.constant 0 : i32
    %dma_wait3A_646 = tpu.memref_slice %arg9[%dma_wait3A_639, %dma_wait3A_645] : memref<3x80xi32, #tpu.memory_space<vmem>> -> memref<1x80xi32, #tpu.memory_space<vmem>>
    %dma_wait3A_647 = tpu.memref_squeeze %dma_wait3A_646 : memref<1x80xi32, #tpu.memory_space<vmem>> -> memref<80xi32, #tpu.memory_space<vmem>>
    %dma_wait3A_648 = arith.constant 0 : i32
    %dma_wait3A_649 = arith.constant 0 : i32
    %dma_wait3A_650 = tpu.memref_slice %arg2[%dma_wait3A_648, %dma_wait3A_649] : memref<10000x64xi32, #tpu.memory_space<hbm>> -> memref<10000x64xi32, #tpu.memory_space<hbm>>
    tpu.wait_indirect_dma semaphore(%arg21 : memref<!tpu.dma_semaphore, #tpu.memory_space<semaphore_mem>>) src(%dma_wait3A_650 : memref<10000x64xi32, #tpu.memory_space<hbm>>) dst(%dma_wait3A_644 : memref<80x64xi32, #tpu.memory_space<vmem>>)
    %mul3A_651 = arith.constant 10000 : i32
    %mul3A_652 = arith.muli %add3A, %mul3A_651 : i32
    %add3A_653 = arith.constant 9960 : i32
    %add3A_654 = arith.addi %mul3A_652, %add3A_653 : i32
    %dma_wait3A_655 = arith.constant 0 : i32
    %dma_wait3A_656 = arith.constant 0 : i32
    %dma_wait3A_657 = tpu.memref_slice %arg10[%dma_wait3A_655, %dma_wait3A_656] : memref<3x80xi32, #tpu.memory_space<vmem>> -> memref<1x40xi32, #tpu.memory_space<vmem>>
    %dma_wait3A_658 = tpu.memref_squeeze %dma_wait3A_657 : memref<1x40xi32, #tpu.memory_space<vmem>> -> memref<40xi32, #tpu.memory_space<vmem>>
    %dma_wait3A_659 = tpu.memref_slice %arg5[%add3A_654] : memref<320000xi32, #tpu.memory_space<hbm>> -> memref<40xi32, #tpu.memory_space<hbm>>
    %dma_wait3A_660 = arith.constant 0 : i32
    %dma_wait3A_661 = tpu.memref_slice %arg10[%dma_wait3A_655, %dma_wait3A_660] : memref<3x80xi32, #tpu.memory_space<vmem>> -> memref<1x40xi32, #tpu.memory_space<vmem>>
    %dma_wait3A_662 = tpu.memref_squeeze %dma_wait3A_661 : memref<1x40xi32, #tpu.memory_space<vmem>> -> memref<40xi32, #tpu.memory_space<vmem>>
    %dma_wait3A_663 = tpu.memref_slice %arg5[%add3A_654] : memref<320000xi32, #tpu.memory_space<hbm>> -> memref<40xi32, #tpu.memory_space<hbm>>
    tpu.wait_dma2 semaphore(%arg17 : memref<!tpu.dma_semaphore, #tpu.memory_space<semaphore_mem>>) src(%dma_wait3A_663 : memref<40xi32, #tpu.memory_space<hbm>>) dst(%dma_wait3A_662 : memref<40xi32, #tpu.memory_space<vmem>>)
    %dma_wait3A_664 = arith.constant 0 : i32
    %dma_wait3A_665 = arith.constant 40 : i32
    %dma_wait3A_666 = tpu.memref_slice %arg10[%dma_wait3A_664, %dma_wait3A_665] : memref<3x80xi32, #tpu.memory_space<vmem>> -> memref<1x40xi32, #tpu.memory_space<vmem>>
    %dma_wait3A_667 = tpu.memref_squeeze %dma_wait3A_666 : memref<1x40xi32, #tpu.memory_space<vmem>> -> memref<40xi32, #tpu.memory_space<vmem>>
    %dma_wait3A_668 = tpu.memref_slice %arg4[%add3A_654] : memref<320000xi32, #tpu.memory_space<hbm>> -> memref<40xi32, #tpu.memory_space<hbm>>
    %dma_wait3A_669 = arith.constant 40 : i32
    %dma_wait3A_670 = tpu.memref_slice %arg10[%dma_wait3A_664, %dma_wait3A_669] : memref<3x80xi32, #tpu.memory_space<vmem>> -> memref<1x40xi32, #tpu.memory_space<vmem>>
    %dma_wait3A_671 = tpu.memref_squeeze %dma_wait3A_670 : memref<1x40xi32, #tpu.memory_space<vmem>> -> memref<40xi32, #tpu.memory_space<vmem>>
    %dma_wait3A_672 = tpu.memref_slice %arg4[%add3A_654] : memref<320000xi32, #tpu.memory_space<hbm>> -> memref<40xi32, #tpu.memory_space<hbm>>
    tpu.wait_dma2 semaphore(%arg17 : memref<!tpu.dma_semaphore, #tpu.memory_space<semaphore_mem>>) src(%dma_wait3A_672 : memref<40xi32, #tpu.memory_space<hbm>>) dst(%dma_wait3A_671 : memref<40xi32, #tpu.memory_space<vmem>>)
    %dma_start3A_673 = arith.constant 1 : i32
    %dma_start3A_674 = arith.constant 0 : i32
    %dma_start3A_675 = arith.constant 0 : i32
    %dma_start3A_676 = arith.constant 0 : i32
    %dma_start3A_677 = tpu.memref_slice %arg13[%dma_start3A_673, %dma_start3A_675, %dma_start3A_676] : memref<2x80x128xf32, #tpu.memory_space<vmem>> -> memref<1x80x128xf32, #tpu.memory_space<vmem>>
    %dma_start3A_678 = tpu.memref_squeeze %dma_start3A_677 : memref<1x80x128xf32, #tpu.memory_space<vmem>> -> memref<80x128xf32, #tpu.memory_space<vmem>>
    %dma_start3A_679 = arith.constant 0 : i32
    %dma_start3A_680 = tpu.memref_slice %arg10[%dma_start3A_674, %dma_start3A_679] : memref<3x80xi32, #tpu.memory_space<vmem>> -> memref<1x80xi32, #tpu.memory_space<vmem>>
    %dma_start3A_681 = tpu.memref_squeeze %dma_start3A_680 : memref<1x80xi32, #tpu.memory_space<vmem>> -> memref<80xi32, #tpu.memory_space<vmem>>
    %dma_start3A_682 = arith.constant 0 : i32
    %dma_start3A_683 = arith.constant 0 : i32
    %dma_start3A_684 = tpu.memref_slice %arg8[%dma_start3A_682, %dma_start3A_683] : memref<10000x128xf32, #tpu.memory_space<vmem_shared>> -> memref<10000x128xf32, #tpu.memory_space<vmem_shared>>
    tpu.enqueue_indirect_dma source(%dma_start3A_678 : memref<80x128xf32, #tpu.memory_space<vmem>>) target(%dma_start3A_684 : memref<10000x128xf32, #tpu.memory_space<vmem_shared>>) offsets(%dma_start3A_681 : memref<80xi32, #tpu.memory_space<vmem>>) semaphore(%arg23 : memref<!tpu.dma_semaphore, #tpu.memory_space<semaphore_mem>>) {add = true}
    %dma_wait3A_685 = arith.constant 0 : i32
    %dma_wait3A_686 = arith.constant 2 : i32
    %dma_wait3A_687 = arith.constant 0 : i32
    %dma_wait3A_688 = arith.constant 0 : i32
    %dma_wait3A_689 = tpu.memref_slice %arg13[%dma_wait3A_685, %dma_wait3A_687, %dma_wait3A_688] : memref<2x80x128xf32, #tpu.memory_space<vmem>> -> memref<1x80x128xf32, #tpu.memory_space<vmem>>
    %dma_wait3A_690 = tpu.memref_squeeze %dma_wait3A_689 : memref<1x80x128xf32, #tpu.memory_space<vmem>> -> memref<80x128xf32, #tpu.memory_space<vmem>>
    %dma_wait3A_691 = arith.constant 0 : i32
    %dma_wait3A_692 = tpu.memref_slice %arg10[%dma_wait3A_686, %dma_wait3A_691] : memref<3x80xi32, #tpu.memory_space<vmem>> -> memref<1x80xi32, #tpu.memory_space<vmem>>
    %dma_wait3A_693 = tpu.memref_squeeze %dma_wait3A_692 : memref<1x80xi32, #tpu.memory_space<vmem>> -> memref<80xi32, #tpu.memory_space<vmem>>
    %dma_wait3A_694 = arith.constant 0 : i32
    %dma_wait3A_695 = arith.constant 0 : i32
    %dma_wait3A_696 = tpu.memref_slice %arg8[%dma_wait3A_694, %dma_wait3A_695] : memref<10000x128xf32, #tpu.memory_space<vmem_shared>> -> memref<10000x128xf32, #tpu.memory_space<vmem_shared>>
    tpu.wait_indirect_dma semaphore(%arg22 : memref<!tpu.dma_semaphore, #tpu.memory_space<semaphore_mem>>) src(%dma_wait3A_690 : memref<80x128xf32, #tpu.memory_space<vmem>>) dst(%dma_wait3A_696 : memref<10000x128xf32, #tpu.memory_space<vmem_shared>>)
    %dma_wait3A_697 = arith.constant 1 : i32
    %dma_wait3A_698 = arith.constant 0 : i32
    %dma_wait3A_699 = arith.constant 0 : i32
    %dma_wait3A_700 = arith.constant 0 : i32
    %dma_wait3A_701 = tpu.memref_slice %arg13[%dma_wait3A_697, %dma_wait3A_699, %dma_wait3A_700] : memref<2x80x128xf32, #tpu.memory_space<vmem>> -> memref<1x80x128xf32, #tpu.memory_space<vmem>>
    %dma_wait3A_702 = tpu.memref_squeeze %dma_wait3A_701 : memref<1x80x128xf32, #tpu.memory_space<vmem>> -> memref<80x128xf32, #tpu.memory_space<vmem>>
    %dma_wait3A_703 = arith.constant 0 : i32
    %dma_wait3A_704 = tpu.memref_slice %arg10[%dma_wait3A_698, %dma_wait3A_703] : memref<3x80xi32, #tpu.memory_space<vmem>> -> memref<1x80xi32, #tpu.memory_space<vmem>>
    %dma_wait3A_705 = tpu.memref_squeeze %dma_wait3A_704 : memref<1x80xi32, #tpu.memory_space<vmem>> -> memref<80xi32, #tpu.memory_space<vmem>>
    %dma_wait3A_706 = arith.constant 0 : i32
    %dma_wait3A_707 = arith.constant 0 : i32
    %dma_wait3A_708 = tpu.memref_slice %arg8[%dma_wait3A_706, %dma_wait3A_707] : memref<10000x128xf32, #tpu.memory_space<vmem_shared>> -> memref<10000x128xf32, #tpu.memory_space<vmem_shared>>
    tpu.wait_indirect_dma semaphore(%arg23 : memref<!tpu.dma_semaphore, #tpu.memory_space<semaphore_mem>>) src(%dma_wait3A_702 : memref<80x128xf32, #tpu.memory_space<vmem>>) dst(%dma_wait3A_708 : memref<10000x128xf32, #tpu.memory_space<vmem_shared>>)
    %barrier3A_709 = arith.constant 0 : index
    tpu.barrier barrier_id(%barrier3A_709)
    %lt3A_710 = arith.constant 10 : i32
    %lt3A_711 = arith.cmpi slt, %arg1, %lt3A_710 : i32
    %convert_element_type3A_712 = arith.extui %lt3A_711 : i1 to i32
    %cond3A_713 = arith.constant 0 : i32
    %cond3A_714 = arith.cmpi ne, %convert_element_type3A_712, %cond3A_713 : i32
    scf.if %cond3A_714 {
      %mul3A_715 = arith.constant 1000 : i32
      %mul3A_716 = arith.muli %arg1, %mul3A_715 : i32
      %mul3A_717 = arith.constant 1000 : i32
      %mul3A_718 = arith.muli %arg1, %mul3A_717 : i32
      "tpu.region"() ({
        %run_scoped3A = tpu.sem_alloc : memref<!tpu.dma_semaphore, #tpu.memory_space<semaphore_mem>>
        %dma_start3A_719 = arith.constant 0 : i32
        %dma_start3A_720 = tpu.memref_slice %arg7[%arg0, %mul3A_718, %dma_start3A_719] : memref<2x10000x128xf32, #tpu.memory_space<hbm>> -> memref<1x1000x128xf32, #tpu.memory_space<hbm>>
        %dma_start3A_721 = tpu.memref_squeeze %dma_start3A_720 : memref<1x1000x128xf32, #tpu.memory_space<hbm>> -> memref<1000x128xf32, #tpu.memory_space<hbm>>
        %dma_start3A_722 = arith.constant 0 : i32
        %dma_start3A_723 = tpu.memref_slice %arg8[%mul3A_716, %dma_start3A_722] : memref<10000x128xf32, #tpu.memory_space<vmem_shared>> -> memref<1000x128xf32, #tpu.memory_space<vmem_shared>>
        tpu.enqueue_dma source(%dma_start3A_723 : memref<1000x128xf32, #tpu.memory_space<vmem_shared>>) target(%dma_start3A_721 : memref<1000x128xf32, #tpu.memory_space<hbm>>) target_semaphore(%run_scoped3A : memref<!tpu.dma_semaphore, #tpu.memory_space<semaphore_mem>>)
        %dma_wait3A_724 = arith.constant 0 : i32
        %dma_wait3A_725 = tpu.memref_slice %arg7[%arg0, %mul3A_718, %dma_wait3A_724] : memref<2x10000x128xf32, #tpu.memory_space<hbm>> -> memref<1x1000x128xf32, #tpu.memory_space<hbm>>
        %dma_wait3A_726 = tpu.memref_squeeze %dma_wait3A_725 : memref<1x1000x128xf32, #tpu.memory_space<hbm>> -> memref<1000x128xf32, #tpu.memory_space<hbm>>
        %dma_wait3A_727 = arith.constant 0 : i32
        %dma_wait3A_728 = tpu.memref_slice %arg8[%mul3A_716, %dma_wait3A_727] : memref<10000x128xf32, #tpu.memory_space<vmem_shared>> -> memref<1000x128xf32, #tpu.memory_space<vmem_shared>>
        tpu.wait_dma2 semaphore(%run_scoped3A : memref<!tpu.dma_semaphore, #tpu.memory_space<semaphore_mem>>) src(%dma_wait3A_728 : memref<1000x128xf32, #tpu.memory_space<vmem_shared>>) dst(%dma_wait3A_726 : memref<1000x128xf32, #tpu.memory_space<hbm>>)
        tpu.yield
      }) : () -> ()
    } else {
    }
    return
  }
}

</mosaic_0001>

<sc_bundles>
// kernel: _message_passing_sc.3.cloned.1.call-start
scs
__scs_entry_jumppad:
0x0: {  	(pc) =	sbr.rel $0x88, $3  }
0x1: {  	(tag) =	ssettag $0x0;
	lr =	simm.s32 $0x1  }
0x2: {  	[smem:$0x3F9C] =	sst lr;
	_ =	strace $0xD0000000  }
0x3: {  	_ = 	snop  }
0x4: {  	_ = 	snop  }
0x5: {  	_ = 	snop  }
0x6: {  	_ = 	snop  }
0x7: {  	_ = 	snop  }
__scs_overlays_trampoline_lowered:
0x8: {  	[smem:$0x3FAB] =	sst s0  }
0x9: {  	[smem:$0x3FAC] =	sst s1  }
0xa: {  	[smem:$0x3FAD] =	sst s2  }
0xb: {  	[smem:$0x3FAE] =	sst s3  }
0xc: {  	[smem:$0x3FAF] =	sst s4  }
0xd: {  	[smem:$0x3FB0] =	sst s5  }
0xe: {  	[smem:$0x3FB1] =	sst s6  }
0xf: {  	[smem:$0x3FB2] =	sst s7  }
0x10: {  	[smem:$0x3FB3] =	sst s8  }
0x11: {  	[smem:$0x3FB4] =	sst s9;
	s0 =	simm.s32 @!p0 $0x0  }
0x12: {  	s1 =	sld [smem:$0x3F9A];
	s0 =	simm.s32 @p0 $0x1  }
0x13: {  	[smem:$0x3FB5] =	sst s0;
	s0 =	simm.s32 @!p1 $0x0  }
0x14: {  	s2 =	sld [smem:$0x3F99];
	s0 =	simm.s32 @p1 $0x1  }
0x15: {  	[smem:$0x3FB6] =	sst s0;
	s0 =	simm.s32 @!p2 $0x0  }
0x16: {  	s3 =	sld [smem:$0x3FDB];
	s0 =	simm.s32 @p2 $0x1  }
0x17: {  	s4 =	simm.s32 $0x1BF5;
	[smem:$0x3FB8] =	sst s0  }
0x18: {  	s0 =	sld [smem:$0x3F9B];
	_ =	swait.ge [sflag:s4], $0x0  }
0x19: {  	s7 =	sld [smem:$0x3F9C]  }
0x1a: {  	s8 =	sadd.s32 $0xFFFFE003, lr  }
0x1b: {  	s9 =	sadd.s32 $0xFFFFFEF7, lr;
	s5 =	simm.s32 $0xFFFFFFFF;
	p2 =	slt.u32 s8, $0xFFFFF086  }
0x1c: {  	p1 =	slt.u32 s9, $0xF7A;
	s5 =	simm.s32 @!p2 $0x0  }
0x1d: {  	s5 =	simm.s32 @p1 $0x1;
	p0 =	seq.s32 s7, s2  }
0x1e: {  	s7 =	smul.u32 @!p0 $0xF7A, s2;
	p2 =	seq.s32 @!p0 s5, $0x0  }
0x1f: {  	s9 =	smul.u32 $0xF7A, s1;
	s8 =	simm.s32 @!p0 $0x1BF5;
	p2 =	por !p2, p0  }
0x20: {  	[sflag:s8] =	ssyncset.s32 @!p0 $0xFFFFF086;
	s6 =	sadd.s32 @!p0 s3, s7;
	s7 =	simm.s32 @!p0 $0x108  }
0x21: {  	s3 =	sadd.s32 s3, s9;
	s6 =	sadd.s32 @!p0 $0x88, s6;
	s7 =	simm.s32 @p2 $0x1082  }
0x22: {  	[simem:s7], [sflag:s8] =	dma.local @!p0 [hbm:s6], $0xF7A  }
0x23: {  	s9 =	sor.u32 $0xD0000000, s2;
	s6 =	simm.s32 $0x108;
	_ =	swait.ge @!p0 [sflag:s8], $0x0  }
0x24: {  	s3 =	sadd.s32 $0x88, s3;
	s6 =	simm.s32 @!p1 $0x1082;
	[sflag:s4] =	ssyncset.s32 $0xFFFFF086  }
0x25: {  	[simem:s6], [sflag:s4] =	dma.local [hbm:s3], $0xF7A  }
0x26: {  	[smem:$0x3F9C] =	sst s1;
	(tag) =	ssettag s2;
	_ =	strace s9  }
0x27: {  	s1 =	sld [smem:$0x3FAC]  }
0x28: {  	s2 =	sld [smem:$0x3FAD]  }
0x29: {  	s4 =	sld [smem:$0x3FAF]  }
0x2a: {  	p0 =	seq.s32 s5, $0x0;
	s5 =	sld [smem:$0x3FB0]  }
0x2b: {  	s6 =	sld [smem:$0x3FB1]  }
0x2c: {  	s7 =	sld [smem:$0x3FB2]  }
0x2d: {  	s3 =	simm.s32 $0x108;
	s8 =	sld [smem:$0x3FB3]  }
0x2e: {  	s3 =	simm.s32 @!p0 $0x1082;
	s9 =	sld [smem:$0x3FB4]  }
0x2f: {  	lr =	sadd.s32 s0, s3;
	s0 =	sld [smem:$0x3FAB]  }
0x30: {  	s3 =	sld [smem:$0x3FAE]  }
0x31: {  	[smem:$0x3FB7] =	sst s10  }
0x32: {  	s10 =	sld [smem:$0x3FB5];
	_ =	sdelay $0x3  }
0x33: {  	p0 =	seq.s32 s10, $0x1;
	s10 =	sld [smem:$0x3FB7];
	_ =	sdelay $0x3  }
0x34: {  	[smem:$0x3FB7] =	sst s10  }
0x35: {  	s10 =	sld [smem:$0x3FB6];
	_ =	sdelay $0x3  }
0x36: {  	p1 =	seq.s32 s10, $0x1;
	s10 =	sld [smem:$0x3FB7];
	_ =	sdelay $0x3  }
0x37: {  	[smem:$0x3FB7] =	sst s10  }
0x38: {  	s10 =	sld [smem:$0x3FB8]  }
0x39: {  	_ = 	snop;
	(pc) =	sbr.ind lr, $3  }
0x3a: {  	_ = 	snop  }
0x3b: {  	_ = 	snop  }
0x3c: {  	p2 =	seq.s32 s10, $0x1;
	s10 =	sld [smem:$0x3FB7]  }
0x3d: {  	_ =	shalt  }
0x3e: {  	_ =	shalt  }
0x3f: {  	_ =	shalt  }
0x40: {  	_ =	shalt  }
0x41: {  	_ =	shalt  }
0x42: {  	_ =	shalt  }
0x43: {  	_ =	shalt  }
0x44: {  	_ =	shalt  }
0x45: {  	_ =	shalt  }
0x46: {  	_ =	shalt  }
0x47: {  	_ =	shalt  }
0x48: {  	_ =	shalt  }
0x49: {  	_ =	shalt  }
0x4a: {  	_ =	shalt  }
0x4b: {  	_ =	shalt  }
0x4c: {  	_ =	shalt  }
0x4d: {  	_ =	shalt  }
0x4e: {  	_ =	shalt  }
0x4f: {  	_ =	shalt  }
0x50: {  	_ =	shalt  }
0x51: {  	_ =	shalt  }
0x52: {  	_ =	shalt  }
0x53: {  	_ =	shalt  }
0x54: {  	_ =	shalt  }
0x55: {  	_ =	shalt  }
0x56: {  	_ =	shalt  }
0x57: {  	_ =	shalt  }
0x58: {  	_ =	shalt  }
0x59: {  	_ =	shalt  }
0x5a: {  	_ =	shalt  }
0x5b: {  	_ =	shalt  }
0x5c: {  	_ =	shalt  }
0x5d: {  	_ =	shalt  }
0x5e: {  	_ =	shalt  }
0x5f: {  	_ =	shalt  }
0x60: {  	_ =	shalt  }
0x61: {  	_ =	shalt  }
0x62: {  	_ =	shalt  }
0x63: {  	_ =	shalt  }
0x64: {  	_ =	shalt  }
0x65: {  	_ =	shalt  }
0x66: {  	_ =	shalt  }
0x67: {  	_ =	shalt  }
0x68: {  	_ =	shalt  }
0x69: {  	_ =	shalt  }
0x6a: {  	_ =	shalt  }
0x6b: {  	_ =	shalt  }
0x6c: {  	_ =	shalt  }
0x6d: {  	_ =	shalt  }
0x6e: {  	_ =	shalt  }
0x6f: {  	_ =	shalt  }
0x70: {  	_ =	shalt  }
0x71: {  	_ =	shalt  }
0x72: {  	_ =	shalt  }
0x73: {  	_ =	shalt  }
0x74: {  	_ =	shalt  }
0x75: {  	_ =	shalt  }
0x76: {  	_ =	shalt  }
0x77: {  	_ =	shalt  }
0x78: {  	_ =	shalt  }
0x79: {  	_ =	shalt  }
0x7a: {  	_ =	shalt  }
0x7b: {  	_ =	shalt  }
0x7c: {  	_ =	shalt  }
0x7d: {  	_ =	shalt  }
0x7e: {  	_ =	shalt  }
0x7f: {  	_ =	shalt  }
0x80: {  	_ =	shalt  }
0x81: {  	_ =	shalt  }
0x82: {  	_ =	shalt  }
0x83: {  	_ =	shalt  }
0x84: {  	_ =	shalt  }
0x85: {  	_ =	shalt  }
0x86: {  	_ =	shalt  }
0x87: {  	_ =	shalt  }
.Lfunc_end0:
.L_simem_size_0:
called_computation_lowered:
.L_overlay_start_0:
0x88: {  	s2 =	sld [smem:$0x3FD9]  }
0x89: {  	s3 =	sld [smem:$0x3FFE];
	_ =	sdelay $0x1  }
0x8a: {  	s1 =	srdreg.scid  }
0x8b: {  	s0 =	sand.u32 $0x1, s1  }
0x8c: {  	s17 =	sshll.u32 s0, $0xA;
	s2 =	sadd.s32 s3, s2  }
0x8d: {  	s2 =	sadd.s32 s2, s17  }
0x8e: {  	[smem:$0x3FC3] =	sst s2  }
0x8f: {  	_ = 	snop  }
0x90: {  	s2 =	sld [smem:$0x3FC8]  }
0x91: {  	s18 =	sld [smem:$0x3FC7]  }
0x92: {  	s4 =	sld [smem:$0x3FC6]  }
0x93: {  	s5 =	sld [smem:$0x3FC5]  }
0x94: {  	s6 =	sld [smem:$0x3FD0];
	(tm) =	ssettm $0x1  }
0x95: {  	s7 =	sld [smem:$0x3FFB];
	_ =	sdelay $0x3  }
0x96: {  	_ =	strace s7  }
0x97: {  	s7 =	sld [smem:$0x3FFC];
	_ =	sdelay $0x3  }
0x98: {  	_ =	strace s7  }
0x99: {  	s7 =	sld [smem:$0x3FFD];
	_ =	sdelay $0x3  }
0x9a: {  	_ =	strace s7  }
0x9b: {  	_ =	strace $0x8FFFFFFF  }
0x9c: {  	s19 =	sld [smem:$0x3FDB];
	_ =	sdelay $0x1  }
0x9d: {  	s8 =	simm.s32 $_scs_section_size  }
0x9e: {  	s9 =	simm.s32 $_size__tile_overlayer_lowered;
	s10 =	simm.s32 $_tile_overlayer_lowered  }
0x9f: {  	s22 =	simm.s32 $0x1BFF;
	s21 =	sshll.u32 s10, $0x1;
	s7 =	sadd.s32 s8, s19  }
0xa0: {  	s11 =	simm.s32 $0x0;
	s20 =	sshll.u32 s9, $0x1;
	s9 =	sadd.s32 s21, s7  }
0xa1: {  	[timem:s11], [sflag:s22] =	dma.local [hbm:s9], s20  }
0xa2: {  	_ =	swait.ge [sflag:s22], s20  }
0xa3: {  	s8 =	ssub.s32 $0x0, s20;
	[sflag:s22] =	ssyncset.done $0x0  }
0xa4: {  	[sflag:s22] =	ssyncadd.s32 s8;
	_ =	sdelay $0x1  }
0xa5: {  	s23 =	simm.s32 $0x1B8B  }
0xa6: {  	_ =	swait.ge [sflag:s23], $0x1  }
0xa7: {  	[sflag:s23] =	ssyncset.done $0x0  }
0xa8: {  	s25 =	simm.s32 $0x1B8E;
	s24 =	sld [smem:$0x3FFE];
	[sflag:s23] =	ssyncadd.s32 $0xFFFFFFFF  }
0xa9: {  	s26 =	simm.s32 $execute0_lowered;
	[smem:$0x3FD2] =	sst s25  }
0xaa: {  	s9 =	sshll.u32 s26, $0x1;
	_ =	strace $0x80000046;
	[dreg:$0x1] =	wrdreg $0xFFFFFFFF  }
0xab: {  	s28 =	simm.s32 $_size_execute0_lowered;
	s7 =	sadd.s32 s7, s9;
	[dreg:$0x0] =	wrdreg $0x0  }
0xac: {  	s9 =	sshll.u32 s28, $0x1;
	[dreg:$0x2] =	wrdreg s7  }
0xad: {  	[dreg:$0x3] =	wrdreg s9  }
0xae: {  	[dreg:$0x4] =	wrdreg $0xC0  }
0xaf: {  	_ =	task [dreg:s11], $0x5FFFF  }
0xb0: {  	[dreg:$0x1] =	wrdreg $0xFFFFFFFF  }
0xb1: {  	[dreg:$0x0] =	wrdreg $0x60  }
0xb2: {  	[dreg:$0x2] =	wrdreg s24  }
0xb3: {  	[dreg:$0x3] =	wrdreg s2  }
0xb4: {  	[dreg:$0x4] =	wrdreg s18  }
0xb5: {  	[dreg:$0x5] =	wrdreg s4  }
0xb6: {  	[dreg:$0x6] =	wrdreg s5  }
0xb7: {  	[dreg:$0x7] =	wrdreg s6  }
0xb8: {  	[dreg:$0x8] =	wrdreg $0x0  }
0xb9: {  	[dreg:$0x9] =	wrdreg $0x9  }
0xba: {  	_ =	task.clear_ibuf [dreg:s11], $0xAFFFF;
	_ =	strace $0x90000046  }
0xbb: {  	s29 =	simm.s32 $0x9;
	_ =	strace $0x80000048  }
0xbc: {  	_ =	swait.ge [sflag:s29], $0x1  }
0xbd: {  	[sflag:s29] =	ssyncadd.s32 $0xFFFFFFFF  }
0xbe: {  	_ =	strace $0x90000048  }
0xbf: {  	_ =	sfence  }
0xc0: {  	s30 =	sld [smem:$0x0];
	_ =	sdelay $0x2  }
0xc1: {  	s31 =	sshll.u32 s1, $0xD;
	s1 =	sshrl.u32 s1, $0x2  }
0xc2: {  	s3 =	sand.u32 $0x4000, s31;
	s1 =	sadd.s32 s1, s30  }
0xc3: {  	s0 =	sor.u32 s3, s0;
	s1 =	sshll.u32 s1, $0x11  }
0xc4: {  	s0 =	sor.u32 s1, s0  }
0xc5: {  	s0 =	sadd.s32 $0x8F2B, s0  }
0xc6: {  	[sflag:s0] =	ssyncadd.remote.s32 $0x1  }
0xc7: {  	_ =	sfence.sel $0xFFFF  }
0xc8: {  	[dreg:$0x0] =	wrdreg $0xFFFFFFFF;
	(pc) =	sbr.abs _section_cstart, $3  }
0xc9: {  	[dreg:$0x1] =	wrdreg $0xFFFFFFFF  }
0xca: {  	_ =	task.clear_ibuf [dreg:s11], $0x2FFFF;
	_ =	strace $0x9FFFFFFF  }
0xcb: {  	(tm) =	ssettm $0x7FFFFFFF  }
tec
execute0_lowered:
.L_overlay_start_1:
0x0: {  	(tag) =	ssettag $0x1  }
0x1: {  	s0 =	rddreg [dreg:$0x0]  }
0x2: {  	s2 =	rddreg [dreg:$0x1]  }
0x3: {  	s18 =	rddreg [dreg:$0x2]  }
0x4: {  	s20 =	rddreg [dreg:$0x3]  }
0x5: {  	s8 =	rddreg [dreg:$0x4]  }
0x6: {  	s1 =	srdreg.scid;
	s11 =	rddreg [dreg:$0x5]  }
0x7: {  	s21 =	stileid.u32;
	s4 =	rddreg [dreg:$0x6];
	s5 =	simm.s32 $0x0  }
0x8: {  	s10 =	sand.u32 $0x1, s1;
	[smem:$0x7FF] =	sst s5;
	s3 =	smul.u32 $0x1F400, s21  }
0x9: {  	s14 =	smul.u32 $0x2710, s21;
	s0 =	sadd.s32 $0x400, s0;
	s1 =	sshll.u32 s10, $0x4  }
0xa: {  	s7 =	ssub.s32 $0x2, s10;
	_ =	strace $0x80000047;
	s12 =	smul.u32 $0x27100, s10  }
0xb: {  	s10 =	smul.u32 $0x138800, s10;
	[dreg:$0x14] =	wrdreg s0;
	s1 =	sor.u32 s21, s1  }
0xc: {  	s15 =	sshrl.u32 s7, $0x1;
	s13 =	sshrl.u32 s3, $0x3;
	s6 =	smul.u32 $0x2710, s1  }
0xd: {  	s9 =	smul.u32 $0x27100, s1;
	s1 =	ssub.s32 s7, s15;
	s8 =	sadd.s32 s8, s13  }
0xe: {  	s12 =	sadd.s32 s14, s12;
	s10 =	sadd.s32 s3, s10;
	[dreg:$0x17] =	wrdreg s8  }
0xf: {  	s14 =	sadd.s32 $0x118, s12;
	s15 =	sadd.s32 $0xC8, s12;
	s10 =	sshrl.u32 s10, $0x3  }
0x10: {  	s7 =	sadd.s32 $0x2698, s6;
	s9 =	sadd.s32 s2, s9;
	s19 =	sshrl.u32 s14, $0x3  }
0x11: {  	s10 =	sadd.s32 s11, s10;
	[dreg:$0x16] =	wrdreg s9;
	s16 =	sshll.u32 s7, $0x4  }
0x12: {  	s9 =	sadd.s32 $0x26C0, s6;
	s14 =	sadd.s32 s19, s20;
	[dreg:$0x1a] =	wrdreg s10  }
0x13: {  	s8 =	sadd.s32 s2, s16;
	s17 =	sshll.u32 s9, $0x4;
	[dreg:$0x8] =	wrdreg s14  }
0x14: {  	s14 =	sshrl.u32 s15, $0x3;
	[dreg:$0x18] =	wrdreg s8;
	s13 =	sadd.s32 s2, s17  }
0x15: {  	s22 =	sadd.s32 s14, s20;
	[dreg:$0x19] =	wrdreg s13  }
0x16: {  	s15 =	sadd.s32 $0xA0, s12;
	s23 =	sadd.s32 s14, s18;
	[dreg:$0xa] =	wrdreg s22  }
0x17: {  	s16 =	sshrl.u32 s15, $0x3;
	s13 =	sadd.s32 s19, s18;
	[dreg:$0xb] =	wrdreg s23  }
0x18: {  	s29 =	sadd.s32 $0x28, s12;
	s24 =	sadd.s32 s16, s20;
	[dreg:$0x9] =	wrdreg s13  }
0x19: {  	s17 =	sadd.s32 $0x78, s12;
	s25 =	sadd.s32 s16, s18;
	[dreg:$0xc] =	wrdreg s24  }
0x1a: {  	s26 =	sshrl.u32 s17, $0x3;
	s19 =	sadd.s32 $0xF0, s12;
	[dreg:$0xd] =	wrdreg s25  }
0x1b: {  	s8 =	sadd.s32 $0x26E8, s6;
	s28 =	sadd.s32 s26, s20;
	[dreg:$0x1b] =	wrdreg s19  }
0x1c: {  	s17 =	sshrl.u32 s29, $0x3;
	s30 =	sadd.s32 s26, s18;
	[dreg:$0xe] =	wrdreg s28  }
0x1d: {  	s23 =	sshll.u32 s14, $0x7;
	s31 =	sadd.s32 s17, s20;
	[dreg:$0xf] =	wrdreg s30  }
0x1e: {  	s14 =	sshrl.u32 s6, $0x3;
	s11 =	sadd.s32 s17, s18;
	[dreg:$0x10] =	wrdreg s31  }
0x1f: {  	s6 =	sadd.s32 $0x28, s6;
	s10 =	sadd.s32 s23, s2;
	[dreg:$0x11] =	wrdreg s11  }
0x20: {  	s13 =	sshll.u32 s8, $0x4;
	s16 =	sadd.s32 s18, s14;
	[dreg:$0x1e] =	wrdreg s10  }
0x21: {  	s24 =	sshll.u32 s19, $0x4;
	s22 =	sadd.s32 s2, s13;
	[smem:$0x7F2] =	sst s16  }
0x22: {  	s25 =	sshll.u32 s15, $0x4;
	s11 =	sadd.s32 s24, s2;
	[dreg:$0x1c] =	wrdreg s22  }
0x23: {  	s15 =	sshrl.u32 s6, $0x3;
	s10 =	sadd.s32 s25, s2;
	[dreg:$0x1d] =	wrdreg s11  }
0x24: {  	s29 =	sshll.u32 s17, $0x7;
	s19 =	sadd.s32 s18, s15;
	[dreg:$0x1f] =	wrdreg s10  }
0x25: {  	s17 =	sshrl.u32 s9, $0x3;
	s0 =	sadd.s32 s20, s15;
	[smem:$0x7F4] =	sst s19  }
0x26: {  	s26 =	sshll.u32 s26, $0x7;
	s23 =	sadd.s32 s18, s17;
	[smem:$0x7F5] =	sst s0  }
0x27: {  	s28 =	sadd.s32 $0x50, s12;
	s24 =	sadd.s32 s20, s17;
	[smem:$0x7F7] =	sst s23  }
0x28: {  	s25 =	sshrl.u32 s7, $0x3;
	s10 =	sadd.s32 s26, s2;
	[smem:$0x7F8] =	sst s24  }
0x29: {  	s12 =	sshrl.u32 s28, $0x3;
	s22 =	sadd.s32 s3, s4;
	[smem:$0x7EF] =	sst s10  }
0x2a: {  	s30 =	sshll.u32 s28, $0x4;
	s28 =	sadd.s32 s18, s25;
	[smem:$0x7F6] =	sst s22  }
0x2b: {  	s0 =	sadd.s32 s20, s25;
	[smem:$0x7F9] =	sst s28  }
0x2c: {  	s10 =	sadd.s32 s29, s2;
	[smem:$0x7FA] =	sst s0  }
0x2d: {  	s2 =	sadd.s32 s30, s2;
	[smem:$0x7F0] =	sst s10  }
0x2e: {  	s31 =	sadd.s32 s12, s20;
	[smem:$0x7F1] =	sst s2  }
0x2f: {  	s26 =	sshrl.u32 s8, $0x3;
	s13 =	sadd.s32 s12, s18;
	[dreg:$0x12] =	wrdreg s31  }
0x30: {  	s29 =	sadd.s32 s18, s26;
	[dreg:$0x13] =	wrdreg s13  }
0x31: {  	s30 =	sadd.s32 s20, s26;
	[smem:$0x7FB] =	sst s29  }
0x32: {  	s2 =	sadd.s32 s20, s14;
	[smem:$0x7FC] =	sst s30  }
0x33: {  	s31 =	smax.u32 s1, $0x1;
	[smem:$0x7F3] =	sst s2  }
0x34: {  	p0 =	sgt.u32 s21, $0x9;
	s0 =	simm.s32 $0x0;
	[smem:$0x7FD] =	sst s31  }
.LBB2_1:
0x35: {  	s2 =	sld [smem:$0x7F2];
	_ =	sdelay $0x1  }
0x36: {  	s23 =	simm.s32 $0x13880;
	s7 =	sld [smem:$0x7F3]  }
0x37: {  	[tilespmem:s23], [sflag:$0x1] =	stream.linear.gather [hbm4b:s2+s5], $0x28, $0x38;
	[tilespmem:$0x1DA60] =	vst v63  }
0x38: {  	s15 =	simm.s32 $0x138A8;
	s8 =	sld [smem:$0x7F4]  }
0x39: {  	[tilespmem:s15], [sflag:$0x1] =	stream.linear.gather [hbm4b:s7+s5], $0x28, $0x38;
	[tilespmem:$0x1DA60] =	vst v63  }
0x3a: {  	s29 =	simm.s32 $0x138D0;
	s16 =	sld [smem:$0x7F5]  }
0x3b: {  	[tilespmem:s29], [sflag:$0x2] =	stream.linear.gather [hbm4b:s8+s5], $0x28, $0x38;
	[tilespmem:$0x1DA60] =	vst v63  }
0x3c: {  	s17 =	simm.s32 $0x138F8  }
0x3d: {  	[tilespmem:s17], [sflag:$0x2] =	stream.linear.gather [hbm4b:s16+s5], $0x28, $0x38;
	[tilespmem:$0x1DA60] =	vst v63  }
0x3e: {  	s18 =	simm.s32 $0x13970  }
0x3f: {  	[tilespmem:s18], [sflag:$0x4] =	stream.linear.gather [hbm4b:s7+s5], $0x28, $0x38;
	[tilespmem:$0x1DA60] =	vst v63  }
0x40: {  	[smem:$0x7EC] =	sst s0;
	s19 =	simm.s32 $0x13998;
	s3 =	simm.s32 $0x1  }
0x41: {  	[tilespmem:s19], [sflag:$0x4] =	stream.linear.gather [hbm4b:s2+s5], $0x28, $0x38;
	[tilespmem:$0x1DA60] =	vst v63  }
0x42: {  	_ =	swait.ge [sflag:s3], $0x28  }
0x43: {  	[sflag:s3] =	ssyncset.done $0x0  }
0x44: {  	[sflag:s3] =	ssyncadd.s32 $0xFFFFFFD8  }
0x45: {  	_ =	swait.ge [sflag:s3], $0x28  }
0x46: {  	s2 =	stileid.u32;
	s20 =	rddreg [dreg:$0x16]  }
0x47: {  	s21 =	simm.s32 $0x13A60;
	s2 =	sshll.u32 @!p0 s2, $0x6;
	s12 =	rddreg [dreg:$0x14]  }
0x48: {  	s0 =	sor.u32 @!p0 $0x1C0B, s2;
	[sflag:s3] =	ssyncset.done $0x0;
	s2 =	sld [smem:$0x7F6]  }
0x49: {  	s25 =	simm.s32 $0x16260;
	[smem:$0x7ED] =	sst s0;
	[sflag:s3] =	ssyncadd.s32 $0xFFFFFFD8  }
0x4a: {  	[tilespmem:s21], [sflag:$0x7] =	stream.linear.gather [hbm4b:s20+s5], $0x1400, $0x38;
	[tilespmem:$0x1DA60] =	vst v63  }
0x4b: {  	s20 =	simm.s32 $0x50;
	s1 =	sshrl.u32 @!p0 s2, $0x3;
	s2 =	rddreg [dreg:$0x17]  }
0x4c: {  	[tilespmem:s25], [sflag:$0x7] =	stream.indirect.gather [hbm4b:s12+s20], $0x40, s23, s20, $0xb8;
	[tilespmem:$0x1DA60] =	vst v63  }
0x4d: {  	[smem:$0x7EE] =	sst s1  }
0x4e: {  	[spmem:s1], [sflag:s0] =	dma.local @!p0 [hbm:s2], $0x3E80  }
0x4f: {  	s2 =	simm.s32 @!p0 $0xB  }
0x50: {  	_ =	swait.ge @!p0 [sflag:s2], $0x3E80  }
0x51: {  	[sflag:s2] =	ssyncset.done @!p0 $0x0  }
0x52: {  	p1 =	por $0x1, $0x1;
	[sflag:s2] =	ssyncadd.s32 @!p0 $0xFFFFC180  }
0x53: {  	s2 =	simm.s32 @!p1 $0x9;
	[bflag:$0x0] =	sbarrier.arrive $0xFFFF  }
0x54: {  	_ =	swait.ge @!p1 [sflag:s2], $0x2800  }
0x55: {  	s25 =	simm.s32 $0x13920;
	s26 =	rddreg [dreg:$0x13];
	[sflag:s2] =	ssyncset.done @!p1 $0x0  }
0x56: {  	s28 =	rddreg [dreg:$0x12];
	[sflag:s2] =	ssyncadd.s32 @!p1 $0xFFFFD800;
	s2 =	sadd.s32 $0x0, s26  }
0x57: {  	[tilespmem:s25], [sflag:$0x3] =	stream.linear.gather [hbm4b:s2+s5], $0x28, $0x38;
	[tilespmem:$0x1DA60] =	vst v63  }
0x58: {  	s18 =	simm.s32 $0x13948;
	s19 =	simm.s32 $0x2;
	s7 =	sadd.s32 $0x0, s28  }
0x59: {  	[tilespmem:s18], [sflag:$0x3] =	stream.linear.gather [hbm4b:s7+s5], $0x28, $0x38;
	[tilespmem:$0x1DA60] =	vst v63  }
0x5a: {  	s30 =	rddreg [dreg:$0x11];
	_ =	swait.ge [sflag:s19], $0x28  }
0x5b: {  	[sflag:s19] =	ssyncset.done $0x0  }
0x5c: {  	[sflag:s19] =	ssyncadd.s32 $0xFFFFFFD8  }
0x5d: {  	s9 =	rddreg [dreg:$0x10];
	_ =	swait.ge [sflag:s19], $0x28  }
0x5e: {  	s28 =	sld [smem:$0x7F0]  }
0x5f: {  	[sflag:s19] =	ssyncset.done $0x0  }
0x60: {  	s1 =	simm.s32 $0x14E60;
	[sflag:s19] =	ssyncadd.s32 $0xFFFFFFD8  }
0x61: {  	[tilespmem:s1], [sflag:$0x8] =	stream.linear.gather [hbm4b:s28+s5], $0x1400, $0x38;
	[tilespmem:$0x1DA60] =	vst v63  }
0x62: {  	s4 =	simm.s32 $0x17660  }
0x63: {  	[tilespmem:s4], [sflag:$0x8] =	stream.indirect.gather [hbm4b:s12+s20], $0x40, s29, s20, $0xb8;
	[tilespmem:$0x1DA60] =	vst v63  }
0x64: {  	s4 =	simm.s32 $0x7  }
0x65: {  	_ =	swait.ge [sflag:s4], $0x1400  }
0x66: {  	[sflag:s4] =	ssyncset.done $0x0  }
0x67: {  	[sflag:s4] =	ssyncadd.s32 $0xFFFFEC00  }
0x68: {  	_ =	swait.ge [sflag:s4], $0x1400  }
0x69: {  	[sflag:s4] =	ssyncset.done $0x0  }
0x6a: {  	s16 =	simm.s32 $0x4;
	[sflag:s4] =	ssyncadd.s32 $0xFFFFEC00  }
0x6b: {  	_ =	swait.ge [sflag:s16], $0x28  }
0x6c: {  	[sflag:s16] =	ssyncset.done $0x0  }
0x6d: {  	[sflag:s16] =	ssyncadd.s32 $0xFFFFFFD8  }
0x6e: {  	_ =	swait.ge [sflag:s16], $0x28  }
0x6f: {  	[sflag:s16] =	ssyncset.done $0x0  }
0x70: {  	[sflag:s16] =	ssyncadd.s32 $0xFFFFFFD8  }
0x71: {  	s6 =	simm.s32 $0x13970;
	s31 =	simm.s32 $0x18A60;
	s14 =	rddreg [dreg:$0x6]  }
0x72: {  	[spmem:s14] =	stream.indirect.scatter.add.f32 [tilespmem:s31], [sflag:$0x9], $0x80, s6, s20, $0xb8;
	[tilespmem:$0x1DA60] =	vst v63  }
0x73: {  	s15 =	simm.s32 $0x139C0;
	s9 =	sadd.s32 $0x0, s9  }
0x74: {  	[tilespmem:s15], [sflag:$0x5] =	stream.linear.gather [hbm4b:s9+s5], $0x28, $0x38;
	[tilespmem:$0x1DA60] =	vst v63  }
0x75: {  	s13 =	simm.s32 $0x139E8;
	s8 =	sadd.s32 $0x0, s30;
	s9 =	simm.s32 @!p1 $0xA  }
0x76: {  	[tilespmem:s13], [sflag:$0x5] =	stream.linear.gather [hbm4b:s8+s5], $0x28, $0x38;
	[tilespmem:$0x1DA60] =	vst v63  }
0x77: {  	_ =	swait.ge @!p1 [sflag:s9], $0x2800  }
0x78: {  	s6 =	rddreg [dreg:$0xf];
	[sflag:s9] =	ssyncset.done @!p1 $0x0  }
0x79: {  	s10 =	rddreg [dreg:$0xe];
	[sflag:s9] =	ssyncadd.s32 @!p1 $0xFFFFD800;
	s8 =	sadd.s32 $0x0, s6  }
0x7a: {  	[tilespmem:s23], [sflag:$0x1] =	stream.linear.gather [hbm4b:s8+s5], $0x28, $0x38;
	[tilespmem:$0x1DA60] =	vst v63  }
0x7b: {  	s24 =	simm.s32 $0x138A8;
	s0 =	simm.s32 $0x3;
	s9 =	sadd.s32 $0x0, s10  }
0x7c: {  	[tilespmem:s24], [sflag:$0x1] =	stream.linear.gather [hbm4b:s9+s5], $0x28, $0x38;
	[tilespmem:$0x1DA60] =	vst v63  }
0x7d: {  	_ =	swait.ge [sflag:s0], $0x28  }
0x7e: {  	[sflag:s0] =	ssyncset.done $0x0  }
0x7f: {  	[sflag:s0] =	ssyncadd.s32 $0xFFFFFFD8  }
0x80: {  	_ =	swait.ge [sflag:s0], $0x28  }
0x81: {  	s24 =	sld [smem:$0x7F1]  }
0x82: {  	[sflag:s0] =	ssyncset.done $0x0  }
0x83: {  	s21 =	simm.s32 $0x13A60;
	[sflag:s0] =	ssyncadd.s32 $0xFFFFFFD8  }
0x84: {  	[tilespmem:s21], [sflag:$0x7] =	stream.linear.gather [hbm4b:s24+s5], $0x1400, $0x38;
	[tilespmem:$0x1DA60] =	vst v63  }
0x85: {  	s17 =	simm.s32 $0x16260;
	s21 =	simm.s32 $0x8  }
0x86: {  	[tilespmem:s17], [sflag:$0x7] =	stream.indirect.gather [hbm4b:s12+s20], $0x40, s25, s20, $0xb8;
	[tilespmem:$0x1DA60] =	vst v63  }
0x87: {  	_ =	swait.ge [sflag:s21], $0x1400  }
0x88: {  	[sflag:s21] =	ssyncset.done $0x0  }
0x89: {  	[sflag:s21] =	ssyncadd.s32 $0xFFFFEC00  }
0x8a: {  	_ =	swait.ge [sflag:s21], $0x1400  }
0x8b: {  	[sflag:s21] =	ssyncset.done $0x0  }
0x8c: {  	s1 =	simm.s32 $0x5;
	[sflag:s21] =	ssyncadd.s32 $0xFFFFEC00  }
0x8d: {  	_ =	swait.ge [sflag:s1], $0x28  }
0x8e: {  	[sflag:s1] =	ssyncset.done $0x0  }
0x8f: {  	[sflag:s1] =	ssyncadd.s32 $0xFFFFFFD8  }
0x90: {  	_ =	swait.ge [sflag:s1], $0x28  }
0x91: {  	[sflag:s1] =	ssyncset.done $0x0  }
0x92: {  	s30 =	simm.s32 $0x1B260;
	[sflag:s1] =	ssyncadd.s32 $0xFFFFFFD8  }
0x93: {  	[spmem:s14] =	stream.indirect.scatter.add.f32 [tilespmem:s30], [sflag:$0xA], $0x80, s15, s20, $0xb8;
	[tilespmem:$0x1DA60] =	vst v63  }
0x94: {  	s17 =	simm.s32 $0x13A10  }
0x95: {  	[tilespmem:s17], [sflag:$0x6] =	stream.linear.gather [hbm4b:s7+s5], $0x28, $0x38;
	[tilespmem:$0x1DA60] =	vst v63  }
0x96: {  	s10 =	simm.s32 $0x13A38;
	s6 =	simm.s32 $0x9  }
0x97: {  	[tilespmem:s10], [sflag:$0x6] =	stream.linear.gather [hbm4b:s2+s5], $0x28, $0x38;
	[tilespmem:$0x1DA60] =	vst v63  }
0x98: {  	_ =	swait.ge [sflag:s6], $0x2800  }
0x99: {  	s7 =	rddreg [dreg:$0xd];
	[sflag:s6] =	ssyncset.done $0x0  }
0x9a: {  	s10 =	rddreg [dreg:$0xc];
	[sflag:s6] =	ssyncadd.s32 $0xFFFFD800;
	s2 =	sadd.s32 $0x0, s7  }
0x9b: {  	[tilespmem:s29], [sflag:$0x2] =	stream.linear.gather [hbm4b:s2+s5], $0x28, $0x38;
	[tilespmem:$0x1DA60] =	vst v63  }
0x9c: {  	s22 =	simm.s32 $0x138F8;
	s7 =	sadd.s32 $0x0, s10  }
0x9d: {  	[tilespmem:s22], [sflag:$0x2] =	stream.linear.gather [hbm4b:s7+s5], $0x28, $0x38;
	[tilespmem:$0x1DA60] =	vst v63  }
0x9e: {  	_ =	swait.ge [sflag:s3], $0x28  }
0x9f: {  	[sflag:s3] =	ssyncset.done $0x0  }
0xa0: {  	[sflag:s3] =	ssyncadd.s32 $0xFFFFFFD8  }
0xa1: {  	_ =	swait.ge [sflag:s3], $0x28  }
0xa2: {  	s22 =	sld [smem:$0x7EF]  }
0xa3: {  	[sflag:s3] =	ssyncset.done $0x0  }
0xa4: {  	s10 =	simm.s32 $0x14E60;
	[sflag:s3] =	ssyncadd.s32 $0xFFFFFFD8  }
0xa5: {  	[tilespmem:s10], [sflag:$0x8] =	stream.linear.gather [hbm4b:s22+s5], $0x1400, $0x38;
	[tilespmem:$0x1DA60] =	vst v63  }
0xa6: {  	s11 =	simm.s32 $0x17660  }
0xa7: {  	[tilespmem:s11], [sflag:$0x8] =	stream.indirect.gather [hbm4b:s12+s20], $0x40, s23, s20, $0xb8;
	[tilespmem:$0x1DA60] =	vst v63  }
0xa8: {  	_ =	swait.ge [sflag:s4], $0x1400  }
0xa9: {  	[sflag:s4] =	ssyncset.done $0x0  }
0xaa: {  	[sflag:s4] =	ssyncadd.s32 $0xFFFFEC00  }
0xab: {  	_ =	swait.ge [sflag:s4], $0x1400  }
0xac: {  	[sflag:s4] =	ssyncset.done $0x0  }
0xad: {  	s10 =	simm.s32 $0x6;
	[sflag:s4] =	ssyncadd.s32 $0xFFFFEC00  }
0xae: {  	_ =	swait.ge [sflag:s10], $0x28  }
0xaf: {  	[sflag:s10] =	ssyncset.done $0x0  }
0xb0: {  	[sflag:s10] =	ssyncadd.s32 $0xFFFFFFD8  }
0xb1: {  	_ =	swait.ge [sflag:s10], $0x28  }
0xb2: {  	[sflag:s10] =	ssyncset.done $0x0  }
0xb3: {  	[sflag:s10] =	ssyncadd.s32 $0xFFFFFFD8  }
0xb4: {  	[spmem:s14] =	stream.indirect.scatter.add.f32 [tilespmem:s31], [sflag:$0x9], $0x80, s17, s20, $0xb8;
	[tilespmem:$0x1DA60] =	vst v63  }
0xb5: {  	s11 =	simm.s32 $0x13970  }
0xb6: {  	[tilespmem:s11], [sflag:$0x4] =	stream.linear.gather [hbm4b:s9+s5], $0x28, $0x38;
	[tilespmem:$0x1DA60] =	vst v63  }
0xb7: {  	s11 =	simm.s32 $0x13998  }
0xb8: {  	[tilespmem:s11], [sflag:$0x4] =	stream.linear.gather [hbm4b:s8+s5], $0x28, $0x38;
	[tilespmem:$0x1DA60] =	vst v63  }
0xb9: {  	s11 =	simm.s32 $0xA  }
0xba: {  	_ =	swait.ge [sflag:s11], $0x2800  }
0xbb: {  	s8 =	rddreg [dreg:$0xb];
	[sflag:s11] =	ssyncset.done $0x0  }
0xbc: {  	s9 =	rddreg [dreg:$0xa];
	[sflag:s11] =	ssyncadd.s32 $0xFFFFD800;
	s8 =	sadd.s32 $0x0, s8  }
0xbd: {  	[tilespmem:s25], [sflag:$0x3] =	stream.linear.gather [hbm4b:s8+s5], $0x28, $0x38;
	[tilespmem:$0x1DA60] =	vst v63  }
0xbe: {  	s9 =	sadd.s32 $0x0, s9  }
0xbf: {  	[tilespmem:s18], [sflag:$0x3] =	stream.linear.gather [hbm4b:s9+s5], $0x28, $0x38;
	[tilespmem:$0x1DA60] =	vst v63  }
0xc0: {  	_ =	swait.ge [sflag:s19], $0x28  }
0xc1: {  	[sflag:s19] =	ssyncset.done $0x0  }
0xc2: {  	[sflag:s19] =	ssyncadd.s32 $0xFFFFFFD8  }
0xc3: {  	_ =	swait.ge [sflag:s19], $0x28  }
0xc4: {  	[sflag:s19] =	ssyncset.done $0x0  }
0xc5: {  	s26 =	simm.s32 $0x13A60;
	s18 =	rddreg [dreg:$0x1f];
	[sflag:s19] =	ssyncadd.s32 $0xFFFFFFD8  }
0xc6: {  	[tilespmem:s26], [sflag:$0x7] =	stream.linear.gather [hbm4b:s18+s5], $0x1400, $0x38;
	[tilespmem:$0x1DA60] =	vst v63  }
0xc7: {  	s26 =	simm.s32 $0x16260  }
0xc8: {  	[tilespmem:s26], [sflag:$0x7] =	stream.indirect.gather [hbm4b:s12+s20], $0x40, s29, s20, $0xb8;
	[tilespmem:$0x1DA60] =	vst v63  }
0xc9: {  	_ =	swait.ge [sflag:s21], $0x1400  }
0xca: {  	[sflag:s21] =	ssyncset.done $0x0  }
0xcb: {  	[sflag:s21] =	ssyncadd.s32 $0xFFFFEC00  }
0xcc: {  	_ =	swait.ge [sflag:s21], $0x1400  }
0xcd: {  	[sflag:s21] =	ssyncset.done $0x0  }
0xce: {  	[sflag:s21] =	ssyncadd.s32 $0xFFFFEC00  }
0xcf: {  	_ =	swait.ge [sflag:s16], $0x28  }
0xd0: {  	[sflag:s16] =	ssyncset.done $0x0  }
0xd1: {  	[sflag:s16] =	ssyncadd.s32 $0xFFFFFFD8  }
0xd2: {  	_ =	swait.ge [sflag:s16], $0x28  }
0xd3: {  	[sflag:s16] =	ssyncset.done $0x0  }
0xd4: {  	s19 =	simm.s32 $0x13970;
	[sflag:s16] =	ssyncadd.s32 $0xFFFFFFD8  }
0xd5: {  	[spmem:s14] =	stream.indirect.scatter.add.f32 [tilespmem:s30], [sflag:$0xA], $0x80, s19, s20, $0xb8;
	[tilespmem:$0x1DA60] =	vst v63  }
0xd6: {  	_ = 	snop  }
0xd7: {  	[tilespmem:s15], [sflag:$0x5] =	stream.linear.gather [hbm4b:s7+s5], $0x28, $0x38;
	[tilespmem:$0x1DA60] =	vst v63  }
0xd8: {  	_ = 	snop  }
0xd9: {  	[tilespmem:s13], [sflag:$0x5] =	stream.linear.gather [hbm4b:s2+s5], $0x28, $0x38;
	[tilespmem:$0x1DA60] =	vst v63  }
0xda: {  	_ =	swait.ge [sflag:s6], $0x2800  }
0xdb: {  	[sflag:s6] =	ssyncset.done $0x0  }
0xdc: {  	s16 =	rddreg [dreg:$0x1b];
	[sflag:s6] =	ssyncadd.s32 $0xFFFFD800  }
0xdd: {  	s13 =	sshrl.u32 s16, $0x3;
	s26 =	rddreg [dreg:$0x2]  }
0xde: {  	s6 =	rddreg [dreg:$0x3];
	s26 =	sadd.s32 s26, s13  }
0xdf: {  	[tilespmem:s23], [sflag:$0x1] =	stream.linear.gather [hbm4b:s26+s5], $0x28, $0x38;
	[tilespmem:$0x1DA60] =	vst v63  }
0xe0: {  	s2 =	sadd.s32 s6, s13;
	s13 =	simm.s32 $0x138A8  }
0xe1: {  	[tilespmem:s13], [sflag:$0x1] =	stream.linear.gather [hbm4b:s2+s5], $0x28, $0x38;
	[tilespmem:$0x1DA60] =	vst v63  }
0xe2: {  	_ =	swait.ge [sflag:s0], $0x28  }
0xe3: {  	[sflag:s0] =	ssyncset.done $0x0  }
0xe4: {  	[sflag:s0] =	ssyncadd.s32 $0xFFFFFFD8  }
0xe5: {  	_ =	swait.ge [sflag:s0], $0x28  }
0xe6: {  	[sflag:s0] =	ssyncset.done $0x0  }
0xe7: {  	s6 =	simm.s32 $0x14E60;
	s13 =	rddreg [dreg:$0x1e];
	[sflag:s0] =	ssyncadd.s32 $0xFFFFFFD8  }
0xe8: {  	[tilespmem:s6], [sflag:$0x8] =	stream.linear.gather [hbm4b:s13+s5], $0x1400, $0x38;
	[tilespmem:$0x1DA60] =	vst v63  }
0xe9: {  	s7 =	simm.s32 $0x17660  }
0xea: {  	[tilespmem:s7], [sflag:$0x8] =	stream.indirect.gather [hbm4b:s12+s20], $0x40, s25, s20, $0xb8;
	[tilespmem:$0x1DA60] =	vst v63  }
0xeb: {  	_ =	swait.ge [sflag:s4], $0x1400  }
0xec: {  	[sflag:s4] =	ssyncset.done $0x0  }
0xed: {  	[sflag:s4] =	ssyncadd.s32 $0xFFFFEC00  }
0xee: {  	_ =	swait.ge [sflag:s4], $0x1400  }
0xef: {  	[sflag:s4] =	ssyncset.done $0x0  }
0xf0: {  	[sflag:s4] =	ssyncadd.s32 $0xFFFFEC00  }
0xf1: {  	_ =	swait.ge [sflag:s1], $0x28  }
0xf2: {  	[sflag:s1] =	ssyncset.done $0x0  }
0xf3: {  	[sflag:s1] =	ssyncadd.s32 $0xFFFFFFD8  }
0xf4: {  	_ =	swait.ge [sflag:s1], $0x28  }
0xf5: {  	[sflag:s1] =	ssyncset.done $0x0  }
0xf6: {  	[sflag:s1] =	ssyncadd.s32 $0xFFFFFFD8  }
0xf7: {  	[spmem:s14] =	stream.indirect.scatter.add.f32 [tilespmem:s31], [sflag:$0x9], $0x80, s15, s20, $0xb8;
	[tilespmem:$0x1DA60] =	vst v63  }
0xf8: {  	_ = 	snop  }
0xf9: {  	[tilespmem:s17], [sflag:$0x6] =	stream.linear.gather [hbm4b:s9+s5], $0x28, $0x38;
	[tilespmem:$0x1DA60] =	vst v63  }
0xfa: {  	s1 =	simm.s32 $0x13A38  }
0xfb: {  	[tilespmem:s1], [sflag:$0x6] =	stream.linear.gather [hbm4b:s8+s5], $0x28, $0x38;
	[tilespmem:$0x1DA60] =	vst v63  }
0xfc: {  	_ =	swait.ge [sflag:s11], $0x2800  }
0xfd: {  	s4 =	rddreg [dreg:$0x9];
	[sflag:s11] =	ssyncset.done $0x0  }
0xfe: {  	s6 =	rddreg [dreg:$0x8];
	[sflag:s11] =	ssyncadd.s32 $0xFFFFD800;
	s7 =	sadd.s32 $0x0, s4  }
0xff: {  	[tilespmem:s29], [sflag:$0x2] =	stream.linear.gather [hbm4b:s7+s5], $0x28, $0x38;
	[tilespmem:$0x1DA60] =	vst v63  }
0x100: {  	s9 =	simm.s32 $0x138F8;
	s8 =	sadd.s32 $0x0, s6  }
0x101: {  	[tilespmem:s9], [sflag:$0x2] =	stream.linear.gather [hbm4b:s8+s5], $0x28, $0x38;
	[tilespmem:$0x1DA60] =	vst v63  }
0x102: {  	_ =	swait.ge [sflag:s3], $0x28  }
0x103: {  	[sflag:s3] =	ssyncset.done $0x0  }
0x104: {  	[sflag:s3] =	ssyncadd.s32 $0xFFFFFFD8  }
0x105: {  	_ =	swait.ge [sflag:s3], $0x28  }
0x106: {  	[sflag:s3] =	ssyncset.done $0x0  }
0x107: {  	s15 =	simm.s32 $0x13A60;
	s11 =	rddreg [dreg:$0x1d];
	[sflag:s3] =	ssyncadd.s32 $0xFFFFFFD8  }
0x108: {  	[tilespmem:s15], [sflag:$0x7] =	stream.linear.gather [hbm4b:s11+s5], $0x1400, $0x38;
	[tilespmem:$0x1DA60] =	vst v63  }
0x109: {  	s25 =	simm.s32 $0x16260  }
0x10a: {  	[tilespmem:s25], [sflag:$0x7] =	stream.indirect.gather [hbm4b:s12+s20], $0x40, s23, s20, $0xb8;
	[tilespmem:$0x1DA60] =	vst v63  }
0x10b: {  	_ =	swait.ge [sflag:s21], $0x1400  }
0x10c: {  	[sflag:s21] =	ssyncset.done $0x0  }
0x10d: {  	[sflag:s21] =	ssyncadd.s32 $0xFFFFEC00  }
0x10e: {  	_ =	swait.ge [sflag:s21], $0x1400  }
0x10f: {  	[sflag:s21] =	ssyncset.done $0x0  }
0x110: {  	[sflag:s21] =	ssyncadd.s32 $0xFFFFEC00  }
0x111: {  	_ =	swait.ge [sflag:s10], $0x28  }
0x112: {  	[sflag:s10] =	ssyncset.done $0x0  }
0x113: {  	p2 =	por $0x0, $0x0;
	[sflag:s10] =	ssyncadd.s32 $0xFFFFFFD8  }
0x114: {  	s24 =	sadd.s32 $0xF00, s24;
	s22 =	sadd.s32 $0xF00, s22;
	_ =	swait.ge [sflag:s10], $0x28  }
0x115: {  	s31 =	sadd.s32 $0xF00, s18;
	s18 =	sadd.s32 $0xF0, s16;
	[sflag:s10] =	ssyncset.done $0x0  }
0x116: {  	s29 =	sadd.s32 $0xF00, s13;
	s8 =	simm.s32 $0x1E;
	[sflag:s10] =	ssyncadd.s32 $0xFFFFFFD8  }
0x117: {  	[spmem:s14] =	stream.indirect.scatter.add.f32 [tilespmem:s30], [sflag:$0xA], $0x80, s17, s20, $0xb8;
	[tilespmem:$0x1DA60] =	vst v63  }
0x118: {  	s15 =	simm.s32 $0x3C;
	s10 =	smov.u32 s11;
	s14 =	sadd.s32 $0xF00, s28  }
0x119: {  	[tilespmem:s19], [sflag:$0x4] =	stream.linear.gather [hbm4b:s2+s5], $0x28, $0x38;
	[tilespmem:$0x1DA60] =	vst v63  }
.LBB2_2:
0x11a: {  	s0 =	smov.u32 s15  }
0x11b: {  	s2 =	simm.s32 @!p2 $0x9;
	s16 =	simm.s32 $0x13998;
	[dreg:$0x15] =	wrdreg s0  }
0x11c: {  	[tilespmem:s16], [sflag:$0x4] =	stream.linear.gather [hbm4b:s26+s5], $0x28, $0x38;
	[tilespmem:$0x1DA60] =	vst v63  }
0x11d: {  	_ =	swait.ge @!p2 [sflag:s2], $0x2800  }
0x11e: {  	s17 =	simm.s32 $0x13920;
	s7 =	rddreg [dreg:$0x13];
	[sflag:s2] =	ssyncset.done @!p2 $0x0  }
0x11f: {  	s9 =	rddreg [dreg:$0x12];
	[sflag:s2] =	ssyncadd.s32 @!p2 $0xFFFFD800;
	s26 =	sadd.s32 s8, s7  }
0x120: {  	[tilespmem:s17], [sflag:$0x3] =	stream.linear.gather [hbm4b:s26+s5], $0x28, $0x38;
	[tilespmem:$0x1DA60] =	vst v63  }
0x121: {  	s21 =	simm.s32 $0x13948;
	s1 =	simm.s32 $0x2;
	s7 =	sadd.s32 s8, s9  }
0x122: {  	[tilespmem:s21], [sflag:$0x3] =	stream.linear.gather [hbm4b:s7+s5], $0x28, $0x38;
	[tilespmem:$0x1DA60] =	vst v63  }
0x123: {  	s19 =	rddreg [dreg:$0x11];
	_ =	swait.ge [sflag:s1], $0x28  }
0x124: {  	[sflag:s1] =	ssyncset.done $0x0  }
0x125: {  	[sflag:s1] =	ssyncadd.s32 $0xFFFFFFD8  }
0x126: {  	s23 =	rddreg [dreg:$0x10];
	_ =	swait.ge [sflag:s1], $0x28  }
0x127: {  	s28 =	simm.s32 $0x14E60;
	[sflag:s1] =	ssyncset.done $0x0  }
0x128: {  	s30 =	simm.s32 $0x138D0;
	s20 =	simm.s32 $0x50;
	[sflag:s1] =	ssyncadd.s32 $0xFFFFFFD8  }
0x129: {  	[tilespmem:s28], [sflag:$0x8] =	stream.linear.gather [hbm4b:s14+s5], $0x1400, $0x38;
	[tilespmem:$0x1DA60] =	vst v63  }
0x12a: {  	s3 =	simm.s32 $0x17660;
	s21 =	simm.s32 $0x7;
	s12 =	rddreg [dreg:$0x14]  }
0x12b: {  	[tilespmem:s3], [sflag:$0x8] =	stream.indirect.gather [hbm4b:s12+s20], $0x40, s30, s20, $0xb8;
	[tilespmem:$0x1DA60] =	vst v63  }
0x12c: {  	_ =	swait.ge [sflag:s21], $0x1400  }
0x12d: {  	[sflag:s21] =	ssyncset.done $0x0  }
0x12e: {  	[sflag:s21] =	ssyncadd.s32 $0xFFFFEC00  }
0x12f: {  	_ =	swait.ge [sflag:s21], $0x1400  }
0x130: {  	[sflag:s21] =	ssyncset.done $0x0  }
0x131: {  	s16 =	simm.s32 $0x4;
	[sflag:s21] =	ssyncadd.s32 $0xFFFFEC00  }
0x132: {  	_ =	swait.ge [sflag:s16], $0x28  }
0x133: {  	[sflag:s16] =	ssyncset.done $0x0  }
0x134: {  	[sflag:s16] =	ssyncadd.s32 $0xFFFFFFD8  }
0x135: {  	_ =	swait.ge [sflag:s16], $0x28  }
0x136: {  	[sflag:s16] =	ssyncset.done $0x0  }
0x137: {  	[sflag:s16] =	ssyncadd.s32 $0xFFFFFFD8  }
0x138: {  	s11 =	simm.s32 $0x18A60;
	s0 =	simm.s32 $0x13970;
	s4 =	rddreg [dreg:$0x6]  }
0x139: {  	[spmem:s4] =	stream.indirect.scatter.add.f32 [tilespmem:s11], [sflag:$0x9], $0x80, s0, s20, $0xb8;
	[tilespmem:$0x1DA60] =	vst v63  }
0x13a: {  	s9 =	sadd.s32 s8, s23;
	s3 =	simm.s32 $0x139C0  }
0x13b: {  	[tilespmem:s3], [sflag:$0x5] =	stream.linear.gather [hbm4b:s9+s5], $0x28, $0x38;
	[tilespmem:$0x1DA60] =	vst v63  }
0x13c: {  	s2 =	sadd.s32 s8, s19;
	s11 =	simm.s32 $0x139E8;
	s9 =	simm.s32 @!p2 $0xA  }
0x13d: {  	[tilespmem:s11], [sflag:$0x5] =	stream.linear.gather [hbm4b:s2+s5], $0x28, $0x38;
	[tilespmem:$0x1DA60] =	vst v63  }
0x13e: {  	_ =	swait.ge @!p2 [sflag:s9], $0x2800  }
0x13f: {  	s19 =	simm.s32 $0x13880;
	s17 =	rddreg [dreg:$0xf];
	[sflag:s9] =	ssyncset.done @!p2 $0x0  }
0x140: {  	s28 =	rddreg [dreg:$0xe];
	[sflag:s9] =	ssyncadd.s32 @!p2 $0xFFFFD800;
	s2 =	sadd.s32 s8, s17  }
0x141: {  	[tilespmem:s19], [sflag:$0x1] =	stream.linear.gather [hbm4b:s2+s5], $0x28, $0x38;
	[tilespmem:$0x1DA60] =	vst v63  }
0x142: {  	s23 =	simm.s32 $0x138A8;
	s30 =	simm.s32 $0x3;
	s9 =	sadd.s32 s8, s28  }
0x143: {  	[tilespmem:s23], [sflag:$0x1] =	stream.linear.gather [hbm4b:s9+s5], $0x28, $0x38;
	[tilespmem:$0x1DA60] =	vst v63  }
0x144: {  	_ =	swait.ge [sflag:s30], $0x28  }
0x145: {  	[sflag:s30] =	ssyncset.done $0x0  }
0x146: {  	[sflag:s30] =	ssyncadd.s32 $0xFFFFFFD8  }
0x147: {  	_ =	swait.ge [sflag:s30], $0x28  }
0x148: {  	[sflag:s30] =	ssyncset.done $0x0  }
0x149: {  	s28 =	simm.s32 $0x13A60;
	[sflag:s30] =	ssyncadd.s32 $0xFFFFFFD8  }
0x14a: {  	[tilespmem:s28], [sflag:$0x7] =	stream.linear.gather [hbm4b:s24+s5], $0x1400, $0x38;
	[tilespmem:$0x1DA60] =	vst v63  }
0x14b: {  	s6 =	simm.s32 $0x13920;
	s0 =	simm.s32 $0x16260  }
0x14c: {  	[tilespmem:s0], [sflag:$0x7] =	stream.indirect.gather [hbm4b:s12+s20], $0x40, s6, s20, $0xb8;
	[tilespmem:$0x1DA60] =	vst v63  }
0x14d: {  	s0 =	simm.s32 $0x8  }
0x14e: {  	_ =	swait.ge [sflag:s0], $0x1400  }
0x14f: {  	[sflag:s0] =	ssyncset.done $0x0  }
0x150: {  	[sflag:s0] =	ssyncadd.s32 $0xFFFFEC00  }
0x151: {  	_ =	swait.ge [sflag:s0], $0x1400  }
0x152: {  	[sflag:s0] =	ssyncset.done $0x0  }
0x153: {  	s23 =	simm.s32 $0x5;
	[sflag:s0] =	ssyncadd.s32 $0xFFFFEC00  }
0x154: {  	_ =	swait.ge [sflag:s23], $0x28  }
0x155: {  	[sflag:s23] =	ssyncset.done $0x0  }
0x156: {  	[sflag:s23] =	ssyncadd.s32 $0xFFFFFFD8  }
0x157: {  	_ =	swait.ge [sflag:s23], $0x28  }
0x158: {  	[sflag:s23] =	ssyncset.done $0x0  }
0x159: {  	s13 =	simm.s32 $0x139C0;
	s6 =	simm.s32 $0x1B260;
	[sflag:s23] =	ssyncadd.s32 $0xFFFFFFD8  }
0x15a: {  	[spmem:s4] =	stream.indirect.scatter.add.f32 [tilespmem:s6], [sflag:$0xA], $0x80, s13, s20, $0xb8;
	[tilespmem:$0x1DA60] =	vst v63  }
0x15b: {  	s17 =	simm.s32 $0x13A10  }
0x15c: {  	[tilespmem:s17], [sflag:$0x6] =	stream.linear.gather [hbm4b:s7+s5], $0x28, $0x38;
	[tilespmem:$0x1DA60] =	vst v63  }
0x15d: {  	s19 =	simm.s32 $0x13A38  }
0x15e: {  	[tilespmem:s19], [sflag:$0x6] =	stream.linear.gather [hbm4b:s26+s5], $0x28, $0x38;
	[tilespmem:$0x1DA60] =	vst v63  }
0x15f: {  	s19 =	simm.s32 $0x9  }
0x160: {  	_ =	swait.ge [sflag:s19], $0x2800  }
0x161: {  	s6 =	simm.s32 $0x138D0;
	s26 =	rddreg [dreg:$0xd];
	[sflag:s19] =	ssyncset.done $0x0  }
0x162: {  	s3 =	rddreg [dreg:$0xc];
	[sflag:s19] =	ssyncadd.s32 $0xFFFFD800;
	s26 =	sadd.s32 s8, s26  }
0x163: {  	[tilespmem:s6], [sflag:$0x2] =	stream.linear.gather [hbm4b:s26+s5], $0x28, $0x38;
	[tilespmem:$0x1DA60] =	vst v63  }
0x164: {  	s7 =	simm.s32 $0x138F8;
	s28 =	sadd.s32 s8, s3;
	s3 =	simm.s32 $0x1  }
0x165: {  	[tilespmem:s7], [sflag:$0x2] =	stream.linear.gather [hbm4b:s28+s5], $0x28, $0x38;
	[tilespmem:$0x1DA60] =	vst v63  }
0x166: {  	_ =	swait.ge [sflag:s3], $0x28  }
0x167: {  	[sflag:s3] =	ssyncset.done $0x0  }
0x168: {  	[sflag:s3] =	ssyncadd.s32 $0xFFFFFFD8  }
0x169: {  	_ =	swait.ge [sflag:s3], $0x28  }
0x16a: {  	[sflag:s3] =	ssyncset.done $0x0  }
0x16b: {  	s13 =	simm.s32 $0x14E60;
	[sflag:s3] =	ssyncadd.s32 $0xFFFFFFD8  }
0x16c: {  	[tilespmem:s13], [sflag:$0x8] =	stream.linear.gather [hbm4b:s22+s5], $0x1400, $0x38;
	[tilespmem:$0x1DA60] =	vst v63  }
0x16d: {  	s25 =	simm.s32 $0x17660;
	s11 =	simm.s32 $0x13880  }
0x16e: {  	[tilespmem:s25], [sflag:$0x8] =	stream.indirect.gather [hbm4b:s12+s20], $0x40, s11, s20, $0xb8;
	[tilespmem:$0x1DA60] =	vst v63  }
0x16f: {  	_ =	swait.ge [sflag:s21], $0x1400  }
0x170: {  	[sflag:s21] =	ssyncset.done $0x0  }
0x171: {  	[sflag:s21] =	ssyncadd.s32 $0xFFFFEC00  }
0x172: {  	_ =	swait.ge [sflag:s21], $0x1400  }
0x173: {  	[sflag:s21] =	ssyncset.done $0x0  }
0x174: {  	s25 =	simm.s32 $0x6;
	[sflag:s21] =	ssyncadd.s32 $0xFFFFEC00  }
0x175: {  	_ =	swait.ge [sflag:s25], $0x28  }
0x176: {  	[sflag:s25] =	ssyncset.done $0x0  }
0x177: {  	[sflag:s25] =	ssyncadd.s32 $0xFFFFFFD8  }
0x178: {  	_ =	swait.ge [sflag:s25], $0x28  }
0x179: {  	[sflag:s25] =	ssyncset.done $0x0  }
0x17a: {  	s17 =	simm.s32 $0x13A10;
	s13 =	simm.s32 $0x18A60;
	[sflag:s25] =	ssyncadd.s32 $0xFFFFFFD8  }
0x17b: {  	[spmem:s4] =	stream.indirect.scatter.add.f32 [tilespmem:s13], [sflag:$0x9], $0x80, s17, s20, $0xb8;
	[tilespmem:$0x1DA60] =	vst v63  }
0x17c: {  	s11 =	simm.s32 $0x13970  }
0x17d: {  	[tilespmem:s11], [sflag:$0x4] =	stream.linear.gather [hbm4b:s9+s5], $0x28, $0x38;
	[tilespmem:$0x1DA60] =	vst v63  }
0x17e: {  	s17 =	simm.s32 $0x13998  }
0x17f: {  	[tilespmem:s17], [sflag:$0x4] =	stream.linear.gather [hbm4b:s2+s5], $0x28, $0x38;
	[tilespmem:$0x1DA60] =	vst v63  }
0x180: {  	s17 =	simm.s32 $0xA  }
0x181: {  	_ =	swait.ge [sflag:s17], $0x2800  }
0x182: {  	s13 =	simm.s32 $0x13920;
	s7 =	rddreg [dreg:$0xb];
	[sflag:s17] =	ssyncset.done $0x0  }
0x183: {  	s9 =	rddreg [dreg:$0xa];
	[sflag:s17] =	ssyncadd.s32 $0xFFFFD800;
	s7 =	sadd.s32 s8, s7  }
0x184: {  	[tilespmem:s13], [sflag:$0x3] =	stream.linear.gather [hbm4b:s7+s5], $0x28, $0x38;
	[tilespmem:$0x1DA60] =	vst v63  }
0x185: {  	s2 =	simm.s32 $0x13948;
	s9 =	sadd.s32 s8, s9  }
0x186: {  	[tilespmem:s2], [sflag:$0x3] =	stream.linear.gather [hbm4b:s9+s5], $0x28, $0x38;
	[tilespmem:$0x1DA60] =	vst v63  }
0x187: {  	_ =	swait.ge [sflag:s1], $0x28  }
0x188: {  	[sflag:s1] =	ssyncset.done $0x0  }
0x189: {  	[sflag:s1] =	ssyncadd.s32 $0xFFFFFFD8  }
0x18a: {  	_ =	swait.ge [sflag:s1], $0x28  }
0x18b: {  	[sflag:s1] =	ssyncset.done $0x0  }
0x18c: {  	s2 =	simm.s32 $0x13A60;
	[sflag:s1] =	ssyncadd.s32 $0xFFFFFFD8  }
0x18d: {  	[tilespmem:s2], [sflag:$0x7] =	stream.linear.gather [hbm4b:s31+s5], $0x1400, $0x38;
	[tilespmem:$0x1DA60] =	vst v63  }
0x18e: {  	s2 =	simm.s32 $0x16260  }
0x18f: {  	[tilespmem:s2], [sflag:$0x7] =	stream.indirect.gather [hbm4b:s12+s20], $0x40, s6, s20, $0xb8;
	[tilespmem:$0x1DA60] =	vst v63  }
0x190: {  	_ =	swait.ge [sflag:s0], $0x1400  }
0x191: {  	[sflag:s0] =	ssyncset.done $0x0  }
0x192: {  	[sflag:s0] =	ssyncadd.s32 $0xFFFFEC00  }
0x193: {  	_ =	swait.ge [sflag:s0], $0x1400  }
0x194: {  	[sflag:s0] =	ssyncset.done $0x0  }
0x195: {  	[sflag:s0] =	ssyncadd.s32 $0xFFFFEC00  }
0x196: {  	_ =	swait.ge [sflag:s16], $0x28  }
0x197: {  	[sflag:s16] =	ssyncset.done $0x0  }
0x198: {  	[sflag:s16] =	ssyncadd.s32 $0xFFFFFFD8  }
0x199: {  	_ =	swait.ge [sflag:s16], $0x28  }
0x19a: {  	[sflag:s16] =	ssyncset.done $0x0  }
0x19b: {  	s6 =	simm.s32 $0x1B260;
	[sflag:s16] =	ssyncadd.s32 $0xFFFFFFD8  }
0x19c: {  	[spmem:s4] =	stream.indirect.scatter.add.f32 [tilespmem:s6], [sflag:$0xA], $0x80, s11, s20, $0xb8;
	[tilespmem:$0x1DA60] =	vst v63  }
0x19d: {  	s11 =	simm.s32 $0x139C0  }
0x19e: {  	[tilespmem:s11], [sflag:$0x5] =	stream.linear.gather [hbm4b:s28+s5], $0x28, $0x38;
	[tilespmem:$0x1DA60] =	vst v63  }
0x19f: {  	s28 =	simm.s32 $0x139E8  }
0x1a0: {  	[tilespmem:s28], [sflag:$0x5] =	stream.linear.gather [hbm4b:s26+s5], $0x28, $0x38;
	[tilespmem:$0x1DA60] =	vst v63  }
0x1a1: {  	_ =	swait.ge [sflag:s19], $0x2800  }
0x1a2: {  	[sflag:s19] =	ssyncset.done $0x0  }
0x1a3: {  	[sflag:s19] =	ssyncadd.s32 $0xFFFFD800  }
0x1a4: {  	s2 =	sshrl.u32 s18, $0x3;
	s28 =	rddreg [dreg:$0x2]  }
0x1a5: {  	s19 =	simm.s32 $0x13880;
	s26 =	sadd.s32 s28, s2;
	s28 =	rddreg [dreg:$0x3]  }
0x1a6: {  	[tilespmem:s19], [sflag:$0x1] =	stream.linear.gather [hbm4b:s26+s5], $0x28, $0x38;
	[tilespmem:$0x1DA60] =	vst v63  }
0x1a7: {  	s2 =	sadd.s32 s28, s2;
	s28 =	simm.s32 $0x138A8  }
0x1a8: {  	[tilespmem:s28], [sflag:$0x1] =	stream.linear.gather [hbm4b:s2+s5], $0x28, $0x38;
	[tilespmem:$0x1DA60] =	vst v63  }
0x1a9: {  	_ =	swait.ge [sflag:s30], $0x28  }
0x1aa: {  	[sflag:s30] =	ssyncset.done $0x0  }
0x1ab: {  	[sflag:s30] =	ssyncadd.s32 $0xFFFFFFD8  }
0x1ac: {  	_ =	swait.ge [sflag:s30], $0x28  }
0x1ad: {  	[sflag:s30] =	ssyncset.done $0x0  }
0x1ae: {  	[sflag:s30] =	ssyncadd.s32 $0xFFFFFFD8;
	s30 =	simm.s32 $0x14E60  }
0x1af: {  	[tilespmem:s30], [sflag:$0x8] =	stream.linear.gather [hbm4b:s29+s5], $0x1400, $0x38;
	[tilespmem:$0x1DA60] =	vst v63  }
0x1b0: {  	s13 =	simm.s32 $0x13920;
	s30 =	simm.s32 $0x17660  }
0x1b1: {  	[tilespmem:s30], [sflag:$0x8] =	stream.indirect.gather [hbm4b:s12+s20], $0x40, s13, s20, $0xb8;
	[tilespmem:$0x1DA60] =	vst v63  }
0x1b2: {  	_ =	swait.ge [sflag:s21], $0x1400  }
0x1b3: {  	[sflag:s21] =	ssyncset.done $0x0  }
0x1b4: {  	[sflag:s21] =	ssyncadd.s32 $0xFFFFEC00  }
0x1b5: {  	_ =	swait.ge [sflag:s21], $0x1400  }
0x1b6: {  	[sflag:s21] =	ssyncset.done $0x0  }
0x1b7: {  	[sflag:s21] =	ssyncadd.s32 $0xFFFFEC00  }
0x1b8: {  	_ =	swait.ge [sflag:s23], $0x28  }
0x1b9: {  	[sflag:s23] =	ssyncset.done $0x0  }
0x1ba: {  	[sflag:s23] =	ssyncadd.s32 $0xFFFFFFD8  }
0x1bb: {  	_ =	swait.ge [sflag:s23], $0x28  }
0x1bc: {  	[sflag:s23] =	ssyncset.done $0x0  }
0x1bd: {  	s28 =	simm.s32 $0x18A60;
	[sflag:s23] =	ssyncadd.s32 $0xFFFFFFD8  }
0x1be: {  	[spmem:s4] =	stream.indirect.scatter.add.f32 [tilespmem:s28], [sflag:$0x9], $0x80, s11, s20, $0xb8;
	[tilespmem:$0x1DA60] =	vst v63  }
0x1bf: {  	s11 =	simm.s32 $0x13A10  }
0x1c0: {  	[tilespmem:s11], [sflag:$0x6] =	stream.linear.gather [hbm4b:s9+s5], $0x28, $0x38;
	[tilespmem:$0x1DA60] =	vst v63  }
0x1c1: {  	s30 =	simm.s32 $0x13A38  }
0x1c2: {  	[tilespmem:s30], [sflag:$0x6] =	stream.linear.gather [hbm4b:s7+s5], $0x28, $0x38;
	[tilespmem:$0x1DA60] =	vst v63  }
0x1c3: {  	_ =	swait.ge [sflag:s17], $0x2800  }
0x1c4: {  	s1 =	simm.s32 $0x138D0;
	s9 =	rddreg [dreg:$0x9];
	[sflag:s17] =	ssyncset.done $0x0  }
0x1c5: {  	s13 =	rddreg [dreg:$0x8];
	[sflag:s17] =	ssyncadd.s32 $0xFFFFD800;
	s7 =	sadd.s32 s8, s9  }
0x1c6: {  	[tilespmem:s1], [sflag:$0x2] =	stream.linear.gather [hbm4b:s7+s5], $0x28, $0x38;
	[tilespmem:$0x1DA60] =	vst v63  }
0x1c7: {  	s23 =	simm.s32 $0x138F8;
	s17 =	sadd.s32 s8, s13  }
0x1c8: {  	[tilespmem:s23], [sflag:$0x2] =	stream.linear.gather [hbm4b:s17+s5], $0x28, $0x38;
	[tilespmem:$0x1DA60] =	vst v63  }
0x1c9: {  	s21 =	rddreg [dreg:$0x15];
	_ =	swait.ge [sflag:s3], $0x28  }
0x1ca: {  	[sflag:s3] =	ssyncset.done $0x0  }
0x1cb: {  	[sflag:s3] =	ssyncadd.s32 $0xFFFFFFD8  }
0x1cc: {  	_ =	swait.ge [sflag:s3], $0x28  }
0x1cd: {  	[sflag:s3] =	ssyncset.done $0x0  }
0x1ce: {  	s10 =	sadd.s32 $0xF00, s10;
	s28 =	simm.s32 $0x13A60;
	[sflag:s3] =	ssyncadd.s32 $0xFFFFFFD8  }
0x1cf: {  	[tilespmem:s28], [sflag:$0x7] =	stream.linear.gather [hbm4b:s10+s5], $0x1400, $0x38;
	[tilespmem:$0x1DA60] =	vst v63  }
0x1d0: {  	s30 =	simm.s32 $0x16260  }
0x1d1: {  	[tilespmem:s30], [sflag:$0x7] =	stream.indirect.gather [hbm4b:s12+s20], $0x40, s19, s20, $0xb8;
	[tilespmem:$0x1DA60] =	vst v63  }
0x1d2: {  	_ =	swait.ge [sflag:s0], $0x1400  }
0x1d3: {  	[sflag:s0] =	ssyncset.done $0x0  }
0x1d4: {  	[sflag:s0] =	ssyncadd.s32 $0xFFFFEC00  }
0x1d5: {  	_ =	swait.ge [sflag:s0], $0x1400  }
0x1d6: {  	[sflag:s0] =	ssyncset.done $0x0  }
0x1d7: {  	[sflag:s0] =	ssyncadd.s32 $0xFFFFEC00  }
0x1d8: {  	_ =	swait.ge [sflag:s25], $0x28  }
0x1d9: {  	s15 =	sadd.s32 $0x1E, s15;
	[sflag:s25] =	ssyncset.done $0x0  }
0x1da: {  	p1 =	sne.s32 s15, $0x4CE;
	s14 =	sadd.s32 $0xF00, s14;
	[sflag:s25] =	ssyncadd.s32 $0xFFFFFFD8  }
0x1db: {  	s24 =	sadd.s32 $0xF00, s24;
	s22 =	sadd.s32 $0xF00, s22;
	_ =	swait.ge [sflag:s25], $0x28  }
.Ltmp0:
0x1dc: {  	s31 =	sadd.s32 $0xF00, s31;
	[sflag:s25] =	ssyncset.done $0x0;
	(pc) =	sbr.rel @p1 .LBB2_2-.Ltmp0, $4  }
0x1dd: {  	s18 =	sadd.s32 $0xF0, s18;
	s8 =	smov.u32 s21;
	[sflag:s25] =	ssyncadd.s32 $0xFFFFFFD8  }
0x1de: {  	[spmem:s4] =	stream.indirect.scatter.add.f32 [tilespmem:s6], [sflag:$0xA], $0x80, s11, s20, $0xb8;
	[tilespmem:$0x1DA60] =	vst v63  }
0x1df: {  	s16 =	simm.s32 $0x13970;
	s29 =	sadd.s32 $0xF00, s29;
	p2 =	seq.s32 s8, $0x0  }
0x1e0: {  	[tilespmem:s16], [sflag:$0x4] =	stream.linear.gather [hbm4b:s2+s5], $0x28, $0x38;
	[tilespmem:$0x1DA60] =	vst v63  }
0x1e1: {  	s2 =	simm.s32 @!p2 $0x9;
	s0 =	simm.s32 $0x13998  }
0x1e2: {  	[tilespmem:s0], [sflag:$0x4] =	stream.linear.gather [hbm4b:s26+s5], $0x28, $0x38;
	[tilespmem:$0x1DA60] =	vst v63  }
0x1e3: {  	_ =	swait.ge @!p2 [sflag:s2], $0x2800  }
0x1e4: {  	s7 =	rddreg [dreg:$0x13]  }
0x1e5: {  	[sflag:s2] =	ssyncset.done @!p2 $0x0;
	s9 =	rddreg [dreg:$0x12]  }
0x1e6: {  	[sflag:s2] =	ssyncadd.s32 @!p2 $0xFFFFD800;
	s2 =	sadd.s32 s8, s7;
	s7 =	simm.s32 $0x13920  }
0x1e7: {  	[tilespmem:s7], [sflag:$0x3] =	stream.linear.gather [hbm4b:s2+s5], $0x28, $0x38;
	[tilespmem:$0x1DA60] =	vst v63  }
0x1e8: {  	s15 =	simm.s32 $0x13948;
	s26 =	simm.s32 $0x2;
	s7 =	sadd.s32 s8, s9  }
0x1e9: {  	[tilespmem:s15], [sflag:$0x3] =	stream.linear.gather [hbm4b:s7+s5], $0x28, $0x38;
	[tilespmem:$0x1DA60] =	vst v63  }
0x1ea: {  	s11 =	rddreg [dreg:$0x11];
	_ =	swait.ge [sflag:s26], $0x28  }
0x1eb: {  	[sflag:s26] =	ssyncset.done $0x0  }
0x1ec: {  	[sflag:s26] =	ssyncadd.s32 $0xFFFFFFD8  }
0x1ed: {  	s13 =	rddreg [dreg:$0x10];
	_ =	swait.ge [sflag:s26], $0x28  }
0x1ee: {  	s16 =	simm.s32 $0x14E60;
	[sflag:s26] =	ssyncset.done $0x0  }
0x1ef: {  	s1 =	simm.s32 $0x138D0;
	s20 =	simm.s32 $0x50;
	[sflag:s26] =	ssyncadd.s32 $0xFFFFFFD8  }
0x1f0: {  	[tilespmem:s16], [sflag:$0x8] =	stream.linear.gather [hbm4b:s14+s5], $0x1400, $0x38;
	[tilespmem:$0x1DA60] =	vst v63  }
0x1f1: {  	s17 =	simm.s32 $0x17660;
	s4 =	simm.s32 $0x7;
	s12 =	rddreg [dreg:$0x14]  }
0x1f2: {  	[tilespmem:s17], [sflag:$0x8] =	stream.indirect.gather [hbm4b:s12+s20], $0x40, s1, s20, $0xb8;
	[tilespmem:$0x1DA60] =	vst v63  }
0x1f3: {  	_ =	swait.ge [sflag:s4], $0x1400  }
0x1f4: {  	[sflag:s4] =	ssyncset.done $0x0  }
0x1f5: {  	[sflag:s4] =	ssyncadd.s32 $0xFFFFEC00  }
0x1f6: {  	_ =	swait.ge [sflag:s4], $0x1400  }
0x1f7: {  	[sflag:s4] =	ssyncset.done $0x0  }
0x1f8: {  	s30 =	simm.s32 $0x4;
	[sflag:s4] =	ssyncadd.s32 $0xFFFFEC00  }
0x1f9: {  	_ =	swait.ge [sflag:s30], $0x28  }
0x1fa: {  	[sflag:s30] =	ssyncset.done $0x0  }
0x1fb: {  	[sflag:s30] =	ssyncadd.s32 $0xFFFFFFD8  }
0x1fc: {  	_ =	swait.ge [sflag:s30], $0x28  }
0x1fd: {  	[sflag:s30] =	ssyncset.done $0x0  }
0x1fe: {  	[sflag:s30] =	ssyncadd.s32 $0xFFFFFFD8  }
0x1ff: {  	s28 =	simm.s32 $0x13970;
	s19 =	simm.s32 $0x18A60;
	s17 =	rddreg [dreg:$0x6]  }
0x200: {  	[spmem:s17] =	stream.indirect.scatter.add.f32 [tilespmem:s19], [sflag:$0x9], $0x80, s28, s20, $0xb8;
	[tilespmem:$0x1DA60] =	vst v63  }
0x201: {  	s23 =	simm.s32 $0x139C0;
	s13 =	sadd.s32 s8, s13  }
0x202: {  	[tilespmem:s23], [sflag:$0x5] =	stream.linear.gather [hbm4b:s13+s5], $0x28, $0x38;
	[tilespmem:$0x1DA60] =	vst v63  }
0x203: {  	s21 =	simm.s32 $0x139E8;
	s9 =	sadd.s32 s8, s11;
	s13 =	simm.s32 @!p2 $0xA  }
0x204: {  	[tilespmem:s21], [sflag:$0x5] =	stream.linear.gather [hbm4b:s9+s5], $0x28, $0x38;
	[tilespmem:$0x1DA60] =	vst v63  }
0x205: {  	_ =	swait.ge @!p2 [sflag:s13], $0x2800  }
0x206: {  	s25 =	rddreg [dreg:$0xf]  }
0x207: {  	[sflag:s13] =	ssyncset.done @!p2 $0x0;
	s0 =	rddreg [dreg:$0xe]  }
0x208: {  	[sflag:s13] =	ssyncadd.s32 @!p2 $0xFFFFD800;
	s9 =	sadd.s32 s8, s25;
	s25 =	simm.s32 $0x13880  }
0x209: {  	[tilespmem:s25], [sflag:$0x1] =	stream.linear.gather [hbm4b:s9+s5], $0x28, $0x38;
	[tilespmem:$0x1DA60] =	vst v63  }
0x20a: {  	s1 =	simm.s32 $0x138A8;
	s13 =	sadd.s32 s8, s0;
	s0 =	simm.s32 $0x3  }
0x20b: {  	[tilespmem:s1], [sflag:$0x1] =	stream.linear.gather [hbm4b:s13+s5], $0x28, $0x38;
	[tilespmem:$0x1DA60] =	vst v63  }
0x20c: {  	_ =	swait.ge [sflag:s0], $0x28  }
0x20d: {  	[sflag:s0] =	ssyncset.done $0x0  }
0x20e: {  	[sflag:s0] =	ssyncadd.s32 $0xFFFFFFD8  }
0x20f: {  	_ =	swait.ge [sflag:s0], $0x28  }
0x210: {  	[sflag:s0] =	ssyncset.done $0x0  }
0x211: {  	s3 =	simm.s32 $0x13A60;
	[sflag:s0] =	ssyncadd.s32 $0xFFFFFFD8  }
0x212: {  	[tilespmem:s3], [sflag:$0x7] =	stream.linear.gather [hbm4b:s24+s5], $0x1400, $0x38;
	[tilespmem:$0x1DA60] =	vst v63  }
0x213: {  	s11 =	simm.s32 $0x16260;
	s14 =	simm.s32 $0x13920;
	s21 =	simm.s32 $0x8  }
0x214: {  	[tilespmem:s11], [sflag:$0x7] =	stream.indirect.gather [hbm4b:s12+s20], $0x40, s14, s20, $0xb8;
	[tilespmem:$0x1DA60] =	vst v63  }
0x215: {  	_ =	swait.ge [sflag:s21], $0x1400  }
0x216: {  	[sflag:s21] =	ssyncset.done $0x0  }
0x217: {  	[sflag:s21] =	ssyncadd.s32 $0xFFFFEC00  }
0x218: {  	_ =	swait.ge [sflag:s21], $0x1400  }
0x219: {  	[sflag:s21] =	ssyncset.done $0x0  }
0x21a: {  	s1 =	simm.s32 $0x5;
	[sflag:s21] =	ssyncadd.s32 $0xFFFFEC00  }
0x21b: {  	_ =	swait.ge [sflag:s1], $0x28  }
0x21c: {  	[sflag:s1] =	ssyncset.done $0x0  }
0x21d: {  	[sflag:s1] =	ssyncadd.s32 $0xFFFFFFD8  }
0x21e: {  	_ =	swait.ge [sflag:s1], $0x28  }
0x21f: {  	[sflag:s1] =	ssyncset.done $0x0  }
0x220: {  	s3 =	simm.s32 $0x1B260;
	[sflag:s1] =	ssyncadd.s32 $0xFFFFFFD8  }
0x221: {  	[spmem:s17] =	stream.indirect.scatter.add.f32 [tilespmem:s3], [sflag:$0xA], $0x80, s23, s20, $0xb8;
	[tilespmem:$0x1DA60] =	vst v63  }
0x222: {  	s19 =	simm.s32 $0x13A10  }
0x223: {  	[tilespmem:s19], [sflag:$0x6] =	stream.linear.gather [hbm4b:s7+s5], $0x28, $0x38;
	[tilespmem:$0x1DA60] =	vst v63  }
0x224: {  	s15 =	simm.s32 $0x13A38;
	s11 =	simm.s32 $0x9  }
0x225: {  	[tilespmem:s15], [sflag:$0x6] =	stream.linear.gather [hbm4b:s2+s5], $0x28, $0x38;
	[tilespmem:$0x1DA60] =	vst v63  }
0x226: {  	_ =	swait.ge [sflag:s11], $0x2800  }
0x227: {  	s15 =	simm.s32 $0x138D0;
	s16 =	rddreg [dreg:$0xd];
	[sflag:s11] =	ssyncset.done $0x0  }
0x228: {  	s3 =	rddreg [dreg:$0xc];
	[sflag:s11] =	ssyncadd.s32 $0xFFFFD800;
	s2 =	sadd.s32 s8, s16  }
0x229: {  	[tilespmem:s15], [sflag:$0x2] =	stream.linear.gather [hbm4b:s2+s5], $0x28, $0x38;
	[tilespmem:$0x1DA60] =	vst v63  }
0x22a: {  	s7 =	sadd.s32 s8, s3;
	s16 =	simm.s32 $0x138F8;
	s3 =	simm.s32 $0x1  }
0x22b: {  	[tilespmem:s16], [sflag:$0x2] =	stream.linear.gather [hbm4b:s7+s5], $0x28, $0x38;
	[tilespmem:$0x1DA60] =	vst v63  }
0x22c: {  	_ =	swait.ge [sflag:s3], $0x28  }
0x22d: {  	[sflag:s3] =	ssyncset.done $0x0  }
0x22e: {  	[sflag:s3] =	ssyncadd.s32 $0xFFFFFFD8  }
0x22f: {  	_ =	swait.ge [sflag:s3], $0x28  }
0x230: {  	[sflag:s3] =	ssyncset.done $0x0  }
0x231: {  	s16 =	simm.s32 $0x14E60;
	[sflag:s3] =	ssyncadd.s32 $0xFFFFFFD8  }
0x232: {  	[tilespmem:s16], [sflag:$0x8] =	stream.linear.gather [hbm4b:s22+s5], $0x1400, $0x38;
	[tilespmem:$0x1DA60] =	vst v63  }
0x233: {  	s6 =	simm.s32 $0x17660  }
0x234: {  	[tilespmem:s6], [sflag:$0x8] =	stream.indirect.gather [hbm4b:s12+s20], $0x40, s25, s20, $0xb8;
	[tilespmem:$0x1DA60] =	vst v63  }
0x235: {  	_ =	swait.ge [sflag:s4], $0x1400  }
0x236: {  	[sflag:s4] =	ssyncset.done $0x0  }
0x237: {  	[sflag:s4] =	ssyncadd.s32 $0xFFFFEC00  }
0x238: {  	_ =	swait.ge [sflag:s4], $0x1400  }
0x239: {  	[sflag:s4] =	ssyncset.done $0x0  }
0x23a: {  	s22 =	simm.s32 $0x6;
	[sflag:s4] =	ssyncadd.s32 $0xFFFFEC00  }
0x23b: {  	_ =	swait.ge [sflag:s22], $0x28  }
0x23c: {  	[sflag:s22] =	ssyncset.done $0x0  }
0x23d: {  	[sflag:s22] =	ssyncadd.s32 $0xFFFFFFD8  }
0x23e: {  	_ =	swait.ge [sflag:s22], $0x28  }
0x23f: {  	[sflag:s22] =	ssyncset.done $0x0  }
0x240: {  	s16 =	simm.s32 $0x18A60;
	[sflag:s22] =	ssyncadd.s32 $0xFFFFFFD8  }
0x241: {  	[spmem:s17] =	stream.indirect.scatter.add.f32 [tilespmem:s16], [sflag:$0x9], $0x80, s19, s20, $0xb8;
	[tilespmem:$0x1DA60] =	vst v63  }
0x242: {  	_ = 	snop  }
0x243: {  	[tilespmem:s28], [sflag:$0x4] =	stream.linear.gather [hbm4b:s13+s5], $0x28, $0x38;
	[tilespmem:$0x1DA60] =	vst v63  }
0x244: {  	s6 =	simm.s32 $0xA;
	s16 =	simm.s32 $0x13998  }
0x245: {  	[tilespmem:s16], [sflag:$0x4] =	stream.linear.gather [hbm4b:s9+s5], $0x28, $0x38;
	[tilespmem:$0x1DA60] =	vst v63  }
0x246: {  	_ =	swait.ge [sflag:s6], $0x2800  }
0x247: {  	s13 =	rddreg [dreg:$0xb];
	[sflag:s6] =	ssyncset.done $0x0  }
0x248: {  	s16 =	rddreg [dreg:$0xa];
	[sflag:s6] =	ssyncadd.s32 $0xFFFFD800;
	s9 =	sadd.s32 s8, s13  }
0x249: {  	[tilespmem:s14], [sflag:$0x3] =	stream.linear.gather [hbm4b:s9+s5], $0x28, $0x38;
	[tilespmem:$0x1DA60] =	vst v63  }
0x24a: {  	s13 =	sadd.s32 s8, s16;
	s16 =	simm.s32 $0x13948  }
0x24b: {  	[tilespmem:s16], [sflag:$0x3] =	stream.linear.gather [hbm4b:s13+s5], $0x28, $0x38;
	[tilespmem:$0x1DA60] =	vst v63  }
0x24c: {  	_ =	swait.ge [sflag:s26], $0x28  }
0x24d: {  	[sflag:s26] =	ssyncset.done $0x0  }
0x24e: {  	[sflag:s26] =	ssyncadd.s32 $0xFFFFFFD8  }
0x24f: {  	_ =	swait.ge [sflag:s26], $0x28  }
0x250: {  	[sflag:s26] =	ssyncset.done $0x0  }
0x251: {  	s24 =	simm.s32 $0x13A60;
	[sflag:s26] =	ssyncadd.s32 $0xFFFFFFD8  }
0x252: {  	[tilespmem:s24], [sflag:$0x7] =	stream.linear.gather [hbm4b:s31+s5], $0x1400, $0x38;
	[tilespmem:$0x1DA60] =	vst v63  }
0x253: {  	s24 =	simm.s32 $0x16260  }
0x254: {  	[tilespmem:s24], [sflag:$0x7] =	stream.indirect.gather [hbm4b:s12+s20], $0x40, s15, s20, $0xb8;
	[tilespmem:$0x1DA60] =	vst v63  }
0x255: {  	_ =	swait.ge [sflag:s21], $0x1400  }
0x256: {  	[sflag:s21] =	ssyncset.done $0x0  }
0x257: {  	[sflag:s21] =	ssyncadd.s32 $0xFFFFEC00  }
0x258: {  	_ =	swait.ge [sflag:s21], $0x1400  }
0x259: {  	[sflag:s21] =	ssyncset.done $0x0  }
0x25a: {  	[sflag:s21] =	ssyncadd.s32 $0xFFFFEC00  }
0x25b: {  	_ =	swait.ge [sflag:s30], $0x28  }
0x25c: {  	[sflag:s30] =	ssyncset.done $0x0  }
0x25d: {  	[sflag:s30] =	ssyncadd.s32 $0xFFFFFFD8  }
0x25e: {  	_ =	swait.ge [sflag:s30], $0x28  }
0x25f: {  	[sflag:s30] =	ssyncset.done $0x0  }
0x260: {  	s31 =	simm.s32 $0x1B260;
	[sflag:s30] =	ssyncadd.s32 $0xFFFFFFD8  }
0x261: {  	[spmem:s17] =	stream.indirect.scatter.add.f32 [tilespmem:s31], [sflag:$0xA], $0x80, s28, s20, $0xb8;
	[tilespmem:$0x1DA60] =	vst v63  }
0x262: {  	_ = 	snop  }
0x263: {  	[tilespmem:s23], [sflag:$0x5] =	stream.linear.gather [hbm4b:s7+s5], $0x28, $0x38;
	[tilespmem:$0x1DA60] =	vst v63  }
0x264: {  	s16 =	simm.s32 $0x139E8  }
0x265: {  	[tilespmem:s16], [sflag:$0x5] =	stream.linear.gather [hbm4b:s2+s5], $0x28, $0x38;
	[tilespmem:$0x1DA60] =	vst v63  }
0x266: {  	_ =	swait.ge [sflag:s11], $0x2800  }
0x267: {  	[sflag:s11] =	ssyncset.done $0x0  }
0x268: {  	[sflag:s11] =	ssyncadd.s32 $0xFFFFD800  }
0x269: {  	s14 =	sshrl.u32 s18, $0x3;
	s15 =	rddreg [dreg:$0x2]  }
0x26a: {  	s16 =	rddreg [dreg:$0x3];
	s7 =	sadd.s32 s15, s14  }
0x26b: {  	[tilespmem:s25], [sflag:$0x1] =	stream.linear.gather [hbm4b:s7+s5], $0x28, $0x38;
	[tilespmem:$0x1DA60] =	vst v63  }
0x26c: {  	s18 =	simm.s32 $0x138A8;
	s2 =	sadd.s32 s16, s14  }
0x26d: {  	[tilespmem:s18], [sflag:$0x1] =	stream.linear.gather [hbm4b:s2+s5], $0x28, $0x38;
	[tilespmem:$0x1DA60] =	vst v63  }
0x26e: {  	_ =	swait.ge [sflag:s0], $0x28  }
0x26f: {  	[sflag:s0] =	ssyncset.done $0x0  }
0x270: {  	[sflag:s0] =	ssyncadd.s32 $0xFFFFFFD8  }
0x271: {  	_ =	swait.ge [sflag:s0], $0x28  }
0x272: {  	[sflag:s0] =	ssyncset.done $0x0  }
0x273: {  	s16 =	simm.s32 $0x14E60;
	[sflag:s0] =	ssyncadd.s32 $0xFFFFFFD8  }
0x274: {  	[tilespmem:s16], [sflag:$0x8] =	stream.linear.gather [hbm4b:s29+s5], $0x1400, $0x38;
	[tilespmem:$0x1DA60] =	vst v63  }
0x275: {  	s15 =	simm.s32 $0x13920;
	s18 =	simm.s32 $0x17660  }
0x276: {  	[tilespmem:s18], [sflag:$0x8] =	stream.indirect.gather [hbm4b:s12+s20], $0x40, s15, s20, $0xb8;
	[tilespmem:$0x1DA60] =	vst v63  }
0x277: {  	_ =	swait.ge [sflag:s4], $0x1400  }
0x278: {  	[sflag:s4] =	ssyncset.done $0x0  }
0x279: {  	[sflag:s4] =	ssyncadd.s32 $0xFFFFEC00  }
0x27a: {  	_ =	swait.ge [sflag:s4], $0x1400  }
0x27b: {  	[sflag:s4] =	ssyncset.done $0x0  }
0x27c: {  	[sflag:s4] =	ssyncadd.s32 $0xFFFFEC00  }
0x27d: {  	_ =	swait.ge [sflag:s1], $0x28  }
0x27e: {  	[sflag:s1] =	ssyncset.done $0x0  }
0x27f: {  	[sflag:s1] =	ssyncadd.s32 $0xFFFFFFD8  }
0x280: {  	_ =	swait.ge [sflag:s1], $0x28  }
0x281: {  	[sflag:s1] =	ssyncset.done $0x0  }
0x282: {  	s29 =	simm.s32 $0x18A60;
	[sflag:s1] =	ssyncadd.s32 $0xFFFFFFD8  }
0x283: {  	[spmem:s17] =	stream.indirect.scatter.add.f32 [tilespmem:s29], [sflag:$0x9], $0x80, s23, s20, $0xb8;
	[tilespmem:$0x1DA60] =	vst v63  }
0x284: {  	_ = 	snop  }
0x285: {  	[tilespmem:s19], [sflag:$0x6] =	stream.linear.gather [hbm4b:s13+s5], $0x28, $0x38;
	[tilespmem:$0x1DA60] =	vst v63  }
0x286: {  	s14 =	simm.s32 $0x13A38  }
0x287: {  	[tilespmem:s14], [sflag:$0x6] =	stream.linear.gather [hbm4b:s9+s5], $0x28, $0x38;
	[tilespmem:$0x1DA60] =	vst v63  }
0x288: {  	_ =	swait.ge [sflag:s6], $0x2800  }
0x289: {  	s14 =	rddreg [dreg:$0x9]  }
0x28a: {  	[sflag:s6] =	ssyncset.done $0x0;
	s13 =	rddreg [dreg:$0x8]  }
0x28b: {  	[sflag:s6] =	ssyncadd.s32 $0xFFFFD800;
	s9 =	sadd.s32 s8, s14;
	s14 =	simm.s32 $0x138D0  }
0x28c: {  	[tilespmem:s14], [sflag:$0x2] =	stream.linear.gather [hbm4b:s9+s5], $0x28, $0x38;
	[tilespmem:$0x1DA60] =	vst v63  }
0x28d: {  	s9 =	sadd.s32 s8, s13;
	s13 =	simm.s32 $0x138F8  }
0x28e: {  	[tilespmem:s13], [sflag:$0x2] =	stream.linear.gather [hbm4b:s9+s5], $0x28, $0x38;
	[tilespmem:$0x1DA60] =	vst v63  }
0x28f: {  	_ =	swait.ge [sflag:s3], $0x28  }
0x290: {  	[sflag:s3] =	ssyncset.done $0x0  }
0x291: {  	[sflag:s3] =	ssyncadd.s32 $0xFFFFFFD8  }
0x292: {  	_ =	swait.ge [sflag:s3], $0x28  }
0x293: {  	[sflag:s3] =	ssyncset.done $0x0  }
0x294: {  	s9 =	sadd.s32 $0xF00, s10;
	s13 =	simm.s32 $0x13A60;
	[sflag:s3] =	ssyncadd.s32 $0xFFFFFFD8  }
0x295: {  	[tilespmem:s13], [sflag:$0x7] =	stream.linear.gather [hbm4b:s9+s5], $0x1400, $0x38;
	[tilespmem:$0x1DA60] =	vst v63  }
0x296: {  	_ = 	snop  }
0x297: {  	[tilespmem:s24], [sflag:$0x7] =	stream.indirect.gather [hbm4b:s12+s20], $0x40, s25, s20, $0xb8;
	[tilespmem:$0x1DA60] =	vst v63  }
0x298: {  	_ =	swait.ge [sflag:s21], $0x1400  }
0x299: {  	[sflag:s21] =	ssyncset.done $0x0  }
0x29a: {  	[sflag:s21] =	ssyncadd.s32 $0xFFFFEC00  }
0x29b: {  	_ =	swait.ge [sflag:s21], $0x1400  }
0x29c: {  	[sflag:s21] =	ssyncset.done $0x0  }
0x29d: {  	[sflag:s21] =	ssyncadd.s32 $0xFFFFEC00  }
0x29e: {  	_ =	swait.ge [sflag:s22], $0x28  }
0x29f: {  	[sflag:s22] =	ssyncset.done $0x0  }
0x2a0: {  	[sflag:s22] =	ssyncadd.s32 $0xFFFFFFD8  }
0x2a1: {  	_ =	swait.ge [sflag:s22], $0x28  }
0x2a2: {  	[sflag:s22] =	ssyncset.done $0x0  }
0x2a3: {  	[sflag:s22] =	ssyncadd.s32 $0xFFFFFFD8  }
0x2a4: {  	[spmem:s17] =	stream.indirect.scatter.add.f32 [tilespmem:s31], [sflag:$0xA], $0x80, s19, s20, $0xb8;
	[tilespmem:$0x1DA60] =	vst v63  }
0x2a5: {  	_ = 	snop  }
0x2a6: {  	[tilespmem:s28], [sflag:$0x4] =	stream.linear.gather [hbm4b:s2+s5], $0x28, $0x38;
	[tilespmem:$0x1DA60] =	vst v63  }
0x2a7: {  	s24 =	simm.s32 $0x13998  }
0x2a8: {  	[tilespmem:s24], [sflag:$0x4] =	stream.linear.gather [hbm4b:s7+s5], $0x28, $0x38;
	[tilespmem:$0x1DA60] =	vst v63  }
0x2a9: {  	_ =	swait.ge [sflag:s11], $0x2800  }
0x2aa: {  	s7 =	sld [smem:$0x7F7]  }
0x2ab: {  	[sflag:s11] =	ssyncset.done $0x0  }
0x2ac: {  	s8 =	sld [smem:$0x7F8];
	[sflag:s11] =	ssyncadd.s32 $0xFFFFD800  }
0x2ad: {  	[tilespmem:s15], [sflag:$0x3] =	stream.linear.gather [hbm4b:s7+s5], $0x28, $0x38;
	[tilespmem:$0x1DA60] =	vst v63  }
0x2ae: {  	s10 =	simm.s32 $0x13948  }
0x2af: {  	[tilespmem:s10], [sflag:$0x3] =	stream.linear.gather [hbm4b:s8+s5], $0x28, $0x38;
	[tilespmem:$0x1DA60] =	vst v63  }
0x2b0: {  	_ =	swait.ge [sflag:s26], $0x28  }
0x2b1: {  	[sflag:s26] =	ssyncset.done $0x0  }
0x2b2: {  	[sflag:s26] =	ssyncadd.s32 $0xFFFFFFD8  }
0x2b3: {  	_ =	swait.ge [sflag:s26], $0x28  }
0x2b4: {  	[sflag:s26] =	ssyncset.done $0x0  }
0x2b5: {  	[sflag:s26] =	ssyncadd.s32 $0xFFFFFFD8;
	s26 =	rddreg [dreg:$0x18]  }
0x2b6: {  	[tilespmem:s16], [sflag:$0x8] =	stream.linear.gather [hbm4b:s26+s5], $0x1400, $0x38;
	[tilespmem:$0x1DA60] =	vst v63  }
0x2b7: {  	_ = 	snop  }
0x2b8: {  	[tilespmem:s18], [sflag:$0x8] =	stream.indirect.gather [hbm4b:s12+s20], $0x40, s14, s20, $0xb8;
	[tilespmem:$0x1DA60] =	vst v63  }
0x2b9: {  	_ =	swait.ge [sflag:s4], $0x1400  }
0x2ba: {  	[sflag:s4] =	ssyncset.done $0x0  }
0x2bb: {  	[sflag:s4] =	ssyncadd.s32 $0xFFFFEC00  }
0x2bc: {  	_ =	swait.ge [sflag:s4], $0x1400  }
0x2bd: {  	[sflag:s4] =	ssyncset.done $0x0  }
0x2be: {  	[sflag:s4] =	ssyncadd.s32 $0xFFFFEC00  }
0x2bf: {  	_ =	swait.ge [sflag:s30], $0x28  }
0x2c0: {  	[sflag:s30] =	ssyncset.done $0x0  }
0x2c1: {  	[sflag:s30] =	ssyncadd.s32 $0xFFFFFFD8  }
0x2c2: {  	_ =	swait.ge [sflag:s30], $0x28  }
0x2c3: {  	[sflag:s30] =	ssyncset.done $0x0  }
0x2c4: {  	s9 =	sld [smem:$0x7FA];
	[sflag:s30] =	ssyncadd.s32 $0xFFFFFFD8  }
0x2c5: {  	[spmem:s17] =	stream.indirect.scatter.add.f32 [tilespmem:s29], [sflag:$0x9], $0x80, s28, s20, $0xb8;
	[tilespmem:$0x1DA60] =	vst v63  }
0x2c6: {  	s10 =	sld [smem:$0x7F9]  }
0x2c7: {  	[tilespmem:s23], [sflag:$0x5] =	stream.linear.gather [hbm4b:s9+s5], $0x28, $0x38;
	[tilespmem:$0x1DA60] =	vst v63  }
0x2c8: {  	s14 =	simm.s32 $0x139E8  }
0x2c9: {  	[tilespmem:s14], [sflag:$0x5] =	stream.linear.gather [hbm4b:s10+s5], $0x28, $0x38;
	[tilespmem:$0x1DA60] =	vst v63  }
0x2ca: {  	_ =	swait.ge [sflag:s6], $0x2800  }
0x2cb: {  	s9 =	sld [smem:$0x7FB]  }
0x2cc: {  	[sflag:s6] =	ssyncset.done $0x0  }
0x2cd: {  	s10 =	sld [smem:$0x7FC];
	[sflag:s6] =	ssyncadd.s32 $0xFFFFD800  }
0x2ce: {  	[tilespmem:s25], [sflag:$0x1] =	stream.linear.gather [hbm4b:s9+s5], $0x28, $0x38;
	[tilespmem:$0x1DA60] =	vst v63  }
0x2cf: {  	s29 =	simm.s32 $0x138A8  }
0x2d0: {  	[tilespmem:s29], [sflag:$0x1] =	stream.linear.gather [hbm4b:s10+s5], $0x28, $0x38;
	[tilespmem:$0x1DA60] =	vst v63  }
0x2d1: {  	_ =	swait.ge [sflag:s0], $0x28  }
0x2d2: {  	[sflag:s0] =	ssyncset.done $0x0  }
0x2d3: {  	[sflag:s0] =	ssyncadd.s32 $0xFFFFFFD8  }
0x2d4: {  	_ =	swait.ge [sflag:s0], $0x28  }
0x2d5: {  	[sflag:s0] =	ssyncset.done $0x0  }
0x2d6: {  	[sflag:s0] =	ssyncadd.s32 $0xFFFFFFD8;
	s0 =	rddreg [dreg:$0x19]  }
0x2d7: {  	[tilespmem:s13], [sflag:$0x7] =	stream.linear.gather [hbm4b:s0+s5], $0x1400, $0x38;
	[tilespmem:$0x1DA60] =	vst v63  }
0x2d8: {  	s15 =	simm.s32 $0x13920;
	s14 =	simm.s32 $0x16260  }
0x2d9: {  	[tilespmem:s14], [sflag:$0x7] =	stream.indirect.gather [hbm4b:s12+s20], $0x40, s15, s20, $0xb8;
	[tilespmem:$0x1DA60] =	vst v63  }
0x2da: {  	_ =	swait.ge [sflag:s21], $0x1400  }
0x2db: {  	[sflag:s21] =	ssyncset.done $0x0  }
0x2dc: {  	[sflag:s21] =	ssyncadd.s32 $0xFFFFEC00  }
0x2dd: {  	_ =	swait.ge [sflag:s21], $0x1400  }
0x2de: {  	[sflag:s21] =	ssyncset.done $0x0  }
0x2df: {  	[sflag:s21] =	ssyncadd.s32 $0xFFFFEC00  }
0x2e0: {  	_ =	swait.ge [sflag:s1], $0x28  }
0x2e1: {  	[sflag:s1] =	ssyncset.done $0x0  }
0x2e2: {  	[sflag:s1] =	ssyncadd.s32 $0xFFFFFFD8  }
0x2e3: {  	_ =	swait.ge [sflag:s1], $0x28  }
0x2e4: {  	[sflag:s1] =	ssyncset.done $0x0  }
0x2e5: {  	s31 =	simm.s32 $0x1B260;
	[sflag:s1] =	ssyncadd.s32 $0xFFFFFFD8  }
0x2e6: {  	[spmem:s17] =	stream.indirect.scatter.add.f32 [tilespmem:s31], [sflag:$0xA], $0x80, s23, s20, $0xb8;
	[tilespmem:$0x1DA60] =	vst v63  }
0x2e7: {  	_ = 	snop  }
0x2e8: {  	[tilespmem:s19], [sflag:$0x6] =	stream.linear.gather [hbm4b:s8+s5], $0x28, $0x38;
	[tilespmem:$0x1DA60] =	vst v63  }
0x2e9: {  	s23 =	simm.s32 $0x13A38  }
0x2ea: {  	[tilespmem:s23], [sflag:$0x6] =	stream.linear.gather [hbm4b:s7+s5], $0x28, $0x38;
	[tilespmem:$0x1DA60] =	vst v63  }
0x2eb: {  	_ =	swait.ge [sflag:s11], $0x2800  }
0x2ec: {  	[sflag:s11] =	ssyncset.done $0x0  }
0x2ed: {  	[sflag:s11] =	ssyncadd.s32 $0xFFFFD800  }
0x2ee: {  	_ =	swait.ge [sflag:s3], $0x28  }
0x2ef: {  	[sflag:s3] =	ssyncset.done $0x0  }
0x2f0: {  	[sflag:s3] =	ssyncadd.s32 $0xFFFFFFD8  }
0x2f1: {  	_ =	swait.ge [sflag:s3], $0x28  }
0x2f2: {  	[sflag:s3] =	ssyncset.done $0x0  }
0x2f3: {  	s16 =	simm.s32 $0x14E60;
	s29 =	rddreg [dreg:$0x1c];
	[sflag:s3] =	ssyncadd.s32 $0xFFFFFFD8  }
0x2f4: {  	[tilespmem:s16], [sflag:$0x8] =	stream.linear.gather [hbm4b:s29+s5], $0x1400, $0x38;
	[tilespmem:$0x1DA60] =	vst v63  }
0x2f5: {  	s18 =	simm.s32 $0x17660  }
0x2f6: {  	[tilespmem:s18], [sflag:$0x8] =	stream.indirect.gather [hbm4b:s12+s20], $0x40, s25, s20, $0xb8;
	[tilespmem:$0x1DA60] =	vst v63  }
0x2f7: {  	_ =	swait.ge [sflag:s4], $0x1400  }
0x2f8: {  	[sflag:s4] =	ssyncset.done $0x0  }
0x2f9: {  	[sflag:s4] =	ssyncadd.s32 $0xFFFFEC00  }
0x2fa: {  	_ =	swait.ge [sflag:s4], $0x1400  }
0x2fb: {  	[sflag:s4] =	ssyncset.done $0x0  }
0x2fc: {  	[sflag:s4] =	ssyncadd.s32 $0xFFFFEC00  }
0x2fd: {  	_ =	swait.ge [sflag:s22], $0x28  }
0x2fe: {  	[sflag:s22] =	ssyncset.done $0x0  }
0x2ff: {  	[sflag:s22] =	ssyncadd.s32 $0xFFFFFFD8  }
0x300: {  	_ =	swait.ge [sflag:s22], $0x28  }
0x301: {  	[sflag:s22] =	ssyncset.done $0x0  }
0x302: {  	s26 =	simm.s32 $0x18A60;
	[sflag:s22] =	ssyncadd.s32 $0xFFFFFFD8  }
0x303: {  	[spmem:s17] =	stream.indirect.scatter.add.f32 [tilespmem:s26], [sflag:$0x9], $0x80, s19, s20, $0xb8;
	[tilespmem:$0x1DA60] =	vst v63  }
0x304: {  	_ = 	snop  }
0x305: {  	[tilespmem:s28], [sflag:$0x4] =	stream.linear.gather [hbm4b:s10+s5], $0x28, $0x38;
	[tilespmem:$0x1DA60] =	vst v63  }
0x306: {  	_ = 	snop  }
0x307: {  	[tilespmem:s24], [sflag:$0x4] =	stream.linear.gather [hbm4b:s9+s5], $0x28, $0x38;
	[tilespmem:$0x1DA60] =	vst v63  }
0x308: {  	_ =	swait.ge [sflag:s6], $0x2800  }
0x309: {  	[sflag:s6] =	ssyncset.done $0x0  }
0x30a: {  	[sflag:s6] =	ssyncadd.s32 $0xFFFFD800  }
0x30b: {  	_ =	swait.ge [sflag:s21], $0x1400  }
0x30c: {  	[sflag:s21] =	ssyncset.done $0x0  }
0x30d: {  	[sflag:s21] =	ssyncadd.s32 $0xFFFFEC00  }
0x30e: {  	_ =	swait.ge [sflag:s21], $0x1400  }
0x30f: {  	[sflag:s21] =	ssyncset.done $0x0  }
0x310: {  	[sflag:s21] =	ssyncadd.s32 $0xFFFFEC00  }
0x311: {  	_ =	swait.ge [sflag:s30], $0x28  }
0x312: {  	[sflag:s30] =	ssyncset.done $0x0  }
0x313: {  	[sflag:s30] =	ssyncadd.s32 $0xFFFFFFD8  }
0x314: {  	_ =	swait.ge [sflag:s30], $0x28  }
0x315: {  	[sflag:s30] =	ssyncset.done $0x0  }
0x316: {  	[sflag:s30] =	ssyncadd.s32 $0xFFFFFFD8  }
0x317: {  	[spmem:s17] =	stream.indirect.scatter.add.f32 [tilespmem:s31], [sflag:$0xA], $0x80, s28, s20, $0xb8;
	[tilespmem:$0x1DA60] =	vst v63  }
0x318: {  	_ =	swait.ge [sflag:s11], $0x2800  }
0x319: {  	[sflag:s11] =	ssyncset.done $0x0  }
0x31a: {  	[sflag:s11] =	ssyncadd.s32 $0xFFFFD800  }
0x31b: {  	_ =	swait.ge [sflag:s6], $0x2800  }
0x31c: {  	[sflag:s6] =	ssyncset.done $0x0  }
0x31d: {  	[sflag:s6] =	ssyncadd.s32 $0xFFFFD800  }
0x31e: {  	[bflag:$0x0] =	sbarrier.arrive $0xFFFF  }
0x31f: {  	s0 =	sld [smem:$0x7ED]  }
0x320: {  	s1 =	sld [smem:$0x7EE];
	_ =	sdelay $0x1  }
0x321: {  	s2 =	rddreg [dreg:$0x1a]  }
0x322: {  	[hbm:s2], [sflag:s0] =	dma.local @!p0 [spmem:s1], $0x3E80  }
0x323: {  	s2 =	simm.s32 @!p0 $0xB  }
0x324: {  	_ =	swait.ge @!p0 [sflag:s2], $0x3E80  }
0x325: {  	s30 =	sld [smem:$0x7EC]  }
0x326: {  	s31 =	sld [smem:$0x7FD];
	_ =	sdelay $0x1  }
0x327: {  	s0 =	sadd.s32 $0x1, s30  }
0x328: {  	p1 =	sne.s32 s0, s31  }
.Ltmp1:
0x329: {  	_ = 	snop;
	(pc) =	sbr.rel @p1 .LBB2_1-.Ltmp1, $3  }
0x32a: {  	_ =	sdelay $0x1  }
0x32b: {  	[sflag:s2] =	ssyncset.done @!p0 $0x0  }
0x32c: {  	[sflag:s2] =	ssyncadd.s32 @!p0 $0xFFFFC180  }
0x32d: {  	_ =	sfence.sel $0x180000  }
0x32e: {  	[bflag:$0x0] =	sbarrier.arrive $0xFFFF  }
0x32f: {  	_ =	strace $0x90000047  }
0x330: {  	s0 =	stileid.u32;
	[bflag:$0x2] =	sbarrier.arrive $0xFFFF  }
0x331: {  	p0 =	sne.s32 s0, $0x0;
	s0 =	rddreg [dreg:$0x7]  }
0x332: {  	s0 =	sadd.s32 @!p0 $0x100000, s0  }
0x333: {  	[sflag:s0] =	ssyncadd.tile.s32 @!p0 $0x1;
	_ =	shalt  }
.Lfunc_end2:
_tile_overlayer_lowered:
.L_overlay_start_2:
0x334: {  	(tag) =	ssettag $0x2  }
0x335: {  	s0 =	rddreg [dreg:$0x0];
	s2 =	stileid.u32  }
0x336: {  	s1 =	rddreg [dreg:$0x1];
	p0 =	sne.s32 s2, $0x0  }
0x337: {  	s3 =	rddreg [dreg:$0x2];
	[bflag:$0x3] =	sbarrier.arrive $0xFFFF;
	s2 =	simm.s32 @!p0 $0x1C0B  }
0x338: {  	[timem:s3], [sflag:s2] =	dma.local @!p0 [hbm:s0], s1  }
0x339: {  	s0 =	simm.s32 @!p0 $0xB  }
0x33a: {  	_ =	swait.ge @!p0 [sflag:s0], s1  }
0x33b: {  	s1 =	ssub.s32 @!p0 $0x0, s1;
	[sflag:s0] =	ssyncset.done @!p0 $0x0  }
0x33c: {  	[sflag:s0] =	ssyncadd.s32 @!p0 s1  }
0x33d: {  	[bflag:$0x3] =	sbarrier.arrive $0xFFFF  }
0x33e: {  	_ =	shalt  }

</sc_bundles>
